<compile_context>
chip_gen: v7x
topology: tpu7x:2x2x1
jax: 0.10.2.dev20260603
libtpu: 0.0.44.dev20260713+nightly
codegen_flags: <defaults>
</compile_context>

<pallas_src>
import functools

import jax
import jax.numpy as jnp
from jax import lax
from jax.experimental import pallas as pl
from jax.experimental.pallas import tpu as pltpu
from jax.experimental.pallas import tpu_sc as plsc

_CHUNK = 32
_NBUF = 2


def kernel(input_seq, weights):
    batch, seq_len = input_seq.shape
    _, emb = weights.shape

    info = plsc.get_sparse_core_info()
    num_workers = info.num_cores * info.num_subcores
    rows_per_w = seq_len // num_workers
    n_chunks = rows_per_w // _CHUNK

    mesh = plsc.VectorSubcoreMesh(core_axis_name="c", subcore_axis_name="s")

    @functools.partial(
        pl.kernel,
        out_type=jax.ShapeDtypeStruct((batch, seq_len, emb), weights.dtype),
        mesh=mesh,
        scratch_types=[
            pltpu.VMEM((_NBUF, _CHUNK, emb), jnp.float32),
            pltpu.SemaphoreType.DMA,
            pltpu.SemaphoreType.DMA,
        ],
    )
    def _bcast(w_hbm, out_hbm, buf, gsem, ssem):
        wid = lax.axis_index("s") * info.num_cores + lax.axis_index("c")
        base = wid * rows_per_w

        def gather(ci):
            return pltpu.make_async_copy(
                w_hbm.at[pl.ds(base + ci * _CHUNK, _CHUNK)],
                buf.at[ci % _NBUF],
                gsem,
            )

        def scatters(ci):
            return [
                pltpu.make_async_copy(
                    buf.at[ci % _NBUF],
                    out_hbm.at[b, pl.ds(base + ci * _CHUNK, _CHUNK)],
                    ssem,
                )
                for b in range(batch)
            ]

        gather(0).start()
        for ci in range(n_chunks):
            if ci + 1 < n_chunks:
                if ci + 1 >= _NBUF:
                    for c in scatters(ci + 1 - _NBUF):
                        c.wait()
                gather(ci + 1).start()
            gather(ci).wait()
            for c in scatters(ci):
                c.start()
        for ci in range(max(0, n_chunks - _NBUF), n_chunks):
            for c in scatters(ci):
                c.wait()

    return _bcast(weights)

# --- scband reference (transcript-rebuilt; emitter-appended) ---
"""Pipeline reference for scband-learned-positional-embedding-11854109737378 (READ-ONLY COPY).

The authoritative reference and input builder live on the scoring server;
editing this copy changes nothing except your own understanding.
"""

import jax, jax.numpy as jnp
import numpy as np

EMBEDDING_SIZE = 1024
MAX_LENGTH = 8192
BATCH = 4
SEQ_LEN = 8192

def setup_inputs(seed: int = 0) -> dict:
    key = jax.random.key(seed)
    k1, k2 = jax.random.split(key)
    input_seq = jax.random.randint(k1, (BATCH, SEQ_LEN), 0, MAX_LENGTH, dtype=jnp.int64 if jax.config.jax_enable_x64 else jnp.int32)
    weights = jax.random.normal(k2, (MAX_LENGTH, EMBEDDING_SIZE), dtype=jnp.float32)
    return {"input_seq": input_seq, "weights": weights}

def reference(input_seq, weights):
    batch_size, seq_len = input_seq.shape
    offset = 0
    positions = offset + jnp.arange(seq_len)
    pos_embeddings = jnp.take(weights, positions, axis=0)  # [seq_len, emb]
    pos_embeddings = jnp.broadcast_to(pos_embeddings[None, :, :], (batch_size, seq_len, pos_embeddings.shape[-1]))
    return pos_embeddings

if __name__ == "__main__":
    import jax
    _d = setup_inputs()
    print(jax.jit(kernel)(*tuple(_d.values())))

</pallas_src>

<mosaic_0001>
#map = affine_map<(d0, d1) -> (0, 0)>
#map1 = affine_map<(d0, d1) -> (0, 0, 0)>
module attributes {stable_mosaic.version = 14 : i64} {
  func.func @_bcast(%arg0: i32, %arg1: i32, %arg2: memref<8192x1024xf32, #tpu.memory_space<hbm>>, %arg3: memref<4x8192x1024xf32, #tpu.memory_space<hbm>>, %arg4: memref<2x32x1024xf32, #tpu.memory_space<vmem>>, %arg5: memref<!tpu.dma_semaphore, #tpu.memory_space<semaphore_mem>>, %arg6: memref<!tpu.dma_semaphore, #tpu.memory_space<semaphore_mem>>) attributes {dimension_semantics = [#tpu.dimension_semantics<core_parallel>, #tpu.dimension_semantics<subcore_parallel>], iteration_bounds = array<i64: 2, 16>, scalar_prefetch = 0 : i64, scratch_operands = 3 : i64, tpu.core_type = #tpu.core_type<sc_vector_subcore>, window_params = [{transform_indices = #map}, {transform_indices = #map1}]} {
    %mul3A = arith.constant 2 : i32
    %mul3A_0 = arith.muli %arg1, %mul3A : i32
    %add3A = arith.addi %mul3A_0, %arg0 : i32
    %mul3A_1 = arith.constant 256 : i32
    %mul3A_2 = arith.muli %add3A, %mul3A_1 : i32
    %add3A_3 = arith.constant 0 : i32
    %add3A_4 = arith.addi %mul3A_2, %add3A_3 : i32
    %dma_start3A = arith.constant 0 : i32
    %dma_start3A_5 = arith.constant 0 : i32
    %dma_start3A_6 = arith.constant 0 : i32
    %dma_start3A_7 = tpu.memref_slice %arg4[%dma_start3A, %dma_start3A_5, %dma_start3A_6] : memref<2x32x1024xf32, #tpu.memory_space<vmem>> -> memref<1x32x1024xf32, #tpu.memory_space<vmem>>
    %dma_start3A_8 = tpu.memref_squeeze %dma_start3A_7 : memref<1x32x1024xf32, #tpu.memory_space<vmem>> -> memref<32x1024xf32, #tpu.memory_space<vmem>>
    %dma_start3A_9 = arith.constant 0 : i32
    %dma_start3A_10 = tpu.memref_slice %arg2[%add3A_4, %dma_start3A_9] : memref<8192x1024xf32, #tpu.memory_space<hbm>> -> memref<32x1024xf32, #tpu.memory_space<hbm>>
    %dma_start3A_11 = arith.constant 0 : i32
    %dma_start3A_12 = arith.constant 0 : i32
    %dma_start3A_13 = tpu.memref_slice %arg4[%dma_start3A, %dma_start3A_11, %dma_start3A_12] : memref<2x32x1024xf32, #tpu.memory_space<vmem>> -> memref<1x32x1024xf32, #tpu.memory_space<vmem>>
    %dma_start3A_14 = tpu.memref_squeeze %dma_start3A_13 : memref<1x32x1024xf32, #tpu.memory_space<vmem>> -> memref<32x1024xf32, #tpu.memory_space<vmem>>
    %dma_start3A_15 = arith.constant 0 : i32
    %dma_start3A_16 = tpu.memref_slice %arg2[%add3A_4, %dma_start3A_15] : memref<8192x1024xf32, #tpu.memory_space<hbm>> -> memref<32x1024xf32, #tpu.memory_space<hbm>>
    tpu.enqueue_dma source(%dma_start3A_16 : memref<32x1024xf32, #tpu.memory_space<hbm>>) target(%dma_start3A_14 : memref<32x1024xf32, #tpu.memory_space<vmem>>) target_semaphore(%arg5 : memref<!tpu.dma_semaphore, #tpu.memory_space<semaphore_mem>>)
    %add3A_17 = arith.constant 32 : i32
    %add3A_18 = arith.addi %mul3A_2, %add3A_17 : i32
    %dma_start3A_19 = arith.constant 1 : i32
    %dma_start3A_20 = arith.constant 0 : i32
    %dma_start3A_21 = arith.constant 0 : i32
    %dma_start3A_22 = tpu.memref_slice %arg4[%dma_start3A_19, %dma_start3A_20, %dma_start3A_21] : memref<2x32x1024xf32, #tpu.memory_space<vmem>> -> memref<1x32x1024xf32, #tpu.memory_space<vmem>>
    %dma_start3A_23 = tpu.memref_squeeze %dma_start3A_22 : memref<1x32x1024xf32, #tpu.memory_space<vmem>> -> memref<32x1024xf32, #tpu.memory_space<vmem>>
    %dma_start3A_24 = arith.constant 0 : i32
    %dma_start3A_25 = tpu.memref_slice %arg2[%add3A_18, %dma_start3A_24] : memref<8192x1024xf32, #tpu.memory_space<hbm>> -> memref<32x1024xf32, #tpu.memory_space<hbm>>
    %dma_start3A_26 = arith.constant 0 : i32
    %dma_start3A_27 = arith.constant 0 : i32
    %dma_start3A_28 = tpu.memref_slice %arg4[%dma_start3A_19, %dma_start3A_26, %dma_start3A_27] : memref<2x32x1024xf32, #tpu.memory_space<vmem>> -> memref<1x32x1024xf32, #tpu.memory_space<vmem>>
    %dma_start3A_29 = tpu.memref_squeeze %dma_start3A_28 : memref<1x32x1024xf32, #tpu.memory_space<vmem>> -> memref<32x1024xf32, #tpu.memory_space<vmem>>
    %dma_start3A_30 = arith.constant 0 : i32
    %dma_start3A_31 = tpu.memref_slice %arg2[%add3A_18, %dma_start3A_30] : memref<8192x1024xf32, #tpu.memory_space<hbm>> -> memref<32x1024xf32, #tpu.memory_space<hbm>>
    tpu.enqueue_dma source(%dma_start3A_31 : memref<32x1024xf32, #tpu.memory_space<hbm>>) target(%dma_start3A_29 : memref<32x1024xf32, #tpu.memory_space<vmem>>) target_semaphore(%arg5 : memref<!tpu.dma_semaphore, #tpu.memory_space<semaphore_mem>>)
    %add3A_32 = arith.constant 0 : i32
    %add3A_33 = arith.addi %mul3A_2, %add3A_32 : i32
    %dma_wait3A = arith.constant 0 : i32
    %dma_wait3A_34 = arith.constant 0 : i32
    %dma_wait3A_35 = arith.constant 0 : i32
    %dma_wait3A_36 = tpu.memref_slice %arg4[%dma_wait3A, %dma_wait3A_34, %dma_wait3A_35] : memref<2x32x1024xf32, #tpu.memory_space<vmem>> -> memref<1x32x1024xf32, #tpu.memory_space<vmem>>
    %dma_wait3A_37 = tpu.memref_squeeze %dma_wait3A_36 : memref<1x32x1024xf32, #tpu.memory_space<vmem>> -> memref<32x1024xf32, #tpu.memory_space<vmem>>
    %dma_wait3A_38 = arith.constant 0 : i32
    %dma_wait3A_39 = tpu.memref_slice %arg2[%add3A_33, %dma_wait3A_38] : memref<8192x1024xf32, #tpu.memory_space<hbm>> -> memref<32x1024xf32, #tpu.memory_space<hbm>>
    %dma_wait3A_40 = arith.constant 0 : i32
    %dma_wait3A_41 = arith.constant 0 : i32
    %dma_wait3A_42 = tpu.memref_slice %arg4[%dma_wait3A, %dma_wait3A_40, %dma_wait3A_41] : memref<2x32x1024xf32, #tpu.memory_space<vmem>> -> memref<1x32x1024xf32, #tpu.memory_space<vmem>>
    %dma_wait3A_43 = tpu.memref_squeeze %dma_wait3A_42 : memref<1x32x1024xf32, #tpu.memory_space<vmem>> -> memref<32x1024xf32, #tpu.memory_space<vmem>>
    %dma_wait3A_44 = arith.constant 0 : i32
    %dma_wait3A_45 = tpu.memref_slice %arg2[%add3A_33, %dma_wait3A_44] : memref<8192x1024xf32, #tpu.memory_space<hbm>> -> memref<32x1024xf32, #tpu.memory_space<hbm>>
    tpu.wait_dma2 semaphore(%arg5 : memref<!tpu.dma_semaphore, #tpu.memory_space<semaphore_mem>>) src(%dma_wait3A_45 : memref<32x1024xf32, #tpu.memory_space<hbm>>) dst(%dma_wait3A_43 : memref<32x1024xf32, #tpu.memory_space<vmem>>)
    %add3A_46 = arith.constant 0 : i32
    %add3A_47 = arith.addi %mul3A_2, %add3A_46 : i32
    %add3A_48 = arith.constant 0 : i32
    %add3A_49 = arith.addi %mul3A_2, %add3A_48 : i32
    %add3A_50 = arith.constant 0 : i32
    %add3A_51 = arith.addi %mul3A_2, %add3A_50 : i32
    %add3A_52 = arith.constant 0 : i32
    %add3A_53 = arith.addi %mul3A_2, %add3A_52 : i32
    %dma_start3A_54 = arith.constant 0 : i32
    %dma_start3A_55 = arith.constant 0 : i32
    %dma_start3A_56 = arith.constant 0 : i32
    %dma_start3A_57 = arith.constant 0 : i32
    %dma_start3A_58 = tpu.memref_slice %arg4[%dma_start3A_54, %dma_start3A_56, %dma_start3A_57] : memref<2x32x1024xf32, #tpu.memory_space<vmem>> -> memref<1x32x1024xf32, #tpu.memory_space<vmem>>
    %dma_start3A_59 = tpu.memref_squeeze %dma_start3A_58 : memref<1x32x1024xf32, #tpu.memory_space<vmem>> -> memref<32x1024xf32, #tpu.memory_space<vmem>>
    %dma_start3A_60 = arith.constant 0 : i32
    %dma_start3A_61 = tpu.memref_slice %arg3[%dma_start3A_55, %add3A_47, %dma_start3A_60] : memref<4x8192x1024xf32, #tpu.memory_space<hbm>> -> memref<1x32x1024xf32, #tpu.memory_space<hbm>>
    %dma_start3A_62 = tpu.memref_squeeze %dma_start3A_61 : memref<1x32x1024xf32, #tpu.memory_space<hbm>> -> memref<32x1024xf32, #tpu.memory_space<hbm>>
    %dma_start3A_63 = arith.constant 0 : i32
    %dma_start3A_64 = tpu.memref_slice %arg3[%dma_start3A_55, %add3A_47, %dma_start3A_63] : memref<4x8192x1024xf32, #tpu.memory_space<hbm>> -> memref<1x32x1024xf32, #tpu.memory_space<hbm>>
    %dma_start3A_65 = tpu.memref_squeeze %dma_start3A_64 : memref<1x32x1024xf32, #tpu.memory_space<hbm>> -> memref<32x1024xf32, #tpu.memory_space<hbm>>
    %dma_start3A_66 = arith.constant 0 : i32
    %dma_start3A_67 = arith.constant 0 : i32
    %dma_start3A_68 = tpu.memref_slice %arg4[%dma_start3A_54, %dma_start3A_66, %dma_start3A_67] : memref<2x32x1024xf32, #tpu.memory_space<vmem>> -> memref<1x32x1024xf32, #tpu.memory_space<vmem>>
    %dma_start3A_69 = tpu.memref_squeeze %dma_start3A_68 : memref<1x32x1024xf32, #tpu.memory_space<vmem>> -> memref<32x1024xf32, #tpu.memory_space<vmem>>
    tpu.enqueue_dma source(%dma_start3A_69 : memref<32x1024xf32, #tpu.memory_space<vmem>>) target(%dma_start3A_65 : memref<32x1024xf32, #tpu.memory_space<hbm>>) target_semaphore(%arg6 : memref<!tpu.dma_semaphore, #tpu.memory_space<semaphore_mem>>)
    %dma_start3A_70 = arith.constant 0 : i32
    %dma_start3A_71 = arith.constant 1 : i32
    %dma_start3A_72 = arith.constant 0 : i32
    %dma_start3A_73 = arith.constant 0 : i32
    %dma_start3A_74 = tpu.memref_slice %arg4[%dma_start3A_70, %dma_start3A_72, %dma_start3A_73] : memref<2x32x1024xf32, #tpu.memory_space<vmem>> -> memref<1x32x1024xf32, #tpu.memory_space<vmem>>
    %dma_start3A_75 = tpu.memref_squeeze %dma_start3A_74 : memref<1x32x1024xf32, #tpu.memory_space<vmem>> -> memref<32x1024xf32, #tpu.memory_space<vmem>>
    %dma_start3A_76 = arith.constant 0 : i32
    %dma_start3A_77 = tpu.memref_slice %arg3[%dma_start3A_71, %add3A_49, %dma_start3A_76] : memref<4x8192x1024xf32, #tpu.memory_space<hbm>> -> memref<1x32x1024xf32, #tpu.memory_space<hbm>>
    %dma_start3A_78 = tpu.memref_squeeze %dma_start3A_77 : memref<1x32x1024xf32, #tpu.memory_space<hbm>> -> memref<32x1024xf32, #tpu.memory_space<hbm>>
    %dma_start3A_79 = arith.constant 0 : i32
    %dma_start3A_80 = tpu.memref_slice %arg3[%dma_start3A_71, %add3A_49, %dma_start3A_79] : memref<4x8192x1024xf32, #tpu.memory_space<hbm>> -> memref<1x32x1024xf32, #tpu.memory_space<hbm>>
    %dma_start3A_81 = tpu.memref_squeeze %dma_start3A_80 : memref<1x32x1024xf32, #tpu.memory_space<hbm>> -> memref<32x1024xf32, #tpu.memory_space<hbm>>
    %dma_start3A_82 = arith.constant 0 : i32
    %dma_start3A_83 = arith.constant 0 : i32
    %dma_start3A_84 = tpu.memref_slice %arg4[%dma_start3A_70, %dma_start3A_82, %dma_start3A_83] : memref<2x32x1024xf32, #tpu.memory_space<vmem>> -> memref<1x32x1024xf32, #tpu.memory_space<vmem>>
    %dma_start3A_85 = tpu.memref_squeeze %dma_start3A_84 : memref<1x32x1024xf32, #tpu.memory_space<vmem>> -> memref<32x1024xf32, #tpu.memory_space<vmem>>
    tpu.enqueue_dma source(%dma_start3A_85 : memref<32x1024xf32, #tpu.memory_space<vmem>>) target(%dma_start3A_81 : memref<32x1024xf32, #tpu.memory_space<hbm>>) target_semaphore(%arg6 : memref<!tpu.dma_semaphore, #tpu.memory_space<semaphore_mem>>)
    %dma_start3A_86 = arith.constant 0 : i32
    %dma_start3A_87 = arith.constant 2 : i32
    %dma_start3A_88 = arith.constant 0 : i32
    %dma_start3A_89 = arith.constant 0 : i32
    %dma_start3A_90 = tpu.memref_slice %arg4[%dma_start3A_86, %dma_start3A_88, %dma_start3A_89] : memref<2x32x1024xf32, #tpu.memory_space<vmem>> -> memref<1x32x1024xf32, #tpu.memory_space<vmem>>
    %dma_start3A_91 = tpu.memref_squeeze %dma_start3A_90 : memref<1x32x1024xf32, #tpu.memory_space<vmem>> -> memref<32x1024xf32, #tpu.memory_space<vmem>>
    %dma_start3A_92 = arith.constant 0 : i32
    %dma_start3A_93 = tpu.memref_slice %arg3[%dma_start3A_87, %add3A_51, %dma_start3A_92] : memref<4x8192x1024xf32, #tpu.memory_space<hbm>> -> memref<1x32x1024xf32, #tpu.memory_space<hbm>>
    %dma_start3A_94 = tpu.memref_squeeze %dma_start3A_93 : memref<1x32x1024xf32, #tpu.memory_space<hbm>> -> memref<32x1024xf32, #tpu.memory_space<hbm>>
    %dma_start3A_95 = arith.constant 0 : i32
    %dma_start3A_96 = tpu.memref_slice %arg3[%dma_start3A_87, %add3A_51, %dma_start3A_95] : memref<4x8192x1024xf32, #tpu.memory_space<hbm>> -> memref<1x32x1024xf32, #tpu.memory_space<hbm>>
    %dma_start3A_97 = tpu.memref_squeeze %dma_start3A_96 : memref<1x32x1024xf32, #tpu.memory_space<hbm>> -> memref<32x1024xf32, #tpu.memory_space<hbm>>
    %dma_start3A_98 = arith.constant 0 : i32
    %dma_start3A_99 = arith.constant 0 : i32
    %dma_start3A_100 = tpu.memref_slice %arg4[%dma_start3A_86, %dma_start3A_98, %dma_start3A_99] : memref<2x32x1024xf32, #tpu.memory_space<vmem>> -> memref<1x32x1024xf32, #tpu.memory_space<vmem>>
    %dma_start3A_101 = tpu.memref_squeeze %dma_start3A_100 : memref<1x32x1024xf32, #tpu.memory_space<vmem>> -> memref<32x1024xf32, #tpu.memory_space<vmem>>
    tpu.enqueue_dma source(%dma_start3A_101 : memref<32x1024xf32, #tpu.memory_space<vmem>>) target(%dma_start3A_97 : memref<32x1024xf32, #tpu.memory_space<hbm>>) target_semaphore(%arg6 : memref<!tpu.dma_semaphore, #tpu.memory_space<semaphore_mem>>)
    %dma_start3A_102 = arith.constant 0 : i32
    %dma_start3A_103 = arith.constant 3 : i32
    %dma_start3A_104 = arith.constant 0 : i32
    %dma_start3A_105 = arith.constant 0 : i32
    %dma_start3A_106 = tpu.memref_slice %arg4[%dma_start3A_102, %dma_start3A_104, %dma_start3A_105] : memref<2x32x1024xf32, #tpu.memory_space<vmem>> -> memref<1x32x1024xf32, #tpu.memory_space<vmem>>
    %dma_start3A_107 = tpu.memref_squeeze %dma_start3A_106 : memref<1x32x1024xf32, #tpu.memory_space<vmem>> -> memref<32x1024xf32, #tpu.memory_space<vmem>>
    %dma_start3A_108 = arith.constant 0 : i32
    %dma_start3A_109 = tpu.memref_slice %arg3[%dma_start3A_103, %add3A_53, %dma_start3A_108] : memref<4x8192x1024xf32, #tpu.memory_space<hbm>> -> memref<1x32x1024xf32, #tpu.memory_space<hbm>>
    %dma_start3A_110 = tpu.memref_squeeze %dma_start3A_109 : memref<1x32x1024xf32, #tpu.memory_space<hbm>> -> memref<32x1024xf32, #tpu.memory_space<hbm>>
    %dma_start3A_111 = arith.constant 0 : i32
    %dma_start3A_112 = tpu.memref_slice %arg3[%dma_start3A_103, %add3A_53, %dma_start3A_111] : memref<4x8192x1024xf32, #tpu.memory_space<hbm>> -> memref<1x32x1024xf32, #tpu.memory_space<hbm>>
    %dma_start3A_113 = tpu.memref_squeeze %dma_start3A_112 : memref<1x32x1024xf32, #tpu.memory_space<hbm>> -> memref<32x1024xf32, #tpu.memory_space<hbm>>
    %dma_start3A_114 = arith.constant 0 : i32
    %dma_start3A_115 = arith.constant 0 : i32
    %dma_start3A_116 = tpu.memref_slice %arg4[%dma_start3A_102, %dma_start3A_114, %dma_start3A_115] : memref<2x32x1024xf32, #tpu.memory_space<vmem>> -> memref<1x32x1024xf32, #tpu.memory_space<vmem>>
    %dma_start3A_117 = tpu.memref_squeeze %dma_start3A_116 : memref<1x32x1024xf32, #tpu.memory_space<vmem>> -> memref<32x1024xf32, #tpu.memory_space<vmem>>
    tpu.enqueue_dma source(%dma_start3A_117 : memref<32x1024xf32, #tpu.memory_space<vmem>>) target(%dma_start3A_113 : memref<32x1024xf32, #tpu.memory_space<hbm>>) target_semaphore(%arg6 : memref<!tpu.dma_semaphore, #tpu.memory_space<semaphore_mem>>)
    %add3A_118 = arith.constant 0 : i32
    %add3A_119 = arith.addi %mul3A_2, %add3A_118 : i32
    %add3A_120 = arith.constant 0 : i32
    %add3A_121 = arith.addi %mul3A_2, %add3A_120 : i32
    %add3A_122 = arith.constant 0 : i32
    %add3A_123 = arith.addi %mul3A_2, %add3A_122 : i32
    %add3A_124 = arith.constant 0 : i32
    %add3A_125 = arith.addi %mul3A_2, %add3A_124 : i32
    %dma_wait3A_126 = arith.constant 0 : i32
    %dma_wait3A_127 = arith.constant 0 : i32
    %dma_wait3A_128 = arith.constant 0 : i32
    %dma_wait3A_129 = arith.constant 0 : i32
    %dma_wait3A_130 = tpu.memref_slice %arg4[%dma_wait3A_126, %dma_wait3A_128, %dma_wait3A_129] : memref<2x32x1024xf32, #tpu.memory_space<vmem>> -> memref<1x32x1024xf32, #tpu.memory_space<vmem>>
    %dma_wait3A_131 = tpu.memref_squeeze %dma_wait3A_130 : memref<1x32x1024xf32, #tpu.memory_space<vmem>> -> memref<32x1024xf32, #tpu.memory_space<vmem>>
    %dma_wait3A_132 = arith.constant 0 : i32
    %dma_wait3A_133 = tpu.memref_slice %arg3[%dma_wait3A_127, %add3A_119, %dma_wait3A_132] : memref<4x8192x1024xf32, #tpu.memory_space<hbm>> -> memref<1x32x1024xf32, #tpu.memory_space<hbm>>
    %dma_wait3A_134 = tpu.memref_squeeze %dma_wait3A_133 : memref<1x32x1024xf32, #tpu.memory_space<hbm>> -> memref<32x1024xf32, #tpu.memory_space<hbm>>
    %dma_wait3A_135 = arith.constant 0 : i32
    %dma_wait3A_136 = tpu.memref_slice %arg3[%dma_wait3A_127, %add3A_119, %dma_wait3A_135] : memref<4x8192x1024xf32, #tpu.memory_space<hbm>> -> memref<1x32x1024xf32, #tpu.memory_space<hbm>>
    %dma_wait3A_137 = tpu.memref_squeeze %dma_wait3A_136 : memref<1x32x1024xf32, #tpu.memory_space<hbm>> -> memref<32x1024xf32, #tpu.memory_space<hbm>>
    %dma_wait3A_138 = arith.constant 0 : i32
    %dma_wait3A_139 = arith.constant 0 : i32
    %dma_wait3A_140 = tpu.memref_slice %arg4[%dma_wait3A_126, %dma_wait3A_138, %dma_wait3A_139] : memref<2x32x1024xf32, #tpu.memory_space<vmem>> -> memref<1x32x1024xf32, #tpu.memory_space<vmem>>
    %dma_wait3A_141 = tpu.memref_squeeze %dma_wait3A_140 : memref<1x32x1024xf32, #tpu.memory_space<vmem>> -> memref<32x1024xf32, #tpu.memory_space<vmem>>
    tpu.wait_dma2 semaphore(%arg6 : memref<!tpu.dma_semaphore, #tpu.memory_space<semaphore_mem>>) src(%dma_wait3A_141 : memref<32x1024xf32, #tpu.memory_space<vmem>>) dst(%dma_wait3A_137 : memref<32x1024xf32, #tpu.memory_space<hbm>>)
    %dma_wait3A_142 = arith.constant 0 : i32
    %dma_wait3A_143 = arith.constant 1 : i32
    %dma_wait3A_144 = arith.constant 0 : i32
    %dma_wait3A_145 = arith.constant 0 : i32
    %dma_wait3A_146 = tpu.memref_slice %arg4[%dma_wait3A_142, %dma_wait3A_144, %dma_wait3A_145] : memref<2x32x1024xf32, #tpu.memory_space<vmem>> -> memref<1x32x1024xf32, #tpu.memory_space<vmem>>
    %dma_wait3A_147 = tpu.memref_squeeze %dma_wait3A_146 : memref<1x32x1024xf32, #tpu.memory_space<vmem>> -> memref<32x1024xf32, #tpu.memory_space<vmem>>
    %dma_wait3A_148 = arith.constant 0 : i32
    %dma_wait3A_149 = tpu.memref_slice %arg3[%dma_wait3A_143, %add3A_121, %dma_wait3A_148] : memref<4x8192x1024xf32, #tpu.memory_space<hbm>> -> memref<1x32x1024xf32, #tpu.memory_space<hbm>>
    %dma_wait3A_150 = tpu.memref_squeeze %dma_wait3A_149 : memref<1x32x1024xf32, #tpu.memory_space<hbm>> -> memref<32x1024xf32, #tpu.memory_space<hbm>>
    %dma_wait3A_151 = arith.constant 0 : i32
    %dma_wait3A_152 = tpu.memref_slice %arg3[%dma_wait3A_143, %add3A_121, %dma_wait3A_151] : memref<4x8192x1024xf32, #tpu.memory_space<hbm>> -> memref<1x32x1024xf32, #tpu.memory_space<hbm>>
    %dma_wait3A_153 = tpu.memref_squeeze %dma_wait3A_152 : memref<1x32x1024xf32, #tpu.memory_space<hbm>> -> memref<32x1024xf32, #tpu.memory_space<hbm>>
    %dma_wait3A_154 = arith.constant 0 : i32
    %dma_wait3A_155 = arith.constant 0 : i32
    %dma_wait3A_156 = tpu.memref_slice %arg4[%dma_wait3A_142, %dma_wait3A_154, %dma_wait3A_155] : memref<2x32x1024xf32, #tpu.memory_space<vmem>> -> memref<1x32x1024xf32, #tpu.memory_space<vmem>>
    %dma_wait3A_157 = tpu.memref_squeeze %dma_wait3A_156 : memref<1x32x1024xf32, #tpu.memory_space<vmem>> -> memref<32x1024xf32, #tpu.memory_space<vmem>>
    tpu.wait_dma2 semaphore(%arg6 : memref<!tpu.dma_semaphore, #tpu.memory_space<semaphore_mem>>) src(%dma_wait3A_157 : memref<32x1024xf32, #tpu.memory_space<vmem>>) dst(%dma_wait3A_153 : memref<32x1024xf32, #tpu.memory_space<hbm>>)
    %dma_wait3A_158 = arith.constant 0 : i32
    %dma_wait3A_159 = arith.constant 2 : i32
    %dma_wait3A_160 = arith.constant 0 : i32
    %dma_wait3A_161 = arith.constant 0 : i32
    %dma_wait3A_162 = tpu.memref_slice %arg4[%dma_wait3A_158, %dma_wait3A_160, %dma_wait3A_161] : memref<2x32x1024xf32, #tpu.memory_space<vmem>> -> memref<1x32x1024xf32, #tpu.memory_space<vmem>>
    %dma_wait3A_163 = tpu.memref_squeeze %dma_wait3A_162 : memref<1x32x1024xf32, #tpu.memory_space<vmem>> -> memref<32x1024xf32, #tpu.memory_space<vmem>>
    %dma_wait3A_164 = arith.constant 0 : i32
    %dma_wait3A_165 = tpu.memref_slice %arg3[%dma_wait3A_159, %add3A_123, %dma_wait3A_164] : memref<4x8192x1024xf32, #tpu.memory_space<hbm>> -> memref<1x32x1024xf32, #tpu.memory_space<hbm>>
    %dma_wait3A_166 = tpu.memref_squeeze %dma_wait3A_165 : memref<1x32x1024xf32, #tpu.memory_space<hbm>> -> memref<32x1024xf32, #tpu.memory_space<hbm>>
    %dma_wait3A_167 = arith.constant 0 : i32
    %dma_wait3A_168 = tpu.memref_slice %arg3[%dma_wait3A_159, %add3A_123, %dma_wait3A_167] : memref<4x8192x1024xf32, #tpu.memory_space<hbm>> -> memref<1x32x1024xf32, #tpu.memory_space<hbm>>
    %dma_wait3A_169 = tpu.memref_squeeze %dma_wait3A_168 : memref<1x32x1024xf32, #tpu.memory_space<hbm>> -> memref<32x1024xf32, #tpu.memory_space<hbm>>
    %dma_wait3A_170 = arith.constant 0 : i32
    %dma_wait3A_171 = arith.constant 0 : i32
    %dma_wait3A_172 = tpu.memref_slice %arg4[%dma_wait3A_158, %dma_wait3A_170, %dma_wait3A_171] : memref<2x32x1024xf32, #tpu.memory_space<vmem>> -> memref<1x32x1024xf32, #tpu.memory_space<vmem>>
    %dma_wait3A_173 = tpu.memref_squeeze %dma_wait3A_172 : memref<1x32x1024xf32, #tpu.memory_space<vmem>> -> memref<32x1024xf32, #tpu.memory_space<vmem>>
    tpu.wait_dma2 semaphore(%arg6 : memref<!tpu.dma_semaphore, #tpu.memory_space<semaphore_mem>>) src(%dma_wait3A_173 : memref<32x1024xf32, #tpu.memory_space<vmem>>) dst(%dma_wait3A_169 : memref<32x1024xf32, #tpu.memory_space<hbm>>)
    %dma_wait3A_174 = arith.constant 0 : i32
    %dma_wait3A_175 = arith.constant 3 : i32
    %dma_wait3A_176 = arith.constant 0 : i32
    %dma_wait3A_177 = arith.constant 0 : i32
    %dma_wait3A_178 = tpu.memref_slice %arg4[%dma_wait3A_174, %dma_wait3A_176, %dma_wait3A_177] : memref<2x32x1024xf32, #tpu.memory_space<vmem>> -> memref<1x32x1024xf32, #tpu.memory_space<vmem>>
    %dma_wait3A_179 = tpu.memref_squeeze %dma_wait3A_178 : memref<1x32x1024xf32, #tpu.memory_space<vmem>> -> memref<32x1024xf32, #tpu.memory_space<vmem>>
    %dma_wait3A_180 = arith.constant 0 : i32
    %dma_wait3A_181 = tpu.memref_slice %arg3[%dma_wait3A_175, %add3A_125, %dma_wait3A_180] : memref<4x8192x1024xf32, #tpu.memory_space<hbm>> -> memref<1x32x1024xf32, #tpu.memory_space<hbm>>
    %dma_wait3A_182 = tpu.memref_squeeze %dma_wait3A_181 : memref<1x32x1024xf32, #tpu.memory_space<hbm>> -> memref<32x1024xf32, #tpu.memory_space<hbm>>
    %dma_wait3A_183 = arith.constant 0 : i32
    %dma_wait3A_184 = tpu.memref_slice %arg3[%dma_wait3A_175, %add3A_125, %dma_wait3A_183] : memref<4x8192x1024xf32, #tpu.memory_space<hbm>> -> memref<1x32x1024xf32, #tpu.memory_space<hbm>>
    %dma_wait3A_185 = tpu.memref_squeeze %dma_wait3A_184 : memref<1x32x1024xf32, #tpu.memory_space<hbm>> -> memref<32x1024xf32, #tpu.memory_space<hbm>>
    %dma_wait3A_186 = arith.constant 0 : i32
    %dma_wait3A_187 = arith.constant 0 : i32
    %dma_wait3A_188 = tpu.memref_slice %arg4[%dma_wait3A_174, %dma_wait3A_186, %dma_wait3A_187] : memref<2x32x1024xf32, #tpu.memory_space<vmem>> -> memref<1x32x1024xf32, #tpu.memory_space<vmem>>
    %dma_wait3A_189 = tpu.memref_squeeze %dma_wait3A_188 : memref<1x32x1024xf32, #tpu.memory_space<vmem>> -> memref<32x1024xf32, #tpu.memory_space<vmem>>
    tpu.wait_dma2 semaphore(%arg6 : memref<!tpu.dma_semaphore, #tpu.memory_space<semaphore_mem>>) src(%dma_wait3A_189 : memref<32x1024xf32, #tpu.memory_space<vmem>>) dst(%dma_wait3A_185 : memref<32x1024xf32, #tpu.memory_space<hbm>>)
    %add3A_190 = arith.constant 64 : i32
    %add3A_191 = arith.addi %mul3A_2, %add3A_190 : i32
    %dma_start3A_192 = arith.constant 0 : i32
    %dma_start3A_193 = arith.constant 0 : i32
    %dma_start3A_194 = arith.constant 0 : i32
    %dma_start3A_195 = tpu.memref_slice %arg4[%dma_start3A_192, %dma_start3A_193, %dma_start3A_194] : memref<2x32x1024xf32, #tpu.memory_space<vmem>> -> memref<1x32x1024xf32, #tpu.memory_space<vmem>>
    %dma_start3A_196 = tpu.memref_squeeze %dma_start3A_195 : memref<1x32x1024xf32, #tpu.memory_space<vmem>> -> memref<32x1024xf32, #tpu.memory_space<vmem>>
    %dma_start3A_197 = arith.constant 0 : i32
    %dma_start3A_198 = tpu.memref_slice %arg2[%add3A_191, %dma_start3A_197] : memref<8192x1024xf32, #tpu.memory_space<hbm>> -> memref<32x1024xf32, #tpu.memory_space<hbm>>
    %dma_start3A_199 = arith.constant 0 : i32
    %dma_start3A_200 = arith.constant 0 : i32
    %dma_start3A_201 = tpu.memref_slice %arg4[%dma_start3A_192, %dma_start3A_199, %dma_start3A_200] : memref<2x32x1024xf32, #tpu.memory_space<vmem>> -> memref<1x32x1024xf32, #tpu.memory_space<vmem>>
    %dma_start3A_202 = tpu.memref_squeeze %dma_start3A_201 : memref<1x32x1024xf32, #tpu.memory_space<vmem>> -> memref<32x1024xf32, #tpu.memory_space<vmem>>
    %dma_start3A_203 = arith.constant 0 : i32
    %dma_start3A_204 = tpu.memref_slice %arg2[%add3A_191, %dma_start3A_203] : memref<8192x1024xf32, #tpu.memory_space<hbm>> -> memref<32x1024xf32, #tpu.memory_space<hbm>>
    tpu.enqueue_dma source(%dma_start3A_204 : memref<32x1024xf32, #tpu.memory_space<hbm>>) target(%dma_start3A_202 : memref<32x1024xf32, #tpu.memory_space<vmem>>) target_semaphore(%arg5 : memref<!tpu.dma_semaphore, #tpu.memory_space<semaphore_mem>>)
    %add3A_205 = arith.constant 32 : i32
    %add3A_206 = arith.addi %mul3A_2, %add3A_205 : i32
    %dma_wait3A_207 = arith.constant 1 : i32
    %dma_wait3A_208 = arith.constant 0 : i32
    %dma_wait3A_209 = arith.constant 0 : i32
    %dma_wait3A_210 = tpu.memref_slice %arg4[%dma_wait3A_207, %dma_wait3A_208, %dma_wait3A_209] : memref<2x32x1024xf32, #tpu.memory_space<vmem>> -> memref<1x32x1024xf32, #tpu.memory_space<vmem>>
    %dma_wait3A_211 = tpu.memref_squeeze %dma_wait3A_210 : memref<1x32x1024xf32, #tpu.memory_space<vmem>> -> memref<32x1024xf32, #tpu.memory_space<vmem>>
    %dma_wait3A_212 = arith.constant 0 : i32
    %dma_wait3A_213 = tpu.memref_slice %arg2[%add3A_206, %dma_wait3A_212] : memref<8192x1024xf32, #tpu.memory_space<hbm>> -> memref<32x1024xf32, #tpu.memory_space<hbm>>
    %dma_wait3A_214 = arith.constant 0 : i32
    %dma_wait3A_215 = arith.constant 0 : i32
    %dma_wait3A_216 = tpu.memref_slice %arg4[%dma_wait3A_207, %dma_wait3A_214, %dma_wait3A_215] : memref<2x32x1024xf32, #tpu.memory_space<vmem>> -> memref<1x32x1024xf32, #tpu.memory_space<vmem>>
    %dma_wait3A_217 = tpu.memref_squeeze %dma_wait3A_216 : memref<1x32x1024xf32, #tpu.memory_space<vmem>> -> memref<32x1024xf32, #tpu.memory_space<vmem>>
    %dma_wait3A_218 = arith.constant 0 : i32
    %dma_wait3A_219 = tpu.memref_slice %arg2[%add3A_206, %dma_wait3A_218] : memref<8192x1024xf32, #tpu.memory_space<hbm>> -> memref<32x1024xf32, #tpu.memory_space<hbm>>
    tpu.wait_dma2 semaphore(%arg5 : memref<!tpu.dma_semaphore, #tpu.memory_space<semaphore_mem>>) src(%dma_wait3A_219 : memref<32x1024xf32, #tpu.memory_space<hbm>>) dst(%dma_wait3A_217 : memref<32x1024xf32, #tpu.memory_space<vmem>>)
    %add3A_220 = arith.constant 32 : i32
    %add3A_221 = arith.addi %mul3A_2, %add3A_220 : i32
    %add3A_222 = arith.constant 32 : i32
    %add3A_223 = arith.addi %mul3A_2, %add3A_222 : i32
    %add3A_224 = arith.constant 32 : i32
    %add3A_225 = arith.addi %mul3A_2, %add3A_224 : i32
    %add3A_226 = arith.constant 32 : i32
    %add3A_227 = arith.addi %mul3A_2, %add3A_226 : i32
    %dma_start3A_228 = arith.constant 1 : i32
    %dma_start3A_229 = arith.constant 0 : i32
    %dma_start3A_230 = arith.constant 0 : i32
    %dma_start3A_231 = arith.constant 0 : i32
    %dma_start3A_232 = tpu.memref_slice %arg4[%dma_start3A_228, %dma_start3A_230, %dma_start3A_231] : memref<2x32x1024xf32, #tpu.memory_space<vmem>> -> memref<1x32x1024xf32, #tpu.memory_space<vmem>>
    %dma_start3A_233 = tpu.memref_squeeze %dma_start3A_232 : memref<1x32x1024xf32, #tpu.memory_space<vmem>> -> memref<32x1024xf32, #tpu.memory_space<vmem>>
    %dma_start3A_234 = arith.constant 0 : i32
    %dma_start3A_235 = tpu.memref_slice %arg3[%dma_start3A_229, %add3A_221, %dma_start3A_234] : memref<4x8192x1024xf32, #tpu.memory_space<hbm>> -> memref<1x32x1024xf32, #tpu.memory_space<hbm>>
    %dma_start3A_236 = tpu.memref_squeeze %dma_start3A_235 : memref<1x32x1024xf32, #tpu.memory_space<hbm>> -> memref<32x1024xf32, #tpu.memory_space<hbm>>
    %dma_start3A_237 = arith.constant 0 : i32
    %dma_start3A_238 = tpu.memref_slice %arg3[%dma_start3A_229, %add3A_221, %dma_start3A_237] : memref<4x8192x1024xf32, #tpu.memory_space<hbm>> -> memref<1x32x1024xf32, #tpu.memory_space<hbm>>
    %dma_start3A_239 = tpu.memref_squeeze %dma_start3A_238 : memref<1x32x1024xf32, #tpu.memory_space<hbm>> -> memref<32x1024xf32, #tpu.memory_space<hbm>>
    %dma_start3A_240 = arith.constant 0 : i32
    %dma_start3A_241 = arith.constant 0 : i32
    %dma_start3A_242 = tpu.memref_slice %arg4[%dma_start3A_228, %dma_start3A_240, %dma_start3A_241] : memref<2x32x1024xf32, #tpu.memory_space<vmem>> -> memref<1x32x1024xf32, #tpu.memory_space<vmem>>
    %dma_start3A_243 = tpu.memref_squeeze %dma_start3A_242 : memref<1x32x1024xf32, #tpu.memory_space<vmem>> -> memref<32x1024xf32, #tpu.memory_space<vmem>>
    tpu.enqueue_dma source(%dma_start3A_243 : memref<32x1024xf32, #tpu.memory_space<vmem>>) target(%dma_start3A_239 : memref<32x1024xf32, #tpu.memory_space<hbm>>) target_semaphore(%arg6 : memref<!tpu.dma_semaphore, #tpu.memory_space<semaphore_mem>>)
    %dma_start3A_244 = arith.constant 1 : i32
    %dma_start3A_245 = arith.constant 1 : i32
    %dma_start3A_246 = arith.constant 0 : i32
    %dma_start3A_247 = arith.constant 0 : i32
    %dma_start3A_248 = tpu.memref_slice %arg4[%dma_start3A_244, %dma_start3A_246, %dma_start3A_247] : memref<2x32x1024xf32, #tpu.memory_space<vmem>> -> memref<1x32x1024xf32, #tpu.memory_space<vmem>>
    %dma_start3A_249 = tpu.memref_squeeze %dma_start3A_248 : memref<1x32x1024xf32, #tpu.memory_space<vmem>> -> memref<32x1024xf32, #tpu.memory_space<vmem>>
    %dma_start3A_250 = arith.constant 0 : i32
    %dma_start3A_251 = tpu.memref_slice %arg3[%dma_start3A_245, %add3A_223, %dma_start3A_250] : memref<4x8192x1024xf32, #tpu.memory_space<hbm>> -> memref<1x32x1024xf32, #tpu.memory_space<hbm>>
    %dma_start3A_252 = tpu.memref_squeeze %dma_start3A_251 : memref<1x32x1024xf32, #tpu.memory_space<hbm>> -> memref<32x1024xf32, #tpu.memory_space<hbm>>
    %dma_start3A_253 = arith.constant 0 : i32
    %dma_start3A_254 = tpu.memref_slice %arg3[%dma_start3A_245, %add3A_223, %dma_start3A_253] : memref<4x8192x1024xf32, #tpu.memory_space<hbm>> -> memref<1x32x1024xf32, #tpu.memory_space<hbm>>
    %dma_start3A_255 = tpu.memref_squeeze %dma_start3A_254 : memref<1x32x1024xf32, #tpu.memory_space<hbm>> -> memref<32x1024xf32, #tpu.memory_space<hbm>>
    %dma_start3A_256 = arith.constant 0 : i32
    %dma_start3A_257 = arith.constant 0 : i32
    %dma_start3A_258 = tpu.memref_slice %arg4[%dma_start3A_244, %dma_start3A_256, %dma_start3A_257] : memref<2x32x1024xf32, #tpu.memory_space<vmem>> -> memref<1x32x1024xf32, #tpu.memory_space<vmem>>
    %dma_start3A_259 = tpu.memref_squeeze %dma_start3A_258 : memref<1x32x1024xf32, #tpu.memory_space<vmem>> -> memref<32x1024xf32, #tpu.memory_space<vmem>>
    tpu.enqueue_dma source(%dma_start3A_259 : memref<32x1024xf32, #tpu.memory_space<vmem>>) target(%dma_start3A_255 : memref<32x1024xf32, #tpu.memory_space<hbm>>) target_semaphore(%arg6 : memref<!tpu.dma_semaphore, #tpu.memory_space<semaphore_mem>>)
    %dma_start3A_260 = arith.constant 1 : i32
    %dma_start3A_261 = arith.constant 2 : i32
    %dma_start3A_262 = arith.constant 0 : i32
    %dma_start3A_263 = arith.constant 0 : i32
    %dma_start3A_264 = tpu.memref_slice %arg4[%dma_start3A_260, %dma_start3A_262, %dma_start3A_263] : memref<2x32x1024xf32, #tpu.memory_space<vmem>> -> memref<1x32x1024xf32, #tpu.memory_space<vmem>>
    %dma_start3A_265 = tpu.memref_squeeze %dma_start3A_264 : memref<1x32x1024xf32, #tpu.memory_space<vmem>> -> memref<32x1024xf32, #tpu.memory_space<vmem>>
    %dma_start3A_266 = arith.constant 0 : i32
    %dma_start3A_267 = tpu.memref_slice %arg3[%dma_start3A_261, %add3A_225, %dma_start3A_266] : memref<4x8192x1024xf32, #tpu.memory_space<hbm>> -> memref<1x32x1024xf32, #tpu.memory_space<hbm>>
    %dma_start3A_268 = tpu.memref_squeeze %dma_start3A_267 : memref<1x32x1024xf32, #tpu.memory_space<hbm>> -> memref<32x1024xf32, #tpu.memory_space<hbm>>
    %dma_start3A_269 = arith.constant 0 : i32
    %dma_start3A_270 = tpu.memref_slice %arg3[%dma_start3A_261, %add3A_225, %dma_start3A_269] : memref<4x8192x1024xf32, #tpu.memory_space<hbm>> -> memref<1x32x1024xf32, #tpu.memory_space<hbm>>
    %dma_start3A_271 = tpu.memref_squeeze %dma_start3A_270 : memref<1x32x1024xf32, #tpu.memory_space<hbm>> -> memref<32x1024xf32, #tpu.memory_space<hbm>>
    %dma_start3A_272 = arith.constant 0 : i32
    %dma_start3A_273 = arith.constant 0 : i32
    %dma_start3A_274 = tpu.memref_slice %arg4[%dma_start3A_260, %dma_start3A_272, %dma_start3A_273] : memref<2x32x1024xf32, #tpu.memory_space<vmem>> -> memref<1x32x1024xf32, #tpu.memory_space<vmem>>
    %dma_start3A_275 = tpu.memref_squeeze %dma_start3A_274 : memref<1x32x1024xf32, #tpu.memory_space<vmem>> -> memref<32x1024xf32, #tpu.memory_space<vmem>>
    tpu.enqueue_dma source(%dma_start3A_275 : memref<32x1024xf32, #tpu.memory_space<vmem>>) target(%dma_start3A_271 : memref<32x1024xf32, #tpu.memory_space<hbm>>) target_semaphore(%arg6 : memref<!tpu.dma_semaphore, #tpu.memory_space<semaphore_mem>>)
    %dma_start3A_276 = arith.constant 1 : i32
    %dma_start3A_277 = arith.constant 3 : i32
    %dma_start3A_278 = arith.constant 0 : i32
    %dma_start3A_279 = arith.constant 0 : i32
    %dma_start3A_280 = tpu.memref_slice %arg4[%dma_start3A_276, %dma_start3A_278, %dma_start3A_279] : memref<2x32x1024xf32, #tpu.memory_space<vmem>> -> memref<1x32x1024xf32, #tpu.memory_space<vmem>>
    %dma_start3A_281 = tpu.memref_squeeze %dma_start3A_280 : memref<1x32x1024xf32, #tpu.memory_space<vmem>> -> memref<32x1024xf32, #tpu.memory_space<vmem>>
    %dma_start3A_282 = arith.constant 0 : i32
    %dma_start3A_283 = tpu.memref_slice %arg3[%dma_start3A_277, %add3A_227, %dma_start3A_282] : memref<4x8192x1024xf32, #tpu.memory_space<hbm>> -> memref<1x32x1024xf32, #tpu.memory_space<hbm>>
    %dma_start3A_284 = tpu.memref_squeeze %dma_start3A_283 : memref<1x32x1024xf32, #tpu.memory_space<hbm>> -> memref<32x1024xf32, #tpu.memory_space<hbm>>
    %dma_start3A_285 = arith.constant 0 : i32
    %dma_start3A_286 = tpu.memref_slice %arg3[%dma_start3A_277, %add3A_227, %dma_start3A_285] : memref<4x8192x1024xf32, #tpu.memory_space<hbm>> -> memref<1x32x1024xf32, #tpu.memory_space<hbm>>
    %dma_start3A_287 = tpu.memref_squeeze %dma_start3A_286 : memref<1x32x1024xf32, #tpu.memory_space<hbm>> -> memref<32x1024xf32, #tpu.memory_space<hbm>>
    %dma_start3A_288 = arith.constant 0 : i32
    %dma_start3A_289 = arith.constant 0 : i32
    %dma_start3A_290 = tpu.memref_slice %arg4[%dma_start3A_276, %dma_start3A_288, %dma_start3A_289] : memref<2x32x1024xf32, #tpu.memory_space<vmem>> -> memref<1x32x1024xf32, #tpu.memory_space<vmem>>
    %dma_start3A_291 = tpu.memref_squeeze %dma_start3A_290 : memref<1x32x1024xf32, #tpu.memory_space<vmem>> -> memref<32x1024xf32, #tpu.memory_space<vmem>>
    tpu.enqueue_dma source(%dma_start3A_291 : memref<32x1024xf32, #tpu.memory_space<vmem>>) target(%dma_start3A_287 : memref<32x1024xf32, #tpu.memory_space<hbm>>) target_semaphore(%arg6 : memref<!tpu.dma_semaphore, #tpu.memory_space<semaphore_mem>>)
    %add3A_292 = arith.constant 32 : i32
    %add3A_293 = arith.addi %mul3A_2, %add3A_292 : i32
    %add3A_294 = arith.constant 32 : i32
    %add3A_295 = arith.addi %mul3A_2, %add3A_294 : i32
    %add3A_296 = arith.constant 32 : i32
    %add3A_297 = arith.addi %mul3A_2, %add3A_296 : i32
    %add3A_298 = arith.constant 32 : i32
    %add3A_299 = arith.addi %mul3A_2, %add3A_298 : i32
    %dma_wait3A_300 = arith.constant 1 : i32
    %dma_wait3A_301 = arith.constant 0 : i32
    %dma_wait3A_302 = arith.constant 0 : i32
    %dma_wait3A_303 = arith.constant 0 : i32
    %dma_wait3A_304 = tpu.memref_slice %arg4[%dma_wait3A_300, %dma_wait3A_302, %dma_wait3A_303] : memref<2x32x1024xf32, #tpu.memory_space<vmem>> -> memref<1x32x1024xf32, #tpu.memory_space<vmem>>
    %dma_wait3A_305 = tpu.memref_squeeze %dma_wait3A_304 : memref<1x32x1024xf32, #tpu.memory_space<vmem>> -> memref<32x1024xf32, #tpu.memory_space<vmem>>
    %dma_wait3A_306 = arith.constant 0 : i32
    %dma_wait3A_307 = tpu.memref_slice %arg3[%dma_wait3A_301, %add3A_293, %dma_wait3A_306] : memref<4x8192x1024xf32, #tpu.memory_space<hbm>> -> memref<1x32x1024xf32, #tpu.memory_space<hbm>>
    %dma_wait3A_308 = tpu.memref_squeeze %dma_wait3A_307 : memref<1x32x1024xf32, #tpu.memory_space<hbm>> -> memref<32x1024xf32, #tpu.memory_space<hbm>>
    %dma_wait3A_309 = arith.constant 0 : i32
    %dma_wait3A_310 = tpu.memref_slice %arg3[%dma_wait3A_301, %add3A_293, %dma_wait3A_309] : memref<4x8192x1024xf32, #tpu.memory_space<hbm>> -> memref<1x32x1024xf32, #tpu.memory_space<hbm>>
    %dma_wait3A_311 = tpu.memref_squeeze %dma_wait3A_310 : memref<1x32x1024xf32, #tpu.memory_space<hbm>> -> memref<32x1024xf32, #tpu.memory_space<hbm>>
    %dma_wait3A_312 = arith.constant 0 : i32
    %dma_wait3A_313 = arith.constant 0 : i32
    %dma_wait3A_314 = tpu.memref_slice %arg4[%dma_wait3A_300, %dma_wait3A_312, %dma_wait3A_313] : memref<2x32x1024xf32, #tpu.memory_space<vmem>> -> memref<1x32x1024xf32, #tpu.memory_space<vmem>>
    %dma_wait3A_315 = tpu.memref_squeeze %dma_wait3A_314 : memref<1x32x1024xf32, #tpu.memory_space<vmem>> -> memref<32x1024xf32, #tpu.memory_space<vmem>>
    tpu.wait_dma2 semaphore(%arg6 : memref<!tpu.dma_semaphore, #tpu.memory_space<semaphore_mem>>) src(%dma_wait3A_315 : memref<32x1024xf32, #tpu.memory_space<vmem>>) dst(%dma_wait3A_311 : memref<32x1024xf32, #tpu.memory_space<hbm>>)
    %dma_wait3A_316 = arith.constant 1 : i32
    %dma_wait3A_317 = arith.constant 1 : i32
    %dma_wait3A_318 = arith.constant 0 : i32
    %dma_wait3A_319 = arith.constant 0 : i32
    %dma_wait3A_320 = tpu.memref_slice %arg4[%dma_wait3A_316, %dma_wait3A_318, %dma_wait3A_319] : memref<2x32x1024xf32, #tpu.memory_space<vmem>> -> memref<1x32x1024xf32, #tpu.memory_space<vmem>>
    %dma_wait3A_321 = tpu.memref_squeeze %dma_wait3A_320 : memref<1x32x1024xf32, #tpu.memory_space<vmem>> -> memref<32x1024xf32, #tpu.memory_space<vmem>>
    %dma_wait3A_322 = arith.constant 0 : i32
    %dma_wait3A_323 = tpu.memref_slice %arg3[%dma_wait3A_317, %add3A_295, %dma_wait3A_322] : memref<4x8192x1024xf32, #tpu.memory_space<hbm>> -> memref<1x32x1024xf32, #tpu.memory_space<hbm>>
    %dma_wait3A_324 = tpu.memref_squeeze %dma_wait3A_323 : memref<1x32x1024xf32, #tpu.memory_space<hbm>> -> memref<32x1024xf32, #tpu.memory_space<hbm>>
    %dma_wait3A_325 = arith.constant 0 : i32
    %dma_wait3A_326 = tpu.memref_slice %arg3[%dma_wait3A_317, %add3A_295, %dma_wait3A_325] : memref<4x8192x1024xf32, #tpu.memory_space<hbm>> -> memref<1x32x1024xf32, #tpu.memory_space<hbm>>
    %dma_wait3A_327 = tpu.memref_squeeze %dma_wait3A_326 : memref<1x32x1024xf32, #tpu.memory_space<hbm>> -> memref<32x1024xf32, #tpu.memory_space<hbm>>
    %dma_wait3A_328 = arith.constant 0 : i32
    %dma_wait3A_329 = arith.constant 0 : i32
    %dma_wait3A_330 = tpu.memref_slice %arg4[%dma_wait3A_316, %dma_wait3A_328, %dma_wait3A_329] : memref<2x32x1024xf32, #tpu.memory_space<vmem>> -> memref<1x32x1024xf32, #tpu.memory_space<vmem>>
    %dma_wait3A_331 = tpu.memref_squeeze %dma_wait3A_330 : memref<1x32x1024xf32, #tpu.memory_space<vmem>> -> memref<32x1024xf32, #tpu.memory_space<vmem>>
    tpu.wait_dma2 semaphore(%arg6 : memref<!tpu.dma_semaphore, #tpu.memory_space<semaphore_mem>>) src(%dma_wait3A_331 : memref<32x1024xf32, #tpu.memory_space<vmem>>) dst(%dma_wait3A_327 : memref<32x1024xf32, #tpu.memory_space<hbm>>)
    %dma_wait3A_332 = arith.constant 1 : i32
    %dma_wait3A_333 = arith.constant 2 : i32
    %dma_wait3A_334 = arith.constant 0 : i32
    %dma_wait3A_335 = arith.constant 0 : i32
    %dma_wait3A_336 = tpu.memref_slice %arg4[%dma_wait3A_332, %dma_wait3A_334, %dma_wait3A_335] : memref<2x32x1024xf32, #tpu.memory_space<vmem>> -> memref<1x32x1024xf32, #tpu.memory_space<vmem>>
    %dma_wait3A_337 = tpu.memref_squeeze %dma_wait3A_336 : memref<1x32x1024xf32, #tpu.memory_space<vmem>> -> memref<32x1024xf32, #tpu.memory_space<vmem>>
    %dma_wait3A_338 = arith.constant 0 : i32
    %dma_wait3A_339 = tpu.memref_slice %arg3[%dma_wait3A_333, %add3A_297, %dma_wait3A_338] : memref<4x8192x1024xf32, #tpu.memory_space<hbm>> -> memref<1x32x1024xf32, #tpu.memory_space<hbm>>
    %dma_wait3A_340 = tpu.memref_squeeze %dma_wait3A_339 : memref<1x32x1024xf32, #tpu.memory_space<hbm>> -> memref<32x1024xf32, #tpu.memory_space<hbm>>
    %dma_wait3A_341 = arith.constant 0 : i32
    %dma_wait3A_342 = tpu.memref_slice %arg3[%dma_wait3A_333, %add3A_297, %dma_wait3A_341] : memref<4x8192x1024xf32, #tpu.memory_space<hbm>> -> memref<1x32x1024xf32, #tpu.memory_space<hbm>>
    %dma_wait3A_343 = tpu.memref_squeeze %dma_wait3A_342 : memref<1x32x1024xf32, #tpu.memory_space<hbm>> -> memref<32x1024xf32, #tpu.memory_space<hbm>>
    %dma_wait3A_344 = arith.constant 0 : i32
    %dma_wait3A_345 = arith.constant 0 : i32
    %dma_wait3A_346 = tpu.memref_slice %arg4[%dma_wait3A_332, %dma_wait3A_344, %dma_wait3A_345] : memref<2x32x1024xf32, #tpu.memory_space<vmem>> -> memref<1x32x1024xf32, #tpu.memory_space<vmem>>
    %dma_wait3A_347 = tpu.memref_squeeze %dma_wait3A_346 : memref<1x32x1024xf32, #tpu.memory_space<vmem>> -> memref<32x1024xf32, #tpu.memory_space<vmem>>
    tpu.wait_dma2 semaphore(%arg6 : memref<!tpu.dma_semaphore, #tpu.memory_space<semaphore_mem>>) src(%dma_wait3A_347 : memref<32x1024xf32, #tpu.memory_space<vmem>>) dst(%dma_wait3A_343 : memref<32x1024xf32, #tpu.memory_space<hbm>>)
    %dma_wait3A_348 = arith.constant 1 : i32
    %dma_wait3A_349 = arith.constant 3 : i32
    %dma_wait3A_350 = arith.constant 0 : i32
    %dma_wait3A_351 = arith.constant 0 : i32
    %dma_wait3A_352 = tpu.memref_slice %arg4[%dma_wait3A_348, %dma_wait3A_350, %dma_wait3A_351] : memref<2x32x1024xf32, #tpu.memory_space<vmem>> -> memref<1x32x1024xf32, #tpu.memory_space<vmem>>
    %dma_wait3A_353 = tpu.memref_squeeze %dma_wait3A_352 : memref<1x32x1024xf32, #tpu.memory_space<vmem>> -> memref<32x1024xf32, #tpu.memory_space<vmem>>
    %dma_wait3A_354 = arith.constant 0 : i32
    %dma_wait3A_355 = tpu.memref_slice %arg3[%dma_wait3A_349, %add3A_299, %dma_wait3A_354] : memref<4x8192x1024xf32, #tpu.memory_space<hbm>> -> memref<1x32x1024xf32, #tpu.memory_space<hbm>>
    %dma_wait3A_356 = tpu.memref_squeeze %dma_wait3A_355 : memref<1x32x1024xf32, #tpu.memory_space<hbm>> -> memref<32x1024xf32, #tpu.memory_space<hbm>>
    %dma_wait3A_357 = arith.constant 0 : i32
    %dma_wait3A_358 = tpu.memref_slice %arg3[%dma_wait3A_349, %add3A_299, %dma_wait3A_357] : memref<4x8192x1024xf32, #tpu.memory_space<hbm>> -> memref<1x32x1024xf32, #tpu.memory_space<hbm>>
    %dma_wait3A_359 = tpu.memref_squeeze %dma_wait3A_358 : memref<1x32x1024xf32, #tpu.memory_space<hbm>> -> memref<32x1024xf32, #tpu.memory_space<hbm>>
    %dma_wait3A_360 = arith.constant 0 : i32
    %dma_wait3A_361 = arith.constant 0 : i32
    %dma_wait3A_362 = tpu.memref_slice %arg4[%dma_wait3A_348, %dma_wait3A_360, %dma_wait3A_361] : memref<2x32x1024xf32, #tpu.memory_space<vmem>> -> memref<1x32x1024xf32, #tpu.memory_space<vmem>>
    %dma_wait3A_363 = tpu.memref_squeeze %dma_wait3A_362 : memref<1x32x1024xf32, #tpu.memory_space<vmem>> -> memref<32x1024xf32, #tpu.memory_space<vmem>>
    tpu.wait_dma2 semaphore(%arg6 : memref<!tpu.dma_semaphore, #tpu.memory_space<semaphore_mem>>) src(%dma_wait3A_363 : memref<32x1024xf32, #tpu.memory_space<vmem>>) dst(%dma_wait3A_359 : memref<32x1024xf32, #tpu.memory_space<hbm>>)
    %add3A_364 = arith.constant 96 : i32
    %add3A_365 = arith.addi %mul3A_2, %add3A_364 : i32
    %dma_start3A_366 = arith.constant 1 : i32
    %dma_start3A_367 = arith.constant 0 : i32
    %dma_start3A_368 = arith.constant 0 : i32
    %dma_start3A_369 = tpu.memref_slice %arg4[%dma_start3A_366, %dma_start3A_367, %dma_start3A_368] : memref<2x32x1024xf32, #tpu.memory_space<vmem>> -> memref<1x32x1024xf32, #tpu.memory_space<vmem>>
    %dma_start3A_370 = tpu.memref_squeeze %dma_start3A_369 : memref<1x32x1024xf32, #tpu.memory_space<vmem>> -> memref<32x1024xf32, #tpu.memory_space<vmem>>
    %dma_start3A_371 = arith.constant 0 : i32
    %dma_start3A_372 = tpu.memref_slice %arg2[%add3A_365, %dma_start3A_371] : memref<8192x1024xf32, #tpu.memory_space<hbm>> -> memref<32x1024xf32, #tpu.memory_space<hbm>>
    %dma_start3A_373 = arith.constant 0 : i32
    %dma_start3A_374 = arith.constant 0 : i32
    %dma_start3A_375 = tpu.memref_slice %arg4[%dma_start3A_366, %dma_start3A_373, %dma_start3A_374] : memref<2x32x1024xf32, #tpu.memory_space<vmem>> -> memref<1x32x1024xf32, #tpu.memory_space<vmem>>
    %dma_start3A_376 = tpu.memref_squeeze %dma_start3A_375 : memref<1x32x1024xf32, #tpu.memory_space<vmem>> -> memref<32x1024xf32, #tpu.memory_space<vmem>>
    %dma_start3A_377 = arith.constant 0 : i32
    %dma_start3A_378 = tpu.memref_slice %arg2[%add3A_365, %dma_start3A_377] : memref<8192x1024xf32, #tpu.memory_space<hbm>> -> memref<32x1024xf32, #tpu.memory_space<hbm>>
    tpu.enqueue_dma source(%dma_start3A_378 : memref<32x1024xf32, #tpu.memory_space<hbm>>) target(%dma_start3A_376 : memref<32x1024xf32, #tpu.memory_space<vmem>>) target_semaphore(%arg5 : memref<!tpu.dma_semaphore, #tpu.memory_space<semaphore_mem>>)
    %add3A_379 = arith.constant 64 : i32
    %add3A_380 = arith.addi %mul3A_2, %add3A_379 : i32
    %dma_wait3A_381 = arith.constant 0 : i32
    %dma_wait3A_382 = arith.constant 0 : i32
    %dma_wait3A_383 = arith.constant 0 : i32
    %dma_wait3A_384 = tpu.memref_slice %arg4[%dma_wait3A_381, %dma_wait3A_382, %dma_wait3A_383] : memref<2x32x1024xf32, #tpu.memory_space<vmem>> -> memref<1x32x1024xf32, #tpu.memory_space<vmem>>
    %dma_wait3A_385 = tpu.memref_squeeze %dma_wait3A_384 : memref<1x32x1024xf32, #tpu.memory_space<vmem>> -> memref<32x1024xf32, #tpu.memory_space<vmem>>
    %dma_wait3A_386 = arith.constant 0 : i32
    %dma_wait3A_387 = tpu.memref_slice %arg2[%add3A_380, %dma_wait3A_386] : memref<8192x1024xf32, #tpu.memory_space<hbm>> -> memref<32x1024xf32, #tpu.memory_space<hbm>>
    %dma_wait3A_388 = arith.constant 0 : i32
    %dma_wait3A_389 = arith.constant 0 : i32
    %dma_wait3A_390 = tpu.memref_slice %arg4[%dma_wait3A_381, %dma_wait3A_388, %dma_wait3A_389] : memref<2x32x1024xf32, #tpu.memory_space<vmem>> -> memref<1x32x1024xf32, #tpu.memory_space<vmem>>
    %dma_wait3A_391 = tpu.memref_squeeze %dma_wait3A_390 : memref<1x32x1024xf32, #tpu.memory_space<vmem>> -> memref<32x1024xf32, #tpu.memory_space<vmem>>
    %dma_wait3A_392 = arith.constant 0 : i32
    %dma_wait3A_393 = tpu.memref_slice %arg2[%add3A_380, %dma_wait3A_392] : memref<8192x1024xf32, #tpu.memory_space<hbm>> -> memref<32x1024xf32, #tpu.memory_space<hbm>>
    tpu.wait_dma2 semaphore(%arg5 : memref<!tpu.dma_semaphore, #tpu.memory_space<semaphore_mem>>) src(%dma_wait3A_393 : memref<32x1024xf32, #tpu.memory_space<hbm>>) dst(%dma_wait3A_391 : memref<32x1024xf32, #tpu.memory_space<vmem>>)
    %add3A_394 = arith.constant 64 : i32
    %add3A_395 = arith.addi %mul3A_2, %add3A_394 : i32
    %add3A_396 = arith.constant 64 : i32
    %add3A_397 = arith.addi %mul3A_2, %add3A_396 : i32
    %add3A_398 = arith.constant 64 : i32
    %add3A_399 = arith.addi %mul3A_2, %add3A_398 : i32
    %add3A_400 = arith.constant 64 : i32
    %add3A_401 = arith.addi %mul3A_2, %add3A_400 : i32
    %dma_start3A_402 = arith.constant 0 : i32
    %dma_start3A_403 = arith.constant 0 : i32
    %dma_start3A_404 = arith.constant 0 : i32
    %dma_start3A_405 = arith.constant 0 : i32
    %dma_start3A_406 = tpu.memref_slice %arg4[%dma_start3A_402, %dma_start3A_404, %dma_start3A_405] : memref<2x32x1024xf32, #tpu.memory_space<vmem>> -> memref<1x32x1024xf32, #tpu.memory_space<vmem>>
    %dma_start3A_407 = tpu.memref_squeeze %dma_start3A_406 : memref<1x32x1024xf32, #tpu.memory_space<vmem>> -> memref<32x1024xf32, #tpu.memory_space<vmem>>
    %dma_start3A_408 = arith.constant 0 : i32
    %dma_start3A_409 = tpu.memref_slice %arg3[%dma_start3A_403, %add3A_395, %dma_start3A_408] : memref<4x8192x1024xf32, #tpu.memory_space<hbm>> -> memref<1x32x1024xf32, #tpu.memory_space<hbm>>
    %dma_start3A_410 = tpu.memref_squeeze %dma_start3A_409 : memref<1x32x1024xf32, #tpu.memory_space<hbm>> -> memref<32x1024xf32, #tpu.memory_space<hbm>>
    %dma_start3A_411 = arith.constant 0 : i32
    %dma_start3A_412 = tpu.memref_slice %arg3[%dma_start3A_403, %add3A_395, %dma_start3A_411] : memref<4x8192x1024xf32, #tpu.memory_space<hbm>> -> memref<1x32x1024xf32, #tpu.memory_space<hbm>>
    %dma_start3A_413 = tpu.memref_squeeze %dma_start3A_412 : memref<1x32x1024xf32, #tpu.memory_space<hbm>> -> memref<32x1024xf32, #tpu.memory_space<hbm>>
    %dma_start3A_414 = arith.constant 0 : i32
    %dma_start3A_415 = arith.constant 0 : i32
    %dma_start3A_416 = tpu.memref_slice %arg4[%dma_start3A_402, %dma_start3A_414, %dma_start3A_415] : memref<2x32x1024xf32, #tpu.memory_space<vmem>> -> memref<1x32x1024xf32, #tpu.memory_space<vmem>>
    %dma_start3A_417 = tpu.memref_squeeze %dma_start3A_416 : memref<1x32x1024xf32, #tpu.memory_space<vmem>> -> memref<32x1024xf32, #tpu.memory_space<vmem>>
    tpu.enqueue_dma source(%dma_start3A_417 : memref<32x1024xf32, #tpu.memory_space<vmem>>) target(%dma_start3A_413 : memref<32x1024xf32, #tpu.memory_space<hbm>>) target_semaphore(%arg6 : memref<!tpu.dma_semaphore, #tpu.memory_space<semaphore_mem>>)
    %dma_start3A_418 = arith.constant 0 : i32
    %dma_start3A_419 = arith.constant 1 : i32
    %dma_start3A_420 = arith.constant 0 : i32
    %dma_start3A_421 = arith.constant 0 : i32
    %dma_start3A_422 = tpu.memref_slice %arg4[%dma_start3A_418, %dma_start3A_420, %dma_start3A_421] : memref<2x32x1024xf32, #tpu.memory_space<vmem>> -> memref<1x32x1024xf32, #tpu.memory_space<vmem>>
    %dma_start3A_423 = tpu.memref_squeeze %dma_start3A_422 : memref<1x32x1024xf32, #tpu.memory_space<vmem>> -> memref<32x1024xf32, #tpu.memory_space<vmem>>
    %dma_start3A_424 = arith.constant 0 : i32
    %dma_start3A_425 = tpu.memref_slice %arg3[%dma_start3A_419, %add3A_397, %dma_start3A_424] : memref<4x8192x1024xf32, #tpu.memory_space<hbm>> -> memref<1x32x1024xf32, #tpu.memory_space<hbm>>
    %dma_start3A_426 = tpu.memref_squeeze %dma_start3A_425 : memref<1x32x1024xf32, #tpu.memory_space<hbm>> -> memref<32x1024xf32, #tpu.memory_space<hbm>>
    %dma_start3A_427 = arith.constant 0 : i32
    %dma_start3A_428 = tpu.memref_slice %arg3[%dma_start3A_419, %add3A_397, %dma_start3A_427] : memref<4x8192x1024xf32, #tpu.memory_space<hbm>> -> memref<1x32x1024xf32, #tpu.memory_space<hbm>>
    %dma_start3A_429 = tpu.memref_squeeze %dma_start3A_428 : memref<1x32x1024xf32, #tpu.memory_space<hbm>> -> memref<32x1024xf32, #tpu.memory_space<hbm>>
    %dma_start3A_430 = arith.constant 0 : i32
    %dma_start3A_431 = arith.constant 0 : i32
    %dma_start3A_432 = tpu.memref_slice %arg4[%dma_start3A_418, %dma_start3A_430, %dma_start3A_431] : memref<2x32x1024xf32, #tpu.memory_space<vmem>> -> memref<1x32x1024xf32, #tpu.memory_space<vmem>>
    %dma_start3A_433 = tpu.memref_squeeze %dma_start3A_432 : memref<1x32x1024xf32, #tpu.memory_space<vmem>> -> memref<32x1024xf32, #tpu.memory_space<vmem>>
    tpu.enqueue_dma source(%dma_start3A_433 : memref<32x1024xf32, #tpu.memory_space<vmem>>) target(%dma_start3A_429 : memref<32x1024xf32, #tpu.memory_space<hbm>>) target_semaphore(%arg6 : memref<!tpu.dma_semaphore, #tpu.memory_space<semaphore_mem>>)
    %dma_start3A_434 = arith.constant 0 : i32
    %dma_start3A_435 = arith.constant 2 : i32
    %dma_start3A_436 = arith.constant 0 : i32
    %dma_start3A_437 = arith.constant 0 : i32
    %dma_start3A_438 = tpu.memref_slice %arg4[%dma_start3A_434, %dma_start3A_436, %dma_start3A_437] : memref<2x32x1024xf32, #tpu.memory_space<vmem>> -> memref<1x32x1024xf32, #tpu.memory_space<vmem>>
    %dma_start3A_439 = tpu.memref_squeeze %dma_start3A_438 : memref<1x32x1024xf32, #tpu.memory_space<vmem>> -> memref<32x1024xf32, #tpu.memory_space<vmem>>
    %dma_start3A_440 = arith.constant 0 : i32
    %dma_start3A_441 = tpu.memref_slice %arg3[%dma_start3A_435, %add3A_399, %dma_start3A_440] : memref<4x8192x1024xf32, #tpu.memory_space<hbm>> -> memref<1x32x1024xf32, #tpu.memory_space<hbm>>
    %dma_start3A_442 = tpu.memref_squeeze %dma_start3A_441 : memref<1x32x1024xf32, #tpu.memory_space<hbm>> -> memref<32x1024xf32, #tpu.memory_space<hbm>>
    %dma_start3A_443 = arith.constant 0 : i32
    %dma_start3A_444 = tpu.memref_slice %arg3[%dma_start3A_435, %add3A_399, %dma_start3A_443] : memref<4x8192x1024xf32, #tpu.memory_space<hbm>> -> memref<1x32x1024xf32, #tpu.memory_space<hbm>>
    %dma_start3A_445 = tpu.memref_squeeze %dma_start3A_444 : memref<1x32x1024xf32, #tpu.memory_space<hbm>> -> memref<32x1024xf32, #tpu.memory_space<hbm>>
    %dma_start3A_446 = arith.constant 0 : i32
    %dma_start3A_447 = arith.constant 0 : i32
    %dma_start3A_448 = tpu.memref_slice %arg4[%dma_start3A_434, %dma_start3A_446, %dma_start3A_447] : memref<2x32x1024xf32, #tpu.memory_space<vmem>> -> memref<1x32x1024xf32, #tpu.memory_space<vmem>>
    %dma_start3A_449 = tpu.memref_squeeze %dma_start3A_448 : memref<1x32x1024xf32, #tpu.memory_space<vmem>> -> memref<32x1024xf32, #tpu.memory_space<vmem>>
    tpu.enqueue_dma source(%dma_start3A_449 : memref<32x1024xf32, #tpu.memory_space<vmem>>) target(%dma_start3A_445 : memref<32x1024xf32, #tpu.memory_space<hbm>>) target_semaphore(%arg6 : memref<!tpu.dma_semaphore, #tpu.memory_space<semaphore_mem>>)
    %dma_start3A_450 = arith.constant 0 : i32
    %dma_start3A_451 = arith.constant 3 : i32
    %dma_start3A_452 = arith.constant 0 : i32
    %dma_start3A_453 = arith.constant 0 : i32
    %dma_start3A_454 = tpu.memref_slice %arg4[%dma_start3A_450, %dma_start3A_452, %dma_start3A_453] : memref<2x32x1024xf32, #tpu.memory_space<vmem>> -> memref<1x32x1024xf32, #tpu.memory_space<vmem>>
    %dma_start3A_455 = tpu.memref_squeeze %dma_start3A_454 : memref<1x32x1024xf32, #tpu.memory_space<vmem>> -> memref<32x1024xf32, #tpu.memory_space<vmem>>
    %dma_start3A_456 = arith.constant 0 : i32
    %dma_start3A_457 = tpu.memref_slice %arg3[%dma_start3A_451, %add3A_401, %dma_start3A_456] : memref<4x8192x1024xf32, #tpu.memory_space<hbm>> -> memref<1x32x1024xf32, #tpu.memory_space<hbm>>
    %dma_start3A_458 = tpu.memref_squeeze %dma_start3A_457 : memref<1x32x1024xf32, #tpu.memory_space<hbm>> -> memref<32x1024xf32, #tpu.memory_space<hbm>>
    %dma_start3A_459 = arith.constant 0 : i32
    %dma_start3A_460 = tpu.memref_slice %arg3[%dma_start3A_451, %add3A_401, %dma_start3A_459] : memref<4x8192x1024xf32, #tpu.memory_space<hbm>> -> memref<1x32x1024xf32, #tpu.memory_space<hbm>>
    %dma_start3A_461 = tpu.memref_squeeze %dma_start3A_460 : memref<1x32x1024xf32, #tpu.memory_space<hbm>> -> memref<32x1024xf32, #tpu.memory_space<hbm>>
    %dma_start3A_462 = arith.constant 0 : i32
    %dma_start3A_463 = arith.constant 0 : i32
    %dma_start3A_464 = tpu.memref_slice %arg4[%dma_start3A_450, %dma_start3A_462, %dma_start3A_463] : memref<2x32x1024xf32, #tpu.memory_space<vmem>> -> memref<1x32x1024xf32, #tpu.memory_space<vmem>>
    %dma_start3A_465 = tpu.memref_squeeze %dma_start3A_464 : memref<1x32x1024xf32, #tpu.memory_space<vmem>> -> memref<32x1024xf32, #tpu.memory_space<vmem>>
    tpu.enqueue_dma source(%dma_start3A_465 : memref<32x1024xf32, #tpu.memory_space<vmem>>) target(%dma_start3A_461 : memref<32x1024xf32, #tpu.memory_space<hbm>>) target_semaphore(%arg6 : memref<!tpu.dma_semaphore, #tpu.memory_space<semaphore_mem>>)
    %add3A_466 = arith.constant 64 : i32
    %add3A_467 = arith.addi %mul3A_2, %add3A_466 : i32
    %add3A_468 = arith.constant 64 : i32
    %add3A_469 = arith.addi %mul3A_2, %add3A_468 : i32
    %add3A_470 = arith.constant 64 : i32
    %add3A_471 = arith.addi %mul3A_2, %add3A_470 : i32
    %add3A_472 = arith.constant 64 : i32
    %add3A_473 = arith.addi %mul3A_2, %add3A_472 : i32
    %dma_wait3A_474 = arith.constant 0 : i32
    %dma_wait3A_475 = arith.constant 0 : i32
    %dma_wait3A_476 = arith.constant 0 : i32
    %dma_wait3A_477 = arith.constant 0 : i32
    %dma_wait3A_478 = tpu.memref_slice %arg4[%dma_wait3A_474, %dma_wait3A_476, %dma_wait3A_477] : memref<2x32x1024xf32, #tpu.memory_space<vmem>> -> memref<1x32x1024xf32, #tpu.memory_space<vmem>>
    %dma_wait3A_479 = tpu.memref_squeeze %dma_wait3A_478 : memref<1x32x1024xf32, #tpu.memory_space<vmem>> -> memref<32x1024xf32, #tpu.memory_space<vmem>>
    %dma_wait3A_480 = arith.constant 0 : i32
    %dma_wait3A_481 = tpu.memref_slice %arg3[%dma_wait3A_475, %add3A_467, %dma_wait3A_480] : memref<4x8192x1024xf32, #tpu.memory_space<hbm>> -> memref<1x32x1024xf32, #tpu.memory_space<hbm>>
    %dma_wait3A_482 = tpu.memref_squeeze %dma_wait3A_481 : memref<1x32x1024xf32, #tpu.memory_space<hbm>> -> memref<32x1024xf32, #tpu.memory_space<hbm>>
    %dma_wait3A_483 = arith.constant 0 : i32
    %dma_wait3A_484 = tpu.memref_slice %arg3[%dma_wait3A_475, %add3A_467, %dma_wait3A_483] : memref<4x8192x1024xf32, #tpu.memory_space<hbm>> -> memref<1x32x1024xf32, #tpu.memory_space<hbm>>
    %dma_wait3A_485 = tpu.memref_squeeze %dma_wait3A_484 : memref<1x32x1024xf32, #tpu.memory_space<hbm>> -> memref<32x1024xf32, #tpu.memory_space<hbm>>
    %dma_wait3A_486 = arith.constant 0 : i32
    %dma_wait3A_487 = arith.constant 0 : i32
    %dma_wait3A_488 = tpu.memref_slice %arg4[%dma_wait3A_474, %dma_wait3A_486, %dma_wait3A_487] : memref<2x32x1024xf32, #tpu.memory_space<vmem>> -> memref<1x32x1024xf32, #tpu.memory_space<vmem>>
    %dma_wait3A_489 = tpu.memref_squeeze %dma_wait3A_488 : memref<1x32x1024xf32, #tpu.memory_space<vmem>> -> memref<32x1024xf32, #tpu.memory_space<vmem>>
    tpu.wait_dma2 semaphore(%arg6 : memref<!tpu.dma_semaphore, #tpu.memory_space<semaphore_mem>>) src(%dma_wait3A_489 : memref<32x1024xf32, #tpu.memory_space<vmem>>) dst(%dma_wait3A_485 : memref<32x1024xf32, #tpu.memory_space<hbm>>)
    %dma_wait3A_490 = arith.constant 0 : i32
    %dma_wait3A_491 = arith.constant 1 : i32
    %dma_wait3A_492 = arith.constant 0 : i32
    %dma_wait3A_493 = arith.constant 0 : i32
    %dma_wait3A_494 = tpu.memref_slice %arg4[%dma_wait3A_490, %dma_wait3A_492, %dma_wait3A_493] : memref<2x32x1024xf32, #tpu.memory_space<vmem>> -> memref<1x32x1024xf32, #tpu.memory_space<vmem>>
    %dma_wait3A_495 = tpu.memref_squeeze %dma_wait3A_494 : memref<1x32x1024xf32, #tpu.memory_space<vmem>> -> memref<32x1024xf32, #tpu.memory_space<vmem>>
    %dma_wait3A_496 = arith.constant 0 : i32
    %dma_wait3A_497 = tpu.memref_slice %arg3[%dma_wait3A_491, %add3A_469, %dma_wait3A_496] : memref<4x8192x1024xf32, #tpu.memory_space<hbm>> -> memref<1x32x1024xf32, #tpu.memory_space<hbm>>
    %dma_wait3A_498 = tpu.memref_squeeze %dma_wait3A_497 : memref<1x32x1024xf32, #tpu.memory_space<hbm>> -> memref<32x1024xf32, #tpu.memory_space<hbm>>
    %dma_wait3A_499 = arith.constant 0 : i32
    %dma_wait3A_500 = tpu.memref_slice %arg3[%dma_wait3A_491, %add3A_469, %dma_wait3A_499] : memref<4x8192x1024xf32, #tpu.memory_space<hbm>> -> memref<1x32x1024xf32, #tpu.memory_space<hbm>>
    %dma_wait3A_501 = tpu.memref_squeeze %dma_wait3A_500 : memref<1x32x1024xf32, #tpu.memory_space<hbm>> -> memref<32x1024xf32, #tpu.memory_space<hbm>>
    %dma_wait3A_502 = arith.constant 0 : i32
    %dma_wait3A_503 = arith.constant 0 : i32
    %dma_wait3A_504 = tpu.memref_slice %arg4[%dma_wait3A_490, %dma_wait3A_502, %dma_wait3A_503] : memref<2x32x1024xf32, #tpu.memory_space<vmem>> -> memref<1x32x1024xf32, #tpu.memory_space<vmem>>
    %dma_wait3A_505 = tpu.memref_squeeze %dma_wait3A_504 : memref<1x32x1024xf32, #tpu.memory_space<vmem>> -> memref<32x1024xf32, #tpu.memory_space<vmem>>
    tpu.wait_dma2 semaphore(%arg6 : memref<!tpu.dma_semaphore, #tpu.memory_space<semaphore_mem>>) src(%dma_wait3A_505 : memref<32x1024xf32, #tpu.memory_space<vmem>>) dst(%dma_wait3A_501 : memref<32x1024xf32, #tpu.memory_space<hbm>>)
    %dma_wait3A_506 = arith.constant 0 : i32
    %dma_wait3A_507 = arith.constant 2 : i32
    %dma_wait3A_508 = arith.constant 0 : i32
    %dma_wait3A_509 = arith.constant 0 : i32
    %dma_wait3A_510 = tpu.memref_slice %arg4[%dma_wait3A_506, %dma_wait3A_508, %dma_wait3A_509] : memref<2x32x1024xf32, #tpu.memory_space<vmem>> -> memref<1x32x1024xf32, #tpu.memory_space<vmem>>
    %dma_wait3A_511 = tpu.memref_squeeze %dma_wait3A_510 : memref<1x32x1024xf32, #tpu.memory_space<vmem>> -> memref<32x1024xf32, #tpu.memory_space<vmem>>
    %dma_wait3A_512 = arith.constant 0 : i32
    %dma_wait3A_513 = tpu.memref_slice %arg3[%dma_wait3A_507, %add3A_471, %dma_wait3A_512] : memref<4x8192x1024xf32, #tpu.memory_space<hbm>> -> memref<1x32x1024xf32, #tpu.memory_space<hbm>>
    %dma_wait3A_514 = tpu.memref_squeeze %dma_wait3A_513 : memref<1x32x1024xf32, #tpu.memory_space<hbm>> -> memref<32x1024xf32, #tpu.memory_space<hbm>>
    %dma_wait3A_515 = arith.constant 0 : i32
    %dma_wait3A_516 = tpu.memref_slice %arg3[%dma_wait3A_507, %add3A_471, %dma_wait3A_515] : memref<4x8192x1024xf32, #tpu.memory_space<hbm>> -> memref<1x32x1024xf32, #tpu.memory_space<hbm>>
    %dma_wait3A_517 = tpu.memref_squeeze %dma_wait3A_516 : memref<1x32x1024xf32, #tpu.memory_space<hbm>> -> memref<32x1024xf32, #tpu.memory_space<hbm>>
    %dma_wait3A_518 = arith.constant 0 : i32
    %dma_wait3A_519 = arith.constant 0 : i32
    %dma_wait3A_520 = tpu.memref_slice %arg4[%dma_wait3A_506, %dma_wait3A_518, %dma_wait3A_519] : memref<2x32x1024xf32, #tpu.memory_space<vmem>> -> memref<1x32x1024xf32, #tpu.memory_space<vmem>>
    %dma_wait3A_521 = tpu.memref_squeeze %dma_wait3A_520 : memref<1x32x1024xf32, #tpu.memory_space<vmem>> -> memref<32x1024xf32, #tpu.memory_space<vmem>>
    tpu.wait_dma2 semaphore(%arg6 : memref<!tpu.dma_semaphore, #tpu.memory_space<semaphore_mem>>) src(%dma_wait3A_521 : memref<32x1024xf32, #tpu.memory_space<vmem>>) dst(%dma_wait3A_517 : memref<32x1024xf32, #tpu.memory_space<hbm>>)
    %dma_wait3A_522 = arith.constant 0 : i32
    %dma_wait3A_523 = arith.constant 3 : i32
    %dma_wait3A_524 = arith.constant 0 : i32
    %dma_wait3A_525 = arith.constant 0 : i32
    %dma_wait3A_526 = tpu.memref_slice %arg4[%dma_wait3A_522, %dma_wait3A_524, %dma_wait3A_525] : memref<2x32x1024xf32, #tpu.memory_space<vmem>> -> memref<1x32x1024xf32, #tpu.memory_space<vmem>>
    %dma_wait3A_527 = tpu.memref_squeeze %dma_wait3A_526 : memref<1x32x1024xf32, #tpu.memory_space<vmem>> -> memref<32x1024xf32, #tpu.memory_space<vmem>>
    %dma_wait3A_528 = arith.constant 0 : i32
    %dma_wait3A_529 = tpu.memref_slice %arg3[%dma_wait3A_523, %add3A_473, %dma_wait3A_528] : memref<4x8192x1024xf32, #tpu.memory_space<hbm>> -> memref<1x32x1024xf32, #tpu.memory_space<hbm>>
    %dma_wait3A_530 = tpu.memref_squeeze %dma_wait3A_529 : memref<1x32x1024xf32, #tpu.memory_space<hbm>> -> memref<32x1024xf32, #tpu.memory_space<hbm>>
    %dma_wait3A_531 = arith.constant 0 : i32
    %dma_wait3A_532 = tpu.memref_slice %arg3[%dma_wait3A_523, %add3A_473, %dma_wait3A_531] : memref<4x8192x1024xf32, #tpu.memory_space<hbm>> -> memref<1x32x1024xf32, #tpu.memory_space<hbm>>
    %dma_wait3A_533 = tpu.memref_squeeze %dma_wait3A_532 : memref<1x32x1024xf32, #tpu.memory_space<hbm>> -> memref<32x1024xf32, #tpu.memory_space<hbm>>
    %dma_wait3A_534 = arith.constant 0 : i32
    %dma_wait3A_535 = arith.constant 0 : i32
    %dma_wait3A_536 = tpu.memref_slice %arg4[%dma_wait3A_522, %dma_wait3A_534, %dma_wait3A_535] : memref<2x32x1024xf32, #tpu.memory_space<vmem>> -> memref<1x32x1024xf32, #tpu.memory_space<vmem>>
    %dma_wait3A_537 = tpu.memref_squeeze %dma_wait3A_536 : memref<1x32x1024xf32, #tpu.memory_space<vmem>> -> memref<32x1024xf32, #tpu.memory_space<vmem>>
    tpu.wait_dma2 semaphore(%arg6 : memref<!tpu.dma_semaphore, #tpu.memory_space<semaphore_mem>>) src(%dma_wait3A_537 : memref<32x1024xf32, #tpu.memory_space<vmem>>) dst(%dma_wait3A_533 : memref<32x1024xf32, #tpu.memory_space<hbm>>)
    %add3A_538 = arith.constant 128 : i32
    %add3A_539 = arith.addi %mul3A_2, %add3A_538 : i32
    %dma_start3A_540 = arith.constant 0 : i32
    %dma_start3A_541 = arith.constant 0 : i32
    %dma_start3A_542 = arith.constant 0 : i32
    %dma_start3A_543 = tpu.memref_slice %arg4[%dma_start3A_540, %dma_start3A_541, %dma_start3A_542] : memref<2x32x1024xf32, #tpu.memory_space<vmem>> -> memref<1x32x1024xf32, #tpu.memory_space<vmem>>
    %dma_start3A_544 = tpu.memref_squeeze %dma_start3A_543 : memref<1x32x1024xf32, #tpu.memory_space<vmem>> -> memref<32x1024xf32, #tpu.memory_space<vmem>>
    %dma_start3A_545 = arith.constant 0 : i32
    %dma_start3A_546 = tpu.memref_slice %arg2[%add3A_539, %dma_start3A_545] : memref<8192x1024xf32, #tpu.memory_space<hbm>> -> memref<32x1024xf32, #tpu.memory_space<hbm>>
    %dma_start3A_547 = arith.constant 0 : i32
    %dma_start3A_548 = arith.constant 0 : i32
    %dma_start3A_549 = tpu.memref_slice %arg4[%dma_start3A_540, %dma_start3A_547, %dma_start3A_548] : memref<2x32x1024xf32, #tpu.memory_space<vmem>> -> memref<1x32x1024xf32, #tpu.memory_space<vmem>>
    %dma_start3A_550 = tpu.memref_squeeze %dma_start3A_549 : memref<1x32x1024xf32, #tpu.memory_space<vmem>> -> memref<32x1024xf32, #tpu.memory_space<vmem>>
    %dma_start3A_551 = arith.constant 0 : i32
    %dma_start3A_552 = tpu.memref_slice %arg2[%add3A_539, %dma_start3A_551] : memref<8192x1024xf32, #tpu.memory_space<hbm>> -> memref<32x1024xf32, #tpu.memory_space<hbm>>
    tpu.enqueue_dma source(%dma_start3A_552 : memref<32x1024xf32, #tpu.memory_space<hbm>>) target(%dma_start3A_550 : memref<32x1024xf32, #tpu.memory_space<vmem>>) target_semaphore(%arg5 : memref<!tpu.dma_semaphore, #tpu.memory_space<semaphore_mem>>)
    %add3A_553 = arith.constant 96 : i32
    %add3A_554 = arith.addi %mul3A_2, %add3A_553 : i32
    %dma_wait3A_555 = arith.constant 1 : i32
    %dma_wait3A_556 = arith.constant 0 : i32
    %dma_wait3A_557 = arith.constant 0 : i32
    %dma_wait3A_558 = tpu.memref_slice %arg4[%dma_wait3A_555, %dma_wait3A_556, %dma_wait3A_557] : memref<2x32x1024xf32, #tpu.memory_space<vmem>> -> memref<1x32x1024xf32, #tpu.memory_space<vmem>>
    %dma_wait3A_559 = tpu.memref_squeeze %dma_wait3A_558 : memref<1x32x1024xf32, #tpu.memory_space<vmem>> -> memref<32x1024xf32, #tpu.memory_space<vmem>>
    %dma_wait3A_560 = arith.constant 0 : i32
    %dma_wait3A_561 = tpu.memref_slice %arg2[%add3A_554, %dma_wait3A_560] : memref<8192x1024xf32, #tpu.memory_space<hbm>> -> memref<32x1024xf32, #tpu.memory_space<hbm>>
    %dma_wait3A_562 = arith.constant 0 : i32
    %dma_wait3A_563 = arith.constant 0 : i32
    %dma_wait3A_564 = tpu.memref_slice %arg4[%dma_wait3A_555, %dma_wait3A_562, %dma_wait3A_563] : memref<2x32x1024xf32, #tpu.memory_space<vmem>> -> memref<1x32x1024xf32, #tpu.memory_space<vmem>>
    %dma_wait3A_565 = tpu.memref_squeeze %dma_wait3A_564 : memref<1x32x1024xf32, #tpu.memory_space<vmem>> -> memref<32x1024xf32, #tpu.memory_space<vmem>>
    %dma_wait3A_566 = arith.constant 0 : i32
    %dma_wait3A_567 = tpu.memref_slice %arg2[%add3A_554, %dma_wait3A_566] : memref<8192x1024xf32, #tpu.memory_space<hbm>> -> memref<32x1024xf32, #tpu.memory_space<hbm>>
    tpu.wait_dma2 semaphore(%arg5 : memref<!tpu.dma_semaphore, #tpu.memory_space<semaphore_mem>>) src(%dma_wait3A_567 : memref<32x1024xf32, #tpu.memory_space<hbm>>) dst(%dma_wait3A_565 : memref<32x1024xf32, #tpu.memory_space<vmem>>)
    %add3A_568 = arith.constant 96 : i32
    %add3A_569 = arith.addi %mul3A_2, %add3A_568 : i32
    %add3A_570 = arith.constant 96 : i32
    %add3A_571 = arith.addi %mul3A_2, %add3A_570 : i32
    %add3A_572 = arith.constant 96 : i32
    %add3A_573 = arith.addi %mul3A_2, %add3A_572 : i32
    %add3A_574 = arith.constant 96 : i32
    %add3A_575 = arith.addi %mul3A_2, %add3A_574 : i32
    %dma_start3A_576 = arith.constant 1 : i32
    %dma_start3A_577 = arith.constant 0 : i32
    %dma_start3A_578 = arith.constant 0 : i32
    %dma_start3A_579 = arith.constant 0 : i32
    %dma_start3A_580 = tpu.memref_slice %arg4[%dma_start3A_576, %dma_start3A_578, %dma_start3A_579] : memref<2x32x1024xf32, #tpu.memory_space<vmem>> -> memref<1x32x1024xf32, #tpu.memory_space<vmem>>
    %dma_start3A_581 = tpu.memref_squeeze %dma_start3A_580 : memref<1x32x1024xf32, #tpu.memory_space<vmem>> -> memref<32x1024xf32, #tpu.memory_space<vmem>>
    %dma_start3A_582 = arith.constant 0 : i32
    %dma_start3A_583 = tpu.memref_slice %arg3[%dma_start3A_577, %add3A_569, %dma_start3A_582] : memref<4x8192x1024xf32, #tpu.memory_space<hbm>> -> memref<1x32x1024xf32, #tpu.memory_space<hbm>>
    %dma_start3A_584 = tpu.memref_squeeze %dma_start3A_583 : memref<1x32x1024xf32, #tpu.memory_space<hbm>> -> memref<32x1024xf32, #tpu.memory_space<hbm>>
    %dma_start3A_585 = arith.constant 0 : i32
    %dma_start3A_586 = tpu.memref_slice %arg3[%dma_start3A_577, %add3A_569, %dma_start3A_585] : memref<4x8192x1024xf32, #tpu.memory_space<hbm>> -> memref<1x32x1024xf32, #tpu.memory_space<hbm>>
    %dma_start3A_587 = tpu.memref_squeeze %dma_start3A_586 : memref<1x32x1024xf32, #tpu.memory_space<hbm>> -> memref<32x1024xf32, #tpu.memory_space<hbm>>
    %dma_start3A_588 = arith.constant 0 : i32
    %dma_start3A_589 = arith.constant 0 : i32
    %dma_start3A_590 = tpu.memref_slice %arg4[%dma_start3A_576, %dma_start3A_588, %dma_start3A_589] : memref<2x32x1024xf32, #tpu.memory_space<vmem>> -> memref<1x32x1024xf32, #tpu.memory_space<vmem>>
    %dma_start3A_591 = tpu.memref_squeeze %dma_start3A_590 : memref<1x32x1024xf32, #tpu.memory_space<vmem>> -> memref<32x1024xf32, #tpu.memory_space<vmem>>
    tpu.enqueue_dma source(%dma_start3A_591 : memref<32x1024xf32, #tpu.memory_space<vmem>>) target(%dma_start3A_587 : memref<32x1024xf32, #tpu.memory_space<hbm>>) target_semaphore(%arg6 : memref<!tpu.dma_semaphore, #tpu.memory_space<semaphore_mem>>)
    %dma_start3A_592 = arith.constant 1 : i32
    %dma_start3A_593 = arith.constant 1 : i32
    %dma_start3A_594 = arith.constant 0 : i32
    %dma_start3A_595 = arith.constant 0 : i32
    %dma_start3A_596 = tpu.memref_slice %arg4[%dma_start3A_592, %dma_start3A_594, %dma_start3A_595] : memref<2x32x1024xf32, #tpu.memory_space<vmem>> -> memref<1x32x1024xf32, #tpu.memory_space<vmem>>
    %dma_start3A_597 = tpu.memref_squeeze %dma_start3A_596 : memref<1x32x1024xf32, #tpu.memory_space<vmem>> -> memref<32x1024xf32, #tpu.memory_space<vmem>>
    %dma_start3A_598 = arith.constant 0 : i32
    %dma_start3A_599 = tpu.memref_slice %arg3[%dma_start3A_593, %add3A_571, %dma_start3A_598] : memref<4x8192x1024xf32, #tpu.memory_space<hbm>> -> memref<1x32x1024xf32, #tpu.memory_space<hbm>>
    %dma_start3A_600 = tpu.memref_squeeze %dma_start3A_599 : memref<1x32x1024xf32, #tpu.memory_space<hbm>> -> memref<32x1024xf32, #tpu.memory_space<hbm>>
    %dma_start3A_601 = arith.constant 0 : i32
    %dma_start3A_602 = tpu.memref_slice %arg3[%dma_start3A_593, %add3A_571, %dma_start3A_601] : memref<4x8192x1024xf32, #tpu.memory_space<hbm>> -> memref<1x32x1024xf32, #tpu.memory_space<hbm>>
    %dma_start3A_603 = tpu.memref_squeeze %dma_start3A_602 : memref<1x32x1024xf32, #tpu.memory_space<hbm>> -> memref<32x1024xf32, #tpu.memory_space<hbm>>
    %dma_start3A_604 = arith.constant 0 : i32
    %dma_start3A_605 = arith.constant 0 : i32
    %dma_start3A_606 = tpu.memref_slice %arg4[%dma_start3A_592, %dma_start3A_604, %dma_start3A_605] : memref<2x32x1024xf32, #tpu.memory_space<vmem>> -> memref<1x32x1024xf32, #tpu.memory_space<vmem>>
    %dma_start3A_607 = tpu.memref_squeeze %dma_start3A_606 : memref<1x32x1024xf32, #tpu.memory_space<vmem>> -> memref<32x1024xf32, #tpu.memory_space<vmem>>
    tpu.enqueue_dma source(%dma_start3A_607 : memref<32x1024xf32, #tpu.memory_space<vmem>>) target(%dma_start3A_603 : memref<32x1024xf32, #tpu.memory_space<hbm>>) target_semaphore(%arg6 : memref<!tpu.dma_semaphore, #tpu.memory_space<semaphore_mem>>)
    %dma_start3A_608 = arith.constant 1 : i32
    %dma_start3A_609 = arith.constant 2 : i32
    %dma_start3A_610 = arith.constant 0 : i32
    %dma_start3A_611 = arith.constant 0 : i32
    %dma_start3A_612 = tpu.memref_slice %arg4[%dma_start3A_608, %dma_start3A_610, %dma_start3A_611] : memref<2x32x1024xf32, #tpu.memory_space<vmem>> -> memref<1x32x1024xf32, #tpu.memory_space<vmem>>
    %dma_start3A_613 = tpu.memref_squeeze %dma_start3A_612 : memref<1x32x1024xf32, #tpu.memory_space<vmem>> -> memref<32x1024xf32, #tpu.memory_space<vmem>>
    %dma_start3A_614 = arith.constant 0 : i32
    %dma_start3A_615 = tpu.memref_slice %arg3[%dma_start3A_609, %add3A_573, %dma_start3A_614] : memref<4x8192x1024xf32, #tpu.memory_space<hbm>> -> memref<1x32x1024xf32, #tpu.memory_space<hbm>>
    %dma_start3A_616 = tpu.memref_squeeze %dma_start3A_615 : memref<1x32x1024xf32, #tpu.memory_space<hbm>> -> memref<32x1024xf32, #tpu.memory_space<hbm>>
    %dma_start3A_617 = arith.constant 0 : i32
    %dma_start3A_618 = tpu.memref_slice %arg3[%dma_start3A_609, %add3A_573, %dma_start3A_617] : memref<4x8192x1024xf32, #tpu.memory_space<hbm>> -> memref<1x32x1024xf32, #tpu.memory_space<hbm>>
    %dma_start3A_619 = tpu.memref_squeeze %dma_start3A_618 : memref<1x32x1024xf32, #tpu.memory_space<hbm>> -> memref<32x1024xf32, #tpu.memory_space<hbm>>
    %dma_start3A_620 = arith.constant 0 : i32
    %dma_start3A_621 = arith.constant 0 : i32
    %dma_start3A_622 = tpu.memref_slice %arg4[%dma_start3A_608, %dma_start3A_620, %dma_start3A_621] : memref<2x32x1024xf32, #tpu.memory_space<vmem>> -> memref<1x32x1024xf32, #tpu.memory_space<vmem>>
    %dma_start3A_623 = tpu.memref_squeeze %dma_start3A_622 : memref<1x32x1024xf32, #tpu.memory_space<vmem>> -> memref<32x1024xf32, #tpu.memory_space<vmem>>
    tpu.enqueue_dma source(%dma_start3A_623 : memref<32x1024xf32, #tpu.memory_space<vmem>>) target(%dma_start3A_619 : memref<32x1024xf32, #tpu.memory_space<hbm>>) target_semaphore(%arg6 : memref<!tpu.dma_semaphore, #tpu.memory_space<semaphore_mem>>)
    %dma_start3A_624 = arith.constant 1 : i32
    %dma_start3A_625 = arith.constant 3 : i32
    %dma_start3A_626 = arith.constant 0 : i32
    %dma_start3A_627 = arith.constant 0 : i32
    %dma_start3A_628 = tpu.memref_slice %arg4[%dma_start3A_624, %dma_start3A_626, %dma_start3A_627] : memref<2x32x1024xf32, #tpu.memory_space<vmem>> -> memref<1x32x1024xf32, #tpu.memory_space<vmem>>
    %dma_start3A_629 = tpu.memref_squeeze %dma_start3A_628 : memref<1x32x1024xf32, #tpu.memory_space<vmem>> -> memref<32x1024xf32, #tpu.memory_space<vmem>>
    %dma_start3A_630 = arith.constant 0 : i32
    %dma_start3A_631 = tpu.memref_slice %arg3[%dma_start3A_625, %add3A_575, %dma_start3A_630] : memref<4x8192x1024xf32, #tpu.memory_space<hbm>> -> memref<1x32x1024xf32, #tpu.memory_space<hbm>>
    %dma_start3A_632 = tpu.memref_squeeze %dma_start3A_631 : memref<1x32x1024xf32, #tpu.memory_space<hbm>> -> memref<32x1024xf32, #tpu.memory_space<hbm>>
    %dma_start3A_633 = arith.constant 0 : i32
    %dma_start3A_634 = tpu.memref_slice %arg3[%dma_start3A_625, %add3A_575, %dma_start3A_633] : memref<4x8192x1024xf32, #tpu.memory_space<hbm>> -> memref<1x32x1024xf32, #tpu.memory_space<hbm>>
    %dma_start3A_635 = tpu.memref_squeeze %dma_start3A_634 : memref<1x32x1024xf32, #tpu.memory_space<hbm>> -> memref<32x1024xf32, #tpu.memory_space<hbm>>
    %dma_start3A_636 = arith.constant 0 : i32
    %dma_start3A_637 = arith.constant 0 : i32
    %dma_start3A_638 = tpu.memref_slice %arg4[%dma_start3A_624, %dma_start3A_636, %dma_start3A_637] : memref<2x32x1024xf32, #tpu.memory_space<vmem>> -> memref<1x32x1024xf32, #tpu.memory_space<vmem>>
    %dma_start3A_639 = tpu.memref_squeeze %dma_start3A_638 : memref<1x32x1024xf32, #tpu.memory_space<vmem>> -> memref<32x1024xf32, #tpu.memory_space<vmem>>
    tpu.enqueue_dma source(%dma_start3A_639 : memref<32x1024xf32, #tpu.memory_space<vmem>>) target(%dma_start3A_635 : memref<32x1024xf32, #tpu.memory_space<hbm>>) target_semaphore(%arg6 : memref<!tpu.dma_semaphore, #tpu.memory_space<semaphore_mem>>)
    %add3A_640 = arith.constant 96 : i32
    %add3A_641 = arith.addi %mul3A_2, %add3A_640 : i32
    %add3A_642 = arith.constant 96 : i32
    %add3A_643 = arith.addi %mul3A_2, %add3A_642 : i32
    %add3A_644 = arith.constant 96 : i32
    %add3A_645 = arith.addi %mul3A_2, %add3A_644 : i32
    %add3A_646 = arith.constant 96 : i32
    %add3A_647 = arith.addi %mul3A_2, %add3A_646 : i32
    %dma_wait3A_648 = arith.constant 1 : i32
    %dma_wait3A_649 = arith.constant 0 : i32
    %dma_wait3A_650 = arith.constant 0 : i32
    %dma_wait3A_651 = arith.constant 0 : i32
    %dma_wait3A_652 = tpu.memref_slice %arg4[%dma_wait3A_648, %dma_wait3A_650, %dma_wait3A_651] : memref<2x32x1024xf32, #tpu.memory_space<vmem>> -> memref<1x32x1024xf32, #tpu.memory_space<vmem>>
    %dma_wait3A_653 = tpu.memref_squeeze %dma_wait3A_652 : memref<1x32x1024xf32, #tpu.memory_space<vmem>> -> memref<32x1024xf32, #tpu.memory_space<vmem>>
    %dma_wait3A_654 = arith.constant 0 : i32
    %dma_wait3A_655 = tpu.memref_slice %arg3[%dma_wait3A_649, %add3A_641, %dma_wait3A_654] : memref<4x8192x1024xf32, #tpu.memory_space<hbm>> -> memref<1x32x1024xf32, #tpu.memory_space<hbm>>
    %dma_wait3A_656 = tpu.memref_squeeze %dma_wait3A_655 : memref<1x32x1024xf32, #tpu.memory_space<hbm>> -> memref<32x1024xf32, #tpu.memory_space<hbm>>
    %dma_wait3A_657 = arith.constant 0 : i32
    %dma_wait3A_658 = tpu.memref_slice %arg3[%dma_wait3A_649, %add3A_641, %dma_wait3A_657] : memref<4x8192x1024xf32, #tpu.memory_space<hbm>> -> memref<1x32x1024xf32, #tpu.memory_space<hbm>>
    %dma_wait3A_659 = tpu.memref_squeeze %dma_wait3A_658 : memref<1x32x1024xf32, #tpu.memory_space<hbm>> -> memref<32x1024xf32, #tpu.memory_space<hbm>>
    %dma_wait3A_660 = arith.constant 0 : i32
    %dma_wait3A_661 = arith.constant 0 : i32
    %dma_wait3A_662 = tpu.memref_slice %arg4[%dma_wait3A_648, %dma_wait3A_660, %dma_wait3A_661] : memref<2x32x1024xf32, #tpu.memory_space<vmem>> -> memref<1x32x1024xf32, #tpu.memory_space<vmem>>
    %dma_wait3A_663 = tpu.memref_squeeze %dma_wait3A_662 : memref<1x32x1024xf32, #tpu.memory_space<vmem>> -> memref<32x1024xf32, #tpu.memory_space<vmem>>
    tpu.wait_dma2 semaphore(%arg6 : memref<!tpu.dma_semaphore, #tpu.memory_space<semaphore_mem>>) src(%dma_wait3A_663 : memref<32x1024xf32, #tpu.memory_space<vmem>>) dst(%dma_wait3A_659 : memref<32x1024xf32, #tpu.memory_space<hbm>>)
    %dma_wait3A_664 = arith.constant 1 : i32
    %dma_wait3A_665 = arith.constant 1 : i32
    %dma_wait3A_666 = arith.constant 0 : i32
    %dma_wait3A_667 = arith.constant 0 : i32
    %dma_wait3A_668 = tpu.memref_slice %arg4[%dma_wait3A_664, %dma_wait3A_666, %dma_wait3A_667] : memref<2x32x1024xf32, #tpu.memory_space<vmem>> -> memref<1x32x1024xf32, #tpu.memory_space<vmem>>
    %dma_wait3A_669 = tpu.memref_squeeze %dma_wait3A_668 : memref<1x32x1024xf32, #tpu.memory_space<vmem>> -> memref<32x1024xf32, #tpu.memory_space<vmem>>
    %dma_wait3A_670 = arith.constant 0 : i32
    %dma_wait3A_671 = tpu.memref_slice %arg3[%dma_wait3A_665, %add3A_643, %dma_wait3A_670] : memref<4x8192x1024xf32, #tpu.memory_space<hbm>> -> memref<1x32x1024xf32, #tpu.memory_space<hbm>>
    %dma_wait3A_672 = tpu.memref_squeeze %dma_wait3A_671 : memref<1x32x1024xf32, #tpu.memory_space<hbm>> -> memref<32x1024xf32, #tpu.memory_space<hbm>>
    %dma_wait3A_673 = arith.constant 0 : i32
    %dma_wait3A_674 = tpu.memref_slice %arg3[%dma_wait3A_665, %add3A_643, %dma_wait3A_673] : memref<4x8192x1024xf32, #tpu.memory_space<hbm>> -> memref<1x32x1024xf32, #tpu.memory_space<hbm>>
    %dma_wait3A_675 = tpu.memref_squeeze %dma_wait3A_674 : memref<1x32x1024xf32, #tpu.memory_space<hbm>> -> memref<32x1024xf32, #tpu.memory_space<hbm>>
    %dma_wait3A_676 = arith.constant 0 : i32
    %dma_wait3A_677 = arith.constant 0 : i32
    %dma_wait3A_678 = tpu.memref_slice %arg4[%dma_wait3A_664, %dma_wait3A_676, %dma_wait3A_677] : memref<2x32x1024xf32, #tpu.memory_space<vmem>> -> memref<1x32x1024xf32, #tpu.memory_space<vmem>>
    %dma_wait3A_679 = tpu.memref_squeeze %dma_wait3A_678 : memref<1x32x1024xf32, #tpu.memory_space<vmem>> -> memref<32x1024xf32, #tpu.memory_space<vmem>>
    tpu.wait_dma2 semaphore(%arg6 : memref<!tpu.dma_semaphore, #tpu.memory_space<semaphore_mem>>) src(%dma_wait3A_679 : memref<32x1024xf32, #tpu.memory_space<vmem>>) dst(%dma_wait3A_675 : memref<32x1024xf32, #tpu.memory_space<hbm>>)
    %dma_wait3A_680 = arith.constant 1 : i32
    %dma_wait3A_681 = arith.constant 2 : i32
    %dma_wait3A_682 = arith.constant 0 : i32
    %dma_wait3A_683 = arith.constant 0 : i32
    %dma_wait3A_684 = tpu.memref_slice %arg4[%dma_wait3A_680, %dma_wait3A_682, %dma_wait3A_683] : memref<2x32x1024xf32, #tpu.memory_space<vmem>> -> memref<1x32x1024xf32, #tpu.memory_space<vmem>>
    %dma_wait3A_685 = tpu.memref_squeeze %dma_wait3A_684 : memref<1x32x1024xf32, #tpu.memory_space<vmem>> -> memref<32x1024xf32, #tpu.memory_space<vmem>>
    %dma_wait3A_686 = arith.constant 0 : i32
    %dma_wait3A_687 = tpu.memref_slice %arg3[%dma_wait3A_681, %add3A_645, %dma_wait3A_686] : memref<4x8192x1024xf32, #tpu.memory_space<hbm>> -> memref<1x32x1024xf32, #tpu.memory_space<hbm>>
    %dma_wait3A_688 = tpu.memref_squeeze %dma_wait3A_687 : memref<1x32x1024xf32, #tpu.memory_space<hbm>> -> memref<32x1024xf32, #tpu.memory_space<hbm>>
    %dma_wait3A_689 = arith.constant 0 : i32
    %dma_wait3A_690 = tpu.memref_slice %arg3[%dma_wait3A_681, %add3A_645, %dma_wait3A_689] : memref<4x8192x1024xf32, #tpu.memory_space<hbm>> -> memref<1x32x1024xf32, #tpu.memory_space<hbm>>
    %dma_wait3A_691 = tpu.memref_squeeze %dma_wait3A_690 : memref<1x32x1024xf32, #tpu.memory_space<hbm>> -> memref<32x1024xf32, #tpu.memory_space<hbm>>
    %dma_wait3A_692 = arith.constant 0 : i32
    %dma_wait3A_693 = arith.constant 0 : i32
    %dma_wait3A_694 = tpu.memref_slice %arg4[%dma_wait3A_680, %dma_wait3A_692, %dma_wait3A_693] : memref<2x32x1024xf32, #tpu.memory_space<vmem>> -> memref<1x32x1024xf32, #tpu.memory_space<vmem>>
    %dma_wait3A_695 = tpu.memref_squeeze %dma_wait3A_694 : memref<1x32x1024xf32, #tpu.memory_space<vmem>> -> memref<32x1024xf32, #tpu.memory_space<vmem>>
    tpu.wait_dma2 semaphore(%arg6 : memref<!tpu.dma_semaphore, #tpu.memory_space<semaphore_mem>>) src(%dma_wait3A_695 : memref<32x1024xf32, #tpu.memory_space<vmem>>) dst(%dma_wait3A_691 : memref<32x1024xf32, #tpu.memory_space<hbm>>)
    %dma_wait3A_696 = arith.constant 1 : i32
    %dma_wait3A_697 = arith.constant 3 : i32
    %dma_wait3A_698 = arith.constant 0 : i32
    %dma_wait3A_699 = arith.constant 0 : i32
    %dma_wait3A_700 = tpu.memref_slice %arg4[%dma_wait3A_696, %dma_wait3A_698, %dma_wait3A_699] : memref<2x32x1024xf32, #tpu.memory_space<vmem>> -> memref<1x32x1024xf32, #tpu.memory_space<vmem>>
    %dma_wait3A_701 = tpu.memref_squeeze %dma_wait3A_700 : memref<1x32x1024xf32, #tpu.memory_space<vmem>> -> memref<32x1024xf32, #tpu.memory_space<vmem>>
    %dma_wait3A_702 = arith.constant 0 : i32
    %dma_wait3A_703 = tpu.memref_slice %arg3[%dma_wait3A_697, %add3A_647, %dma_wait3A_702] : memref<4x8192x1024xf32, #tpu.memory_space<hbm>> -> memref<1x32x1024xf32, #tpu.memory_space<hbm>>
    %dma_wait3A_704 = tpu.memref_squeeze %dma_wait3A_703 : memref<1x32x1024xf32, #tpu.memory_space<hbm>> -> memref<32x1024xf32, #tpu.memory_space<hbm>>
    %dma_wait3A_705 = arith.constant 0 : i32
    %dma_wait3A_706 = tpu.memref_slice %arg3[%dma_wait3A_697, %add3A_647, %dma_wait3A_705] : memref<4x8192x1024xf32, #tpu.memory_space<hbm>> -> memref<1x32x1024xf32, #tpu.memory_space<hbm>>
    %dma_wait3A_707 = tpu.memref_squeeze %dma_wait3A_706 : memref<1x32x1024xf32, #tpu.memory_space<hbm>> -> memref<32x1024xf32, #tpu.memory_space<hbm>>
    %dma_wait3A_708 = arith.constant 0 : i32
    %dma_wait3A_709 = arith.constant 0 : i32
    %dma_wait3A_710 = tpu.memref_slice %arg4[%dma_wait3A_696, %dma_wait3A_708, %dma_wait3A_709] : memref<2x32x1024xf32, #tpu.memory_space<vmem>> -> memref<1x32x1024xf32, #tpu.memory_space<vmem>>
    %dma_wait3A_711 = tpu.memref_squeeze %dma_wait3A_710 : memref<1x32x1024xf32, #tpu.memory_space<vmem>> -> memref<32x1024xf32, #tpu.memory_space<vmem>>
    tpu.wait_dma2 semaphore(%arg6 : memref<!tpu.dma_semaphore, #tpu.memory_space<semaphore_mem>>) src(%dma_wait3A_711 : memref<32x1024xf32, #tpu.memory_space<vmem>>) dst(%dma_wait3A_707 : memref<32x1024xf32, #tpu.memory_space<hbm>>)
    %add3A_712 = arith.constant 160 : i32
    %add3A_713 = arith.addi %mul3A_2, %add3A_712 : i32
    %dma_start3A_714 = arith.constant 1 : i32
    %dma_start3A_715 = arith.constant 0 : i32
    %dma_start3A_716 = arith.constant 0 : i32
    %dma_start3A_717 = tpu.memref_slice %arg4[%dma_start3A_714, %dma_start3A_715, %dma_start3A_716] : memref<2x32x1024xf32, #tpu.memory_space<vmem>> -> memref<1x32x1024xf32, #tpu.memory_space<vmem>>
    %dma_start3A_718 = tpu.memref_squeeze %dma_start3A_717 : memref<1x32x1024xf32, #tpu.memory_space<vmem>> -> memref<32x1024xf32, #tpu.memory_space<vmem>>
    %dma_start3A_719 = arith.constant 0 : i32
    %dma_start3A_720 = tpu.memref_slice %arg2[%add3A_713, %dma_start3A_719] : memref<8192x1024xf32, #tpu.memory_space<hbm>> -> memref<32x1024xf32, #tpu.memory_space<hbm>>
    %dma_start3A_721 = arith.constant 0 : i32
    %dma_start3A_722 = arith.constant 0 : i32
    %dma_start3A_723 = tpu.memref_slice %arg4[%dma_start3A_714, %dma_start3A_721, %dma_start3A_722] : memref<2x32x1024xf32, #tpu.memory_space<vmem>> -> memref<1x32x1024xf32, #tpu.memory_space<vmem>>
    %dma_start3A_724 = tpu.memref_squeeze %dma_start3A_723 : memref<1x32x1024xf32, #tpu.memory_space<vmem>> -> memref<32x1024xf32, #tpu.memory_space<vmem>>
    %dma_start3A_725 = arith.constant 0 : i32
    %dma_start3A_726 = tpu.memref_slice %arg2[%add3A_713, %dma_start3A_725] : memref<8192x1024xf32, #tpu.memory_space<hbm>> -> memref<32x1024xf32, #tpu.memory_space<hbm>>
    tpu.enqueue_dma source(%dma_start3A_726 : memref<32x1024xf32, #tpu.memory_space<hbm>>) target(%dma_start3A_724 : memref<32x1024xf32, #tpu.memory_space<vmem>>) target_semaphore(%arg5 : memref<!tpu.dma_semaphore, #tpu.memory_space<semaphore_mem>>)
    %add3A_727 = arith.constant 128 : i32
    %add3A_728 = arith.addi %mul3A_2, %add3A_727 : i32
    %dma_wait3A_729 = arith.constant 0 : i32
    %dma_wait3A_730 = arith.constant 0 : i32
    %dma_wait3A_731 = arith.constant 0 : i32
    %dma_wait3A_732 = tpu.memref_slice %arg4[%dma_wait3A_729, %dma_wait3A_730, %dma_wait3A_731] : memref<2x32x1024xf32, #tpu.memory_space<vmem>> -> memref<1x32x1024xf32, #tpu.memory_space<vmem>>
    %dma_wait3A_733 = tpu.memref_squeeze %dma_wait3A_732 : memref<1x32x1024xf32, #tpu.memory_space<vmem>> -> memref<32x1024xf32, #tpu.memory_space<vmem>>
    %dma_wait3A_734 = arith.constant 0 : i32
    %dma_wait3A_735 = tpu.memref_slice %arg2[%add3A_728, %dma_wait3A_734] : memref<8192x1024xf32, #tpu.memory_space<hbm>> -> memref<32x1024xf32, #tpu.memory_space<hbm>>
    %dma_wait3A_736 = arith.constant 0 : i32
    %dma_wait3A_737 = arith.constant 0 : i32
    %dma_wait3A_738 = tpu.memref_slice %arg4[%dma_wait3A_729, %dma_wait3A_736, %dma_wait3A_737] : memref<2x32x1024xf32, #tpu.memory_space<vmem>> -> memref<1x32x1024xf32, #tpu.memory_space<vmem>>
    %dma_wait3A_739 = tpu.memref_squeeze %dma_wait3A_738 : memref<1x32x1024xf32, #tpu.memory_space<vmem>> -> memref<32x1024xf32, #tpu.memory_space<vmem>>
    %dma_wait3A_740 = arith.constant 0 : i32
    %dma_wait3A_741 = tpu.memref_slice %arg2[%add3A_728, %dma_wait3A_740] : memref<8192x1024xf32, #tpu.memory_space<hbm>> -> memref<32x1024xf32, #tpu.memory_space<hbm>>
    tpu.wait_dma2 semaphore(%arg5 : memref<!tpu.dma_semaphore, #tpu.memory_space<semaphore_mem>>) src(%dma_wait3A_741 : memref<32x1024xf32, #tpu.memory_space<hbm>>) dst(%dma_wait3A_739 : memref<32x1024xf32, #tpu.memory_space<vmem>>)
    %add3A_742 = arith.constant 128 : i32
    %add3A_743 = arith.addi %mul3A_2, %add3A_742 : i32
    %add3A_744 = arith.constant 128 : i32
    %add3A_745 = arith.addi %mul3A_2, %add3A_744 : i32
    %add3A_746 = arith.constant 128 : i32
    %add3A_747 = arith.addi %mul3A_2, %add3A_746 : i32
    %add3A_748 = arith.constant 128 : i32
    %add3A_749 = arith.addi %mul3A_2, %add3A_748 : i32
    %dma_start3A_750 = arith.constant 0 : i32
    %dma_start3A_751 = arith.constant 0 : i32
    %dma_start3A_752 = arith.constant 0 : i32
    %dma_start3A_753 = arith.constant 0 : i32
    %dma_start3A_754 = tpu.memref_slice %arg4[%dma_start3A_750, %dma_start3A_752, %dma_start3A_753] : memref<2x32x1024xf32, #tpu.memory_space<vmem>> -> memref<1x32x1024xf32, #tpu.memory_space<vmem>>
    %dma_start3A_755 = tpu.memref_squeeze %dma_start3A_754 : memref<1x32x1024xf32, #tpu.memory_space<vmem>> -> memref<32x1024xf32, #tpu.memory_space<vmem>>
    %dma_start3A_756 = arith.constant 0 : i32
    %dma_start3A_757 = tpu.memref_slice %arg3[%dma_start3A_751, %add3A_743, %dma_start3A_756] : memref<4x8192x1024xf32, #tpu.memory_space<hbm>> -> memref<1x32x1024xf32, #tpu.memory_space<hbm>>
    %dma_start3A_758 = tpu.memref_squeeze %dma_start3A_757 : memref<1x32x1024xf32, #tpu.memory_space<hbm>> -> memref<32x1024xf32, #tpu.memory_space<hbm>>
    %dma_start3A_759 = arith.constant 0 : i32
    %dma_start3A_760 = tpu.memref_slice %arg3[%dma_start3A_751, %add3A_743, %dma_start3A_759] : memref<4x8192x1024xf32, #tpu.memory_space<hbm>> -> memref<1x32x1024xf32, #tpu.memory_space<hbm>>
    %dma_start3A_761 = tpu.memref_squeeze %dma_start3A_760 : memref<1x32x1024xf32, #tpu.memory_space<hbm>> -> memref<32x1024xf32, #tpu.memory_space<hbm>>
    %dma_start3A_762 = arith.constant 0 : i32
    %dma_start3A_763 = arith.constant 0 : i32
    %dma_start3A_764 = tpu.memref_slice %arg4[%dma_start3A_750, %dma_start3A_762, %dma_start3A_763] : memref<2x32x1024xf32, #tpu.memory_space<vmem>> -> memref<1x32x1024xf32, #tpu.memory_space<vmem>>
    %dma_start3A_765 = tpu.memref_squeeze %dma_start3A_764 : memref<1x32x1024xf32, #tpu.memory_space<vmem>> -> memref<32x1024xf32, #tpu.memory_space<vmem>>
    tpu.enqueue_dma source(%dma_start3A_765 : memref<32x1024xf32, #tpu.memory_space<vmem>>) target(%dma_start3A_761 : memref<32x1024xf32, #tpu.memory_space<hbm>>) target_semaphore(%arg6 : memref<!tpu.dma_semaphore, #tpu.memory_space<semaphore_mem>>)
    %dma_start3A_766 = arith.constant 0 : i32
    %dma_start3A_767 = arith.constant 1 : i32
    %dma_start3A_768 = arith.constant 0 : i32
    %dma_start3A_769 = arith.constant 0 : i32
    %dma_start3A_770 = tpu.memref_slice %arg4[%dma_start3A_766, %dma_start3A_768, %dma_start3A_769] : memref<2x32x1024xf32, #tpu.memory_space<vmem>> -> memref<1x32x1024xf32, #tpu.memory_space<vmem>>
    %dma_start3A_771 = tpu.memref_squeeze %dma_start3A_770 : memref<1x32x1024xf32, #tpu.memory_space<vmem>> -> memref<32x1024xf32, #tpu.memory_space<vmem>>
    %dma_start3A_772 = arith.constant 0 : i32
    %dma_start3A_773 = tpu.memref_slice %arg3[%dma_start3A_767, %add3A_745, %dma_start3A_772] : memref<4x8192x1024xf32, #tpu.memory_space<hbm>> -> memref<1x32x1024xf32, #tpu.memory_space<hbm>>
    %dma_start3A_774 = tpu.memref_squeeze %dma_start3A_773 : memref<1x32x1024xf32, #tpu.memory_space<hbm>> -> memref<32x1024xf32, #tpu.memory_space<hbm>>
    %dma_start3A_775 = arith.constant 0 : i32
    %dma_start3A_776 = tpu.memref_slice %arg3[%dma_start3A_767, %add3A_745, %dma_start3A_775] : memref<4x8192x1024xf32, #tpu.memory_space<hbm>> -> memref<1x32x1024xf32, #tpu.memory_space<hbm>>
    %dma_start3A_777 = tpu.memref_squeeze %dma_start3A_776 : memref<1x32x1024xf32, #tpu.memory_space<hbm>> -> memref<32x1024xf32, #tpu.memory_space<hbm>>
    %dma_start3A_778 = arith.constant 0 : i32
    %dma_start3A_779 = arith.constant 0 : i32
    %dma_start3A_780 = tpu.memref_slice %arg4[%dma_start3A_766, %dma_start3A_778, %dma_start3A_779] : memref<2x32x1024xf32, #tpu.memory_space<vmem>> -> memref<1x32x1024xf32, #tpu.memory_space<vmem>>
    %dma_start3A_781 = tpu.memref_squeeze %dma_start3A_780 : memref<1x32x1024xf32, #tpu.memory_space<vmem>> -> memref<32x1024xf32, #tpu.memory_space<vmem>>
    tpu.enqueue_dma source(%dma_start3A_781 : memref<32x1024xf32, #tpu.memory_space<vmem>>) target(%dma_start3A_777 : memref<32x1024xf32, #tpu.memory_space<hbm>>) target_semaphore(%arg6 : memref<!tpu.dma_semaphore, #tpu.memory_space<semaphore_mem>>)
    %dma_start3A_782 = arith.constant 0 : i32
    %dma_start3A_783 = arith.constant 2 : i32
    %dma_start3A_784 = arith.constant 0 : i32
    %dma_start3A_785 = arith.constant 0 : i32
    %dma_start3A_786 = tpu.memref_slice %arg4[%dma_start3A_782, %dma_start3A_784, %dma_start3A_785] : memref<2x32x1024xf32, #tpu.memory_space<vmem>> -> memref<1x32x1024xf32, #tpu.memory_space<vmem>>
    %dma_start3A_787 = tpu.memref_squeeze %dma_start3A_786 : memref<1x32x1024xf32, #tpu.memory_space<vmem>> -> memref<32x1024xf32, #tpu.memory_space<vmem>>
    %dma_start3A_788 = arith.constant 0 : i32
    %dma_start3A_789 = tpu.memref_slice %arg3[%dma_start3A_783, %add3A_747, %dma_start3A_788] : memref<4x8192x1024xf32, #tpu.memory_space<hbm>> -> memref<1x32x1024xf32, #tpu.memory_space<hbm>>
    %dma_start3A_790 = tpu.memref_squeeze %dma_start3A_789 : memref<1x32x1024xf32, #tpu.memory_space<hbm>> -> memref<32x1024xf32, #tpu.memory_space<hbm>>
    %dma_start3A_791 = arith.constant 0 : i32
    %dma_start3A_792 = tpu.memref_slice %arg3[%dma_start3A_783, %add3A_747, %dma_start3A_791] : memref<4x8192x1024xf32, #tpu.memory_space<hbm>> -> memref<1x32x1024xf32, #tpu.memory_space<hbm>>
    %dma_start3A_793 = tpu.memref_squeeze %dma_start3A_792 : memref<1x32x1024xf32, #tpu.memory_space<hbm>> -> memref<32x1024xf32, #tpu.memory_space<hbm>>
    %dma_start3A_794 = arith.constant 0 : i32
    %dma_start3A_795 = arith.constant 0 : i32
    %dma_start3A_796 = tpu.memref_slice %arg4[%dma_start3A_782, %dma_start3A_794, %dma_start3A_795] : memref<2x32x1024xf32, #tpu.memory_space<vmem>> -> memref<1x32x1024xf32, #tpu.memory_space<vmem>>
    %dma_start3A_797 = tpu.memref_squeeze %dma_start3A_796 : memref<1x32x1024xf32, #tpu.memory_space<vmem>> -> memref<32x1024xf32, #tpu.memory_space<vmem>>
    tpu.enqueue_dma source(%dma_start3A_797 : memref<32x1024xf32, #tpu.memory_space<vmem>>) target(%dma_start3A_793 : memref<32x1024xf32, #tpu.memory_space<hbm>>) target_semaphore(%arg6 : memref<!tpu.dma_semaphore, #tpu.memory_space<semaphore_mem>>)
    %dma_start3A_798 = arith.constant 0 : i32
    %dma_start3A_799 = arith.constant 3 : i32
    %dma_start3A_800 = arith.constant 0 : i32
    %dma_start3A_801 = arith.constant 0 : i32
    %dma_start3A_802 = tpu.memref_slice %arg4[%dma_start3A_798, %dma_start3A_800, %dma_start3A_801] : memref<2x32x1024xf32, #tpu.memory_space<vmem>> -> memref<1x32x1024xf32, #tpu.memory_space<vmem>>
    %dma_start3A_803 = tpu.memref_squeeze %dma_start3A_802 : memref<1x32x1024xf32, #tpu.memory_space<vmem>> -> memref<32x1024xf32, #tpu.memory_space<vmem>>
    %dma_start3A_804 = arith.constant 0 : i32
    %dma_start3A_805 = tpu.memref_slice %arg3[%dma_start3A_799, %add3A_749, %dma_start3A_804] : memref<4x8192x1024xf32, #tpu.memory_space<hbm>> -> memref<1x32x1024xf32, #tpu.memory_space<hbm>>
    %dma_start3A_806 = tpu.memref_squeeze %dma_start3A_805 : memref<1x32x1024xf32, #tpu.memory_space<hbm>> -> memref<32x1024xf32, #tpu.memory_space<hbm>>
    %dma_start3A_807 = arith.constant 0 : i32
    %dma_start3A_808 = tpu.memref_slice %arg3[%dma_start3A_799, %add3A_749, %dma_start3A_807] : memref<4x8192x1024xf32, #tpu.memory_space<hbm>> -> memref<1x32x1024xf32, #tpu.memory_space<hbm>>
    %dma_start3A_809 = tpu.memref_squeeze %dma_start3A_808 : memref<1x32x1024xf32, #tpu.memory_space<hbm>> -> memref<32x1024xf32, #tpu.memory_space<hbm>>
    %dma_start3A_810 = arith.constant 0 : i32
    %dma_start3A_811 = arith.constant 0 : i32
    %dma_start3A_812 = tpu.memref_slice %arg4[%dma_start3A_798, %dma_start3A_810, %dma_start3A_811] : memref<2x32x1024xf32, #tpu.memory_space<vmem>> -> memref<1x32x1024xf32, #tpu.memory_space<vmem>>
    %dma_start3A_813 = tpu.memref_squeeze %dma_start3A_812 : memref<1x32x1024xf32, #tpu.memory_space<vmem>> -> memref<32x1024xf32, #tpu.memory_space<vmem>>
    tpu.enqueue_dma source(%dma_start3A_813 : memref<32x1024xf32, #tpu.memory_space<vmem>>) target(%dma_start3A_809 : memref<32x1024xf32, #tpu.memory_space<hbm>>) target_semaphore(%arg6 : memref<!tpu.dma_semaphore, #tpu.memory_space<semaphore_mem>>)
    %add3A_814 = arith.constant 128 : i32
    %add3A_815 = arith.addi %mul3A_2, %add3A_814 : i32
    %add3A_816 = arith.constant 128 : i32
    %add3A_817 = arith.addi %mul3A_2, %add3A_816 : i32
    %add3A_818 = arith.constant 128 : i32
    %add3A_819 = arith.addi %mul3A_2, %add3A_818 : i32
    %add3A_820 = arith.constant 128 : i32
    %add3A_821 = arith.addi %mul3A_2, %add3A_820 : i32
    %dma_wait3A_822 = arith.constant 0 : i32
    %dma_wait3A_823 = arith.constant 0 : i32
    %dma_wait3A_824 = arith.constant 0 : i32
    %dma_wait3A_825 = arith.constant 0 : i32
    %dma_wait3A_826 = tpu.memref_slice %arg4[%dma_wait3A_822, %dma_wait3A_824, %dma_wait3A_825] : memref<2x32x1024xf32, #tpu.memory_space<vmem>> -> memref<1x32x1024xf32, #tpu.memory_space<vmem>>
    %dma_wait3A_827 = tpu.memref_squeeze %dma_wait3A_826 : memref<1x32x1024xf32, #tpu.memory_space<vmem>> -> memref<32x1024xf32, #tpu.memory_space<vmem>>
    %dma_wait3A_828 = arith.constant 0 : i32
    %dma_wait3A_829 = tpu.memref_slice %arg3[%dma_wait3A_823, %add3A_815, %dma_wait3A_828] : memref<4x8192x1024xf32, #tpu.memory_space<hbm>> -> memref<1x32x1024xf32, #tpu.memory_space<hbm>>
    %dma_wait3A_830 = tpu.memref_squeeze %dma_wait3A_829 : memref<1x32x1024xf32, #tpu.memory_space<hbm>> -> memref<32x1024xf32, #tpu.memory_space<hbm>>
    %dma_wait3A_831 = arith.constant 0 : i32
    %dma_wait3A_832 = tpu.memref_slice %arg3[%dma_wait3A_823, %add3A_815, %dma_wait3A_831] : memref<4x8192x1024xf32, #tpu.memory_space<hbm>> -> memref<1x32x1024xf32, #tpu.memory_space<hbm>>
    %dma_wait3A_833 = tpu.memref_squeeze %dma_wait3A_832 : memref<1x32x1024xf32, #tpu.memory_space<hbm>> -> memref<32x1024xf32, #tpu.memory_space<hbm>>
    %dma_wait3A_834 = arith.constant 0 : i32
    %dma_wait3A_835 = arith.constant 0 : i32
    %dma_wait3A_836 = tpu.memref_slice %arg4[%dma_wait3A_822, %dma_wait3A_834, %dma_wait3A_835] : memref<2x32x1024xf32, #tpu.memory_space<vmem>> -> memref<1x32x1024xf32, #tpu.memory_space<vmem>>
    %dma_wait3A_837 = tpu.memref_squeeze %dma_wait3A_836 : memref<1x32x1024xf32, #tpu.memory_space<vmem>> -> memref<32x1024xf32, #tpu.memory_space<vmem>>
    tpu.wait_dma2 semaphore(%arg6 : memref<!tpu.dma_semaphore, #tpu.memory_space<semaphore_mem>>) src(%dma_wait3A_837 : memref<32x1024xf32, #tpu.memory_space<vmem>>) dst(%dma_wait3A_833 : memref<32x1024xf32, #tpu.memory_space<hbm>>)
    %dma_wait3A_838 = arith.constant 0 : i32
    %dma_wait3A_839 = arith.constant 1 : i32
    %dma_wait3A_840 = arith.constant 0 : i32
    %dma_wait3A_841 = arith.constant 0 : i32
    %dma_wait3A_842 = tpu.memref_slice %arg4[%dma_wait3A_838, %dma_wait3A_840, %dma_wait3A_841] : memref<2x32x1024xf32, #tpu.memory_space<vmem>> -> memref<1x32x1024xf32, #tpu.memory_space<vmem>>
    %dma_wait3A_843 = tpu.memref_squeeze %dma_wait3A_842 : memref<1x32x1024xf32, #tpu.memory_space<vmem>> -> memref<32x1024xf32, #tpu.memory_space<vmem>>
    %dma_wait3A_844 = arith.constant 0 : i32
    %dma_wait3A_845 = tpu.memref_slice %arg3[%dma_wait3A_839, %add3A_817, %dma_wait3A_844] : memref<4x8192x1024xf32, #tpu.memory_space<hbm>> -> memref<1x32x1024xf32, #tpu.memory_space<hbm>>
    %dma_wait3A_846 = tpu.memref_squeeze %dma_wait3A_845 : memref<1x32x1024xf32, #tpu.memory_space<hbm>> -> memref<32x1024xf32, #tpu.memory_space<hbm>>
    %dma_wait3A_847 = arith.constant 0 : i32
    %dma_wait3A_848 = tpu.memref_slice %arg3[%dma_wait3A_839, %add3A_817, %dma_wait3A_847] : memref<4x8192x1024xf32, #tpu.memory_space<hbm>> -> memref<1x32x1024xf32, #tpu.memory_space<hbm>>
    %dma_wait3A_849 = tpu.memref_squeeze %dma_wait3A_848 : memref<1x32x1024xf32, #tpu.memory_space<hbm>> -> memref<32x1024xf32, #tpu.memory_space<hbm>>
    %dma_wait3A_850 = arith.constant 0 : i32
    %dma_wait3A_851 = arith.constant 0 : i32
    %dma_wait3A_852 = tpu.memref_slice %arg4[%dma_wait3A_838, %dma_wait3A_850, %dma_wait3A_851] : memref<2x32x1024xf32, #tpu.memory_space<vmem>> -> memref<1x32x1024xf32, #tpu.memory_space<vmem>>
    %dma_wait3A_853 = tpu.memref_squeeze %dma_wait3A_852 : memref<1x32x1024xf32, #tpu.memory_space<vmem>> -> memref<32x1024xf32, #tpu.memory_space<vmem>>
    tpu.wait_dma2 semaphore(%arg6 : memref<!tpu.dma_semaphore, #tpu.memory_space<semaphore_mem>>) src(%dma_wait3A_853 : memref<32x1024xf32, #tpu.memory_space<vmem>>) dst(%dma_wait3A_849 : memref<32x1024xf32, #tpu.memory_space<hbm>>)
    %dma_wait3A_854 = arith.constant 0 : i32
    %dma_wait3A_855 = arith.constant 2 : i32
    %dma_wait3A_856 = arith.constant 0 : i32
    %dma_wait3A_857 = arith.constant 0 : i32
    %dma_wait3A_858 = tpu.memref_slice %arg4[%dma_wait3A_854, %dma_wait3A_856, %dma_wait3A_857] : memref<2x32x1024xf32, #tpu.memory_space<vmem>> -> memref<1x32x1024xf32, #tpu.memory_space<vmem>>
    %dma_wait3A_859 = tpu.memref_squeeze %dma_wait3A_858 : memref<1x32x1024xf32, #tpu.memory_space<vmem>> -> memref<32x1024xf32, #tpu.memory_space<vmem>>
    %dma_wait3A_860 = arith.constant 0 : i32
    %dma_wait3A_861 = tpu.memref_slice %arg3[%dma_wait3A_855, %add3A_819, %dma_wait3A_860] : memref<4x8192x1024xf32, #tpu.memory_space<hbm>> -> memref<1x32x1024xf32, #tpu.memory_space<hbm>>
    %dma_wait3A_862 = tpu.memref_squeeze %dma_wait3A_861 : memref<1x32x1024xf32, #tpu.memory_space<hbm>> -> memref<32x1024xf32, #tpu.memory_space<hbm>>
    %dma_wait3A_863 = arith.constant 0 : i32
    %dma_wait3A_864 = tpu.memref_slice %arg3[%dma_wait3A_855, %add3A_819, %dma_wait3A_863] : memref<4x8192x1024xf32, #tpu.memory_space<hbm>> -> memref<1x32x1024xf32, #tpu.memory_space<hbm>>
    %dma_wait3A_865 = tpu.memref_squeeze %dma_wait3A_864 : memref<1x32x1024xf32, #tpu.memory_space<hbm>> -> memref<32x1024xf32, #tpu.memory_space<hbm>>
    %dma_wait3A_866 = arith.constant 0 : i32
    %dma_wait3A_867 = arith.constant 0 : i32
    %dma_wait3A_868 = tpu.memref_slice %arg4[%dma_wait3A_854, %dma_wait3A_866, %dma_wait3A_867] : memref<2x32x1024xf32, #tpu.memory_space<vmem>> -> memref<1x32x1024xf32, #tpu.memory_space<vmem>>
    %dma_wait3A_869 = tpu.memref_squeeze %dma_wait3A_868 : memref<1x32x1024xf32, #tpu.memory_space<vmem>> -> memref<32x1024xf32, #tpu.memory_space<vmem>>
    tpu.wait_dma2 semaphore(%arg6 : memref<!tpu.dma_semaphore, #tpu.memory_space<semaphore_mem>>) src(%dma_wait3A_869 : memref<32x1024xf32, #tpu.memory_space<vmem>>) dst(%dma_wait3A_865 : memref<32x1024xf32, #tpu.memory_space<hbm>>)
    %dma_wait3A_870 = arith.constant 0 : i32
    %dma_wait3A_871 = arith.constant 3 : i32
    %dma_wait3A_872 = arith.constant 0 : i32
    %dma_wait3A_873 = arith.constant 0 : i32
    %dma_wait3A_874 = tpu.memref_slice %arg4[%dma_wait3A_870, %dma_wait3A_872, %dma_wait3A_873] : memref<2x32x1024xf32, #tpu.memory_space<vmem>> -> memref<1x32x1024xf32, #tpu.memory_space<vmem>>
    %dma_wait3A_875 = tpu.memref_squeeze %dma_wait3A_874 : memref<1x32x1024xf32, #tpu.memory_space<vmem>> -> memref<32x1024xf32, #tpu.memory_space<vmem>>
    %dma_wait3A_876 = arith.constant 0 : i32
    %dma_wait3A_877 = tpu.memref_slice %arg3[%dma_wait3A_871, %add3A_821, %dma_wait3A_876] : memref<4x8192x1024xf32, #tpu.memory_space<hbm>> -> memref<1x32x1024xf32, #tpu.memory_space<hbm>>
    %dma_wait3A_878 = tpu.memref_squeeze %dma_wait3A_877 : memref<1x32x1024xf32, #tpu.memory_space<hbm>> -> memref<32x1024xf32, #tpu.memory_space<hbm>>
    %dma_wait3A_879 = arith.constant 0 : i32
    %dma_wait3A_880 = tpu.memref_slice %arg3[%dma_wait3A_871, %add3A_821, %dma_wait3A_879] : memref<4x8192x1024xf32, #tpu.memory_space<hbm>> -> memref<1x32x1024xf32, #tpu.memory_space<hbm>>
    %dma_wait3A_881 = tpu.memref_squeeze %dma_wait3A_880 : memref<1x32x1024xf32, #tpu.memory_space<hbm>> -> memref<32x1024xf32, #tpu.memory_space<hbm>>
    %dma_wait3A_882 = arith.constant 0 : i32
    %dma_wait3A_883 = arith.constant 0 : i32
    %dma_wait3A_884 = tpu.memref_slice %arg4[%dma_wait3A_870, %dma_wait3A_882, %dma_wait3A_883] : memref<2x32x1024xf32, #tpu.memory_space<vmem>> -> memref<1x32x1024xf32, #tpu.memory_space<vmem>>
    %dma_wait3A_885 = tpu.memref_squeeze %dma_wait3A_884 : memref<1x32x1024xf32, #tpu.memory_space<vmem>> -> memref<32x1024xf32, #tpu.memory_space<vmem>>
    tpu.wait_dma2 semaphore(%arg6 : memref<!tpu.dma_semaphore, #tpu.memory_space<semaphore_mem>>) src(%dma_wait3A_885 : memref<32x1024xf32, #tpu.memory_space<vmem>>) dst(%dma_wait3A_881 : memref<32x1024xf32, #tpu.memory_space<hbm>>)
    %add3A_886 = arith.constant 192 : i32
    %add3A_887 = arith.addi %mul3A_2, %add3A_886 : i32
    %dma_start3A_888 = arith.constant 0 : i32
    %dma_start3A_889 = arith.constant 0 : i32
    %dma_start3A_890 = arith.constant 0 : i32
    %dma_start3A_891 = tpu.memref_slice %arg4[%dma_start3A_888, %dma_start3A_889, %dma_start3A_890] : memref<2x32x1024xf32, #tpu.memory_space<vmem>> -> memref<1x32x1024xf32, #tpu.memory_space<vmem>>
    %dma_start3A_892 = tpu.memref_squeeze %dma_start3A_891 : memref<1x32x1024xf32, #tpu.memory_space<vmem>> -> memref<32x1024xf32, #tpu.memory_space<vmem>>
    %dma_start3A_893 = arith.constant 0 : i32
    %dma_start3A_894 = tpu.memref_slice %arg2[%add3A_887, %dma_start3A_893] : memref<8192x1024xf32, #tpu.memory_space<hbm>> -> memref<32x1024xf32, #tpu.memory_space<hbm>>
    %dma_start3A_895 = arith.constant 0 : i32
    %dma_start3A_896 = arith.constant 0 : i32
    %dma_start3A_897 = tpu.memref_slice %arg4[%dma_start3A_888, %dma_start3A_895, %dma_start3A_896] : memref<2x32x1024xf32, #tpu.memory_space<vmem>> -> memref<1x32x1024xf32, #tpu.memory_space<vmem>>
    %dma_start3A_898 = tpu.memref_squeeze %dma_start3A_897 : memref<1x32x1024xf32, #tpu.memory_space<vmem>> -> memref<32x1024xf32, #tpu.memory_space<vmem>>
    %dma_start3A_899 = arith.constant 0 : i32
    %dma_start3A_900 = tpu.memref_slice %arg2[%add3A_887, %dma_start3A_899] : memref<8192x1024xf32, #tpu.memory_space<hbm>> -> memref<32x1024xf32, #tpu.memory_space<hbm>>
    tpu.enqueue_dma source(%dma_start3A_900 : memref<32x1024xf32, #tpu.memory_space<hbm>>) target(%dma_start3A_898 : memref<32x1024xf32, #tpu.memory_space<vmem>>) target_semaphore(%arg5 : memref<!tpu.dma_semaphore, #tpu.memory_space<semaphore_mem>>)
    %add3A_901 = arith.constant 160 : i32
    %add3A_902 = arith.addi %mul3A_2, %add3A_901 : i32
    %dma_wait3A_903 = arith.constant 1 : i32
    %dma_wait3A_904 = arith.constant 0 : i32
    %dma_wait3A_905 = arith.constant 0 : i32
    %dma_wait3A_906 = tpu.memref_slice %arg4[%dma_wait3A_903, %dma_wait3A_904, %dma_wait3A_905] : memref<2x32x1024xf32, #tpu.memory_space<vmem>> -> memref<1x32x1024xf32, #tpu.memory_space<vmem>>
    %dma_wait3A_907 = tpu.memref_squeeze %dma_wait3A_906 : memref<1x32x1024xf32, #tpu.memory_space<vmem>> -> memref<32x1024xf32, #tpu.memory_space<vmem>>
    %dma_wait3A_908 = arith.constant 0 : i32
    %dma_wait3A_909 = tpu.memref_slice %arg2[%add3A_902, %dma_wait3A_908] : memref<8192x1024xf32, #tpu.memory_space<hbm>> -> memref<32x1024xf32, #tpu.memory_space<hbm>>
    %dma_wait3A_910 = arith.constant 0 : i32
    %dma_wait3A_911 = arith.constant 0 : i32
    %dma_wait3A_912 = tpu.memref_slice %arg4[%dma_wait3A_903, %dma_wait3A_910, %dma_wait3A_911] : memref<2x32x1024xf32, #tpu.memory_space<vmem>> -> memref<1x32x1024xf32, #tpu.memory_space<vmem>>
    %dma_wait3A_913 = tpu.memref_squeeze %dma_wait3A_912 : memref<1x32x1024xf32, #tpu.memory_space<vmem>> -> memref<32x1024xf32, #tpu.memory_space<vmem>>
    %dma_wait3A_914 = arith.constant 0 : i32
    %dma_wait3A_915 = tpu.memref_slice %arg2[%add3A_902, %dma_wait3A_914] : memref<8192x1024xf32, #tpu.memory_space<hbm>> -> memref<32x1024xf32, #tpu.memory_space<hbm>>
    tpu.wait_dma2 semaphore(%arg5 : memref<!tpu.dma_semaphore, #tpu.memory_space<semaphore_mem>>) src(%dma_wait3A_915 : memref<32x1024xf32, #tpu.memory_space<hbm>>) dst(%dma_wait3A_913 : memref<32x1024xf32, #tpu.memory_space<vmem>>)
    %add3A_916 = arith.constant 160 : i32
    %add3A_917 = arith.addi %mul3A_2, %add3A_916 : i32
    %add3A_918 = arith.constant 160 : i32
    %add3A_919 = arith.addi %mul3A_2, %add3A_918 : i32
    %add3A_920 = arith.constant 160 : i32
    %add3A_921 = arith.addi %mul3A_2, %add3A_920 : i32
    %add3A_922 = arith.constant 160 : i32
    %add3A_923 = arith.addi %mul3A_2, %add3A_922 : i32
    %dma_start3A_924 = arith.constant 1 : i32
    %dma_start3A_925 = arith.constant 0 : i32
    %dma_start3A_926 = arith.constant 0 : i32
    %dma_start3A_927 = arith.constant 0 : i32
    %dma_start3A_928 = tpu.memref_slice %arg4[%dma_start3A_924, %dma_start3A_926, %dma_start3A_927] : memref<2x32x1024xf32, #tpu.memory_space<vmem>> -> memref<1x32x1024xf32, #tpu.memory_space<vmem>>
    %dma_start3A_929 = tpu.memref_squeeze %dma_start3A_928 : memref<1x32x1024xf32, #tpu.memory_space<vmem>> -> memref<32x1024xf32, #tpu.memory_space<vmem>>
    %dma_start3A_930 = arith.constant 0 : i32
    %dma_start3A_931 = tpu.memref_slice %arg3[%dma_start3A_925, %add3A_917, %dma_start3A_930] : memref<4x8192x1024xf32, #tpu.memory_space<hbm>> -> memref<1x32x1024xf32, #tpu.memory_space<hbm>>
    %dma_start3A_932 = tpu.memref_squeeze %dma_start3A_931 : memref<1x32x1024xf32, #tpu.memory_space<hbm>> -> memref<32x1024xf32, #tpu.memory_space<hbm>>
    %dma_start3A_933 = arith.constant 0 : i32
    %dma_start3A_934 = tpu.memref_slice %arg3[%dma_start3A_925, %add3A_917, %dma_start3A_933] : memref<4x8192x1024xf32, #tpu.memory_space<hbm>> -> memref<1x32x1024xf32, #tpu.memory_space<hbm>>
    %dma_start3A_935 = tpu.memref_squeeze %dma_start3A_934 : memref<1x32x1024xf32, #tpu.memory_space<hbm>> -> memref<32x1024xf32, #tpu.memory_space<hbm>>
    %dma_start3A_936 = arith.constant 0 : i32
    %dma_start3A_937 = arith.constant 0 : i32
    %dma_start3A_938 = tpu.memref_slice %arg4[%dma_start3A_924, %dma_start3A_936, %dma_start3A_937] : memref<2x32x1024xf32, #tpu.memory_space<vmem>> -> memref<1x32x1024xf32, #tpu.memory_space<vmem>>
    %dma_start3A_939 = tpu.memref_squeeze %dma_start3A_938 : memref<1x32x1024xf32, #tpu.memory_space<vmem>> -> memref<32x1024xf32, #tpu.memory_space<vmem>>
    tpu.enqueue_dma source(%dma_start3A_939 : memref<32x1024xf32, #tpu.memory_space<vmem>>) target(%dma_start3A_935 : memref<32x1024xf32, #tpu.memory_space<hbm>>) target_semaphore(%arg6 : memref<!tpu.dma_semaphore, #tpu.memory_space<semaphore_mem>>)
    %dma_start3A_940 = arith.constant 1 : i32
    %dma_start3A_941 = arith.constant 1 : i32
    %dma_start3A_942 = arith.constant 0 : i32
    %dma_start3A_943 = arith.constant 0 : i32
    %dma_start3A_944 = tpu.memref_slice %arg4[%dma_start3A_940, %dma_start3A_942, %dma_start3A_943] : memref<2x32x1024xf32, #tpu.memory_space<vmem>> -> memref<1x32x1024xf32, #tpu.memory_space<vmem>>
    %dma_start3A_945 = tpu.memref_squeeze %dma_start3A_944 : memref<1x32x1024xf32, #tpu.memory_space<vmem>> -> memref<32x1024xf32, #tpu.memory_space<vmem>>
    %dma_start3A_946 = arith.constant 0 : i32
    %dma_start3A_947 = tpu.memref_slice %arg3[%dma_start3A_941, %add3A_919, %dma_start3A_946] : memref<4x8192x1024xf32, #tpu.memory_space<hbm>> -> memref<1x32x1024xf32, #tpu.memory_space<hbm>>
    %dma_start3A_948 = tpu.memref_squeeze %dma_start3A_947 : memref<1x32x1024xf32, #tpu.memory_space<hbm>> -> memref<32x1024xf32, #tpu.memory_space<hbm>>
    %dma_start3A_949 = arith.constant 0 : i32
    %dma_start3A_950 = tpu.memref_slice %arg3[%dma_start3A_941, %add3A_919, %dma_start3A_949] : memref<4x8192x1024xf32, #tpu.memory_space<hbm>> -> memref<1x32x1024xf32, #tpu.memory_space<hbm>>
    %dma_start3A_951 = tpu.memref_squeeze %dma_start3A_950 : memref<1x32x1024xf32, #tpu.memory_space<hbm>> -> memref<32x1024xf32, #tpu.memory_space<hbm>>
    %dma_start3A_952 = arith.constant 0 : i32
    %dma_start3A_953 = arith.constant 0 : i32
    %dma_start3A_954 = tpu.memref_slice %arg4[%dma_start3A_940, %dma_start3A_952, %dma_start3A_953] : memref<2x32x1024xf32, #tpu.memory_space<vmem>> -> memref<1x32x1024xf32, #tpu.memory_space<vmem>>
    %dma_start3A_955 = tpu.memref_squeeze %dma_start3A_954 : memref<1x32x1024xf32, #tpu.memory_space<vmem>> -> memref<32x1024xf32, #tpu.memory_space<vmem>>
    tpu.enqueue_dma source(%dma_start3A_955 : memref<32x1024xf32, #tpu.memory_space<vmem>>) target(%dma_start3A_951 : memref<32x1024xf32, #tpu.memory_space<hbm>>) target_semaphore(%arg6 : memref<!tpu.dma_semaphore, #tpu.memory_space<semaphore_mem>>)
    %dma_start3A_956 = arith.constant 1 : i32
    %dma_start3A_957 = arith.constant 2 : i32
    %dma_start3A_958 = arith.constant 0 : i32
    %dma_start3A_959 = arith.constant 0 : i32
    %dma_start3A_960 = tpu.memref_slice %arg4[%dma_start3A_956, %dma_start3A_958, %dma_start3A_959] : memref<2x32x1024xf32, #tpu.memory_space<vmem>> -> memref<1x32x1024xf32, #tpu.memory_space<vmem>>
    %dma_start3A_961 = tpu.memref_squeeze %dma_start3A_960 : memref<1x32x1024xf32, #tpu.memory_space<vmem>> -> memref<32x1024xf32, #tpu.memory_space<vmem>>
    %dma_start3A_962 = arith.constant 0 : i32
    %dma_start3A_963 = tpu.memref_slice %arg3[%dma_start3A_957, %add3A_921, %dma_start3A_962] : memref<4x8192x1024xf32, #tpu.memory_space<hbm>> -> memref<1x32x1024xf32, #tpu.memory_space<hbm>>
    %dma_start3A_964 = tpu.memref_squeeze %dma_start3A_963 : memref<1x32x1024xf32, #tpu.memory_space<hbm>> -> memref<32x1024xf32, #tpu.memory_space<hbm>>
    %dma_start3A_965 = arith.constant 0 : i32
    %dma_start3A_966 = tpu.memref_slice %arg3[%dma_start3A_957, %add3A_921, %dma_start3A_965] : memref<4x8192x1024xf32, #tpu.memory_space<hbm>> -> memref<1x32x1024xf32, #tpu.memory_space<hbm>>
    %dma_start3A_967 = tpu.memref_squeeze %dma_start3A_966 : memref<1x32x1024xf32, #tpu.memory_space<hbm>> -> memref<32x1024xf32, #tpu.memory_space<hbm>>
    %dma_start3A_968 = arith.constant 0 : i32
    %dma_start3A_969 = arith.constant 0 : i32
    %dma_start3A_970 = tpu.memref_slice %arg4[%dma_start3A_956, %dma_start3A_968, %dma_start3A_969] : memref<2x32x1024xf32, #tpu.memory_space<vmem>> -> memref<1x32x1024xf32, #tpu.memory_space<vmem>>
    %dma_start3A_971 = tpu.memref_squeeze %dma_start3A_970 : memref<1x32x1024xf32, #tpu.memory_space<vmem>> -> memref<32x1024xf32, #tpu.memory_space<vmem>>
    tpu.enqueue_dma source(%dma_start3A_971 : memref<32x1024xf32, #tpu.memory_space<vmem>>) target(%dma_start3A_967 : memref<32x1024xf32, #tpu.memory_space<hbm>>) target_semaphore(%arg6 : memref<!tpu.dma_semaphore, #tpu.memory_space<semaphore_mem>>)
    %dma_start3A_972 = arith.constant 1 : i32
    %dma_start3A_973 = arith.constant 3 : i32
    %dma_start3A_974 = arith.constant 0 : i32
    %dma_start3A_975 = arith.constant 0 : i32
    %dma_start3A_976 = tpu.memref_slice %arg4[%dma_start3A_972, %dma_start3A_974, %dma_start3A_975] : memref<2x32x1024xf32, #tpu.memory_space<vmem>> -> memref<1x32x1024xf32, #tpu.memory_space<vmem>>
    %dma_start3A_977 = tpu.memref_squeeze %dma_start3A_976 : memref<1x32x1024xf32, #tpu.memory_space<vmem>> -> memref<32x1024xf32, #tpu.memory_space<vmem>>
    %dma_start3A_978 = arith.constant 0 : i32
    %dma_start3A_979 = tpu.memref_slice %arg3[%dma_start3A_973, %add3A_923, %dma_start3A_978] : memref<4x8192x1024xf32, #tpu.memory_space<hbm>> -> memref<1x32x1024xf32, #tpu.memory_space<hbm>>
    %dma_start3A_980 = tpu.memref_squeeze %dma_start3A_979 : memref<1x32x1024xf32, #tpu.memory_space<hbm>> -> memref<32x1024xf32, #tpu.memory_space<hbm>>
    %dma_start3A_981 = arith.constant 0 : i32
    %dma_start3A_982 = tpu.memref_slice %arg3[%dma_start3A_973, %add3A_923, %dma_start3A_981] : memref<4x8192x1024xf32, #tpu.memory_space<hbm>> -> memref<1x32x1024xf32, #tpu.memory_space<hbm>>
    %dma_start3A_983 = tpu.memref_squeeze %dma_start3A_982 : memref<1x32x1024xf32, #tpu.memory_space<hbm>> -> memref<32x1024xf32, #tpu.memory_space<hbm>>
    %dma_start3A_984 = arith.constant 0 : i32
    %dma_start3A_985 = arith.constant 0 : i32
    %dma_start3A_986 = tpu.memref_slice %arg4[%dma_start3A_972, %dma_start3A_984, %dma_start3A_985] : memref<2x32x1024xf32, #tpu.memory_space<vmem>> -> memref<1x32x1024xf32, #tpu.memory_space<vmem>>
    %dma_start3A_987 = tpu.memref_squeeze %dma_start3A_986 : memref<1x32x1024xf32, #tpu.memory_space<vmem>> -> memref<32x1024xf32, #tpu.memory_space<vmem>>
    tpu.enqueue_dma source(%dma_start3A_987 : memref<32x1024xf32, #tpu.memory_space<vmem>>) target(%dma_start3A_983 : memref<32x1024xf32, #tpu.memory_space<hbm>>) target_semaphore(%arg6 : memref<!tpu.dma_semaphore, #tpu.memory_space<semaphore_mem>>)
    %add3A_988 = arith.constant 160 : i32
    %add3A_989 = arith.addi %mul3A_2, %add3A_988 : i32
    %add3A_990 = arith.constant 160 : i32
    %add3A_991 = arith.addi %mul3A_2, %add3A_990 : i32
    %add3A_992 = arith.constant 160 : i32
    %add3A_993 = arith.addi %mul3A_2, %add3A_992 : i32
    %add3A_994 = arith.constant 160 : i32
    %add3A_995 = arith.addi %mul3A_2, %add3A_994 : i32
    %dma_wait3A_996 = arith.constant 1 : i32
    %dma_wait3A_997 = arith.constant 0 : i32
    %dma_wait3A_998 = arith.constant 0 : i32
    %dma_wait3A_999 = arith.constant 0 : i32
    %dma_wait3A_1000 = tpu.memref_slice %arg4[%dma_wait3A_996, %dma_wait3A_998, %dma_wait3A_999] : memref<2x32x1024xf32, #tpu.memory_space<vmem>> -> memref<1x32x1024xf32, #tpu.memory_space<vmem>>
    %dma_wait3A_1001 = tpu.memref_squeeze %dma_wait3A_1000 : memref<1x32x1024xf32, #tpu.memory_space<vmem>> -> memref<32x1024xf32, #tpu.memory_space<vmem>>
    %dma_wait3A_1002 = arith.constant 0 : i32
    %dma_wait3A_1003 = tpu.memref_slice %arg3[%dma_wait3A_997, %add3A_989, %dma_wait3A_1002] : memref<4x8192x1024xf32, #tpu.memory_space<hbm>> -> memref<1x32x1024xf32, #tpu.memory_space<hbm>>
    %dma_wait3A_1004 = tpu.memref_squeeze %dma_wait3A_1003 : memref<1x32x1024xf32, #tpu.memory_space<hbm>> -> memref<32x1024xf32, #tpu.memory_space<hbm>>
    %dma_wait3A_1005 = arith.constant 0 : i32
    %dma_wait3A_1006 = tpu.memref_slice %arg3[%dma_wait3A_997, %add3A_989, %dma_wait3A_1005] : memref<4x8192x1024xf32, #tpu.memory_space<hbm>> -> memref<1x32x1024xf32, #tpu.memory_space<hbm>>
    %dma_wait3A_1007 = tpu.memref_squeeze %dma_wait3A_1006 : memref<1x32x1024xf32, #tpu.memory_space<hbm>> -> memref<32x1024xf32, #tpu.memory_space<hbm>>
    %dma_wait3A_1008 = arith.constant 0 : i32
    %dma_wait3A_1009 = arith.constant 0 : i32
    %dma_wait3A_1010 = tpu.memref_slice %arg4[%dma_wait3A_996, %dma_wait3A_1008, %dma_wait3A_1009] : memref<2x32x1024xf32, #tpu.memory_space<vmem>> -> memref<1x32x1024xf32, #tpu.memory_space<vmem>>
    %dma_wait3A_1011 = tpu.memref_squeeze %dma_wait3A_1010 : memref<1x32x1024xf32, #tpu.memory_space<vmem>> -> memref<32x1024xf32, #tpu.memory_space<vmem>>
    tpu.wait_dma2 semaphore(%arg6 : memref<!tpu.dma_semaphore, #tpu.memory_space<semaphore_mem>>) src(%dma_wait3A_1011 : memref<32x1024xf32, #tpu.memory_space<vmem>>) dst(%dma_wait3A_1007 : memref<32x1024xf32, #tpu.memory_space<hbm>>)
    %dma_wait3A_1012 = arith.constant 1 : i32
    %dma_wait3A_1013 = arith.constant 1 : i32
    %dma_wait3A_1014 = arith.constant 0 : i32
    %dma_wait3A_1015 = arith.constant 0 : i32
    %dma_wait3A_1016 = tpu.memref_slice %arg4[%dma_wait3A_1012, %dma_wait3A_1014, %dma_wait3A_1015] : memref<2x32x1024xf32, #tpu.memory_space<vmem>> -> memref<1x32x1024xf32, #tpu.memory_space<vmem>>
    %dma_wait3A_1017 = tpu.memref_squeeze %dma_wait3A_1016 : memref<1x32x1024xf32, #tpu.memory_space<vmem>> -> memref<32x1024xf32, #tpu.memory_space<vmem>>
    %dma_wait3A_1018 = arith.constant 0 : i32
    %dma_wait3A_1019 = tpu.memref_slice %arg3[%dma_wait3A_1013, %add3A_991, %dma_wait3A_1018] : memref<4x8192x1024xf32, #tpu.memory_space<hbm>> -> memref<1x32x1024xf32, #tpu.memory_space<hbm>>
    %dma_wait3A_1020 = tpu.memref_squeeze %dma_wait3A_1019 : memref<1x32x1024xf32, #tpu.memory_space<hbm>> -> memref<32x1024xf32, #tpu.memory_space<hbm>>
    %dma_wait3A_1021 = arith.constant 0 : i32
    %dma_wait3A_1022 = tpu.memref_slice %arg3[%dma_wait3A_1013, %add3A_991, %dma_wait3A_1021] : memref<4x8192x1024xf32, #tpu.memory_space<hbm>> -> memref<1x32x1024xf32, #tpu.memory_space<hbm>>
    %dma_wait3A_1023 = tpu.memref_squeeze %dma_wait3A_1022 : memref<1x32x1024xf32, #tpu.memory_space<hbm>> -> memref<32x1024xf32, #tpu.memory_space<hbm>>
    %dma_wait3A_1024 = arith.constant 0 : i32
    %dma_wait3A_1025 = arith.constant 0 : i32
    %dma_wait3A_1026 = tpu.memref_slice %arg4[%dma_wait3A_1012, %dma_wait3A_1024, %dma_wait3A_1025] : memref<2x32x1024xf32, #tpu.memory_space<vmem>> -> memref<1x32x1024xf32, #tpu.memory_space<vmem>>
    %dma_wait3A_1027 = tpu.memref_squeeze %dma_wait3A_1026 : memref<1x32x1024xf32, #tpu.memory_space<vmem>> -> memref<32x1024xf32, #tpu.memory_space<vmem>>
    tpu.wait_dma2 semaphore(%arg6 : memref<!tpu.dma_semaphore, #tpu.memory_space<semaphore_mem>>) src(%dma_wait3A_1027 : memref<32x1024xf32, #tpu.memory_space<vmem>>) dst(%dma_wait3A_1023 : memref<32x1024xf32, #tpu.memory_space<hbm>>)
    %dma_wait3A_1028 = arith.constant 1 : i32
    %dma_wait3A_1029 = arith.constant 2 : i32
    %dma_wait3A_1030 = arith.constant 0 : i32
    %dma_wait3A_1031 = arith.constant 0 : i32
    %dma_wait3A_1032 = tpu.memref_slice %arg4[%dma_wait3A_1028, %dma_wait3A_1030, %dma_wait3A_1031] : memref<2x32x1024xf32, #tpu.memory_space<vmem>> -> memref<1x32x1024xf32, #tpu.memory_space<vmem>>
    %dma_wait3A_1033 = tpu.memref_squeeze %dma_wait3A_1032 : memref<1x32x1024xf32, #tpu.memory_space<vmem>> -> memref<32x1024xf32, #tpu.memory_space<vmem>>
    %dma_wait3A_1034 = arith.constant 0 : i32
    %dma_wait3A_1035 = tpu.memref_slice %arg3[%dma_wait3A_1029, %add3A_993, %dma_wait3A_1034] : memref<4x8192x1024xf32, #tpu.memory_space<hbm>> -> memref<1x32x1024xf32, #tpu.memory_space<hbm>>
    %dma_wait3A_1036 = tpu.memref_squeeze %dma_wait3A_1035 : memref<1x32x1024xf32, #tpu.memory_space<hbm>> -> memref<32x1024xf32, #tpu.memory_space<hbm>>
    %dma_wait3A_1037 = arith.constant 0 : i32
    %dma_wait3A_1038 = tpu.memref_slice %arg3[%dma_wait3A_1029, %add3A_993, %dma_wait3A_1037] : memref<4x8192x1024xf32, #tpu.memory_space<hbm>> -> memref<1x32x1024xf32, #tpu.memory_space<hbm>>
    %dma_wait3A_1039 = tpu.memref_squeeze %dma_wait3A_1038 : memref<1x32x1024xf32, #tpu.memory_space<hbm>> -> memref<32x1024xf32, #tpu.memory_space<hbm>>
    %dma_wait3A_1040 = arith.constant 0 : i32
    %dma_wait3A_1041 = arith.constant 0 : i32
    %dma_wait3A_1042 = tpu.memref_slice %arg4[%dma_wait3A_1028, %dma_wait3A_1040, %dma_wait3A_1041] : memref<2x32x1024xf32, #tpu.memory_space<vmem>> -> memref<1x32x1024xf32, #tpu.memory_space<vmem>>
    %dma_wait3A_1043 = tpu.memref_squeeze %dma_wait3A_1042 : memref<1x32x1024xf32, #tpu.memory_space<vmem>> -> memref<32x1024xf32, #tpu.memory_space<vmem>>
    tpu.wait_dma2 semaphore(%arg6 : memref<!tpu.dma_semaphore, #tpu.memory_space<semaphore_mem>>) src(%dma_wait3A_1043 : memref<32x1024xf32, #tpu.memory_space<vmem>>) dst(%dma_wait3A_1039 : memref<32x1024xf32, #tpu.memory_space<hbm>>)
    %dma_wait3A_1044 = arith.constant 1 : i32
    %dma_wait3A_1045 = arith.constant 3 : i32
    %dma_wait3A_1046 = arith.constant 0 : i32
    %dma_wait3A_1047 = arith.constant 0 : i32
    %dma_wait3A_1048 = tpu.memref_slice %arg4[%dma_wait3A_1044, %dma_wait3A_1046, %dma_wait3A_1047] : memref<2x32x1024xf32, #tpu.memory_space<vmem>> -> memref<1x32x1024xf32, #tpu.memory_space<vmem>>
    %dma_wait3A_1049 = tpu.memref_squeeze %dma_wait3A_1048 : memref<1x32x1024xf32, #tpu.memory_space<vmem>> -> memref<32x1024xf32, #tpu.memory_space<vmem>>
    %dma_wait3A_1050 = arith.constant 0 : i32
    %dma_wait3A_1051 = tpu.memref_slice %arg3[%dma_wait3A_1045, %add3A_995, %dma_wait3A_1050] : memref<4x8192x1024xf32, #tpu.memory_space<hbm>> -> memref<1x32x1024xf32, #tpu.memory_space<hbm>>
    %dma_wait3A_1052 = tpu.memref_squeeze %dma_wait3A_1051 : memref<1x32x1024xf32, #tpu.memory_space<hbm>> -> memref<32x1024xf32, #tpu.memory_space<hbm>>
    %dma_wait3A_1053 = arith.constant 0 : i32
    %dma_wait3A_1054 = tpu.memref_slice %arg3[%dma_wait3A_1045, %add3A_995, %dma_wait3A_1053] : memref<4x8192x1024xf32, #tpu.memory_space<hbm>> -> memref<1x32x1024xf32, #tpu.memory_space<hbm>>
    %dma_wait3A_1055 = tpu.memref_squeeze %dma_wait3A_1054 : memref<1x32x1024xf32, #tpu.memory_space<hbm>> -> memref<32x1024xf32, #tpu.memory_space<hbm>>
    %dma_wait3A_1056 = arith.constant 0 : i32
    %dma_wait3A_1057 = arith.constant 0 : i32
    %dma_wait3A_1058 = tpu.memref_slice %arg4[%dma_wait3A_1044, %dma_wait3A_1056, %dma_wait3A_1057] : memref<2x32x1024xf32, #tpu.memory_space<vmem>> -> memref<1x32x1024xf32, #tpu.memory_space<vmem>>
    %dma_wait3A_1059 = tpu.memref_squeeze %dma_wait3A_1058 : memref<1x32x1024xf32, #tpu.memory_space<vmem>> -> memref<32x1024xf32, #tpu.memory_space<vmem>>
    tpu.wait_dma2 semaphore(%arg6 : memref<!tpu.dma_semaphore, #tpu.memory_space<semaphore_mem>>) src(%dma_wait3A_1059 : memref<32x1024xf32, #tpu.memory_space<vmem>>) dst(%dma_wait3A_1055 : memref<32x1024xf32, #tpu.memory_space<hbm>>)
    %add3A_1060 = arith.constant 224 : i32
    %add3A_1061 = arith.addi %mul3A_2, %add3A_1060 : i32
    %dma_start3A_1062 = arith.constant 1 : i32
    %dma_start3A_1063 = arith.constant 0 : i32
    %dma_start3A_1064 = arith.constant 0 : i32
    %dma_start3A_1065 = tpu.memref_slice %arg4[%dma_start3A_1062, %dma_start3A_1063, %dma_start3A_1064] : memref<2x32x1024xf32, #tpu.memory_space<vmem>> -> memref<1x32x1024xf32, #tpu.memory_space<vmem>>
    %dma_start3A_1066 = tpu.memref_squeeze %dma_start3A_1065 : memref<1x32x1024xf32, #tpu.memory_space<vmem>> -> memref<32x1024xf32, #tpu.memory_space<vmem>>
    %dma_start3A_1067 = arith.constant 0 : i32
    %dma_start3A_1068 = tpu.memref_slice %arg2[%add3A_1061, %dma_start3A_1067] : memref<8192x1024xf32, #tpu.memory_space<hbm>> -> memref<32x1024xf32, #tpu.memory_space<hbm>>
    %dma_start3A_1069 = arith.constant 0 : i32
    %dma_start3A_1070 = arith.constant 0 : i32
    %dma_start3A_1071 = tpu.memref_slice %arg4[%dma_start3A_1062, %dma_start3A_1069, %dma_start3A_1070] : memref<2x32x1024xf32, #tpu.memory_space<vmem>> -> memref<1x32x1024xf32, #tpu.memory_space<vmem>>
    %dma_start3A_1072 = tpu.memref_squeeze %dma_start3A_1071 : memref<1x32x1024xf32, #tpu.memory_space<vmem>> -> memref<32x1024xf32, #tpu.memory_space<vmem>>
    %dma_start3A_1073 = arith.constant 0 : i32
    %dma_start3A_1074 = tpu.memref_slice %arg2[%add3A_1061, %dma_start3A_1073] : memref<8192x1024xf32, #tpu.memory_space<hbm>> -> memref<32x1024xf32, #tpu.memory_space<hbm>>
    tpu.enqueue_dma source(%dma_start3A_1074 : memref<32x1024xf32, #tpu.memory_space<hbm>>) target(%dma_start3A_1072 : memref<32x1024xf32, #tpu.memory_space<vmem>>) target_semaphore(%arg5 : memref<!tpu.dma_semaphore, #tpu.memory_space<semaphore_mem>>)
    %add3A_1075 = arith.constant 192 : i32
    %add3A_1076 = arith.addi %mul3A_2, %add3A_1075 : i32
    %dma_wait3A_1077 = arith.constant 0 : i32
    %dma_wait3A_1078 = arith.constant 0 : i32
    %dma_wait3A_1079 = arith.constant 0 : i32
    %dma_wait3A_1080 = tpu.memref_slice %arg4[%dma_wait3A_1077, %dma_wait3A_1078, %dma_wait3A_1079] : memref<2x32x1024xf32, #tpu.memory_space<vmem>> -> memref<1x32x1024xf32, #tpu.memory_space<vmem>>
    %dma_wait3A_1081 = tpu.memref_squeeze %dma_wait3A_1080 : memref<1x32x1024xf32, #tpu.memory_space<vmem>> -> memref<32x1024xf32, #tpu.memory_space<vmem>>
    %dma_wait3A_1082 = arith.constant 0 : i32
    %dma_wait3A_1083 = tpu.memref_slice %arg2[%add3A_1076, %dma_wait3A_1082] : memref<8192x1024xf32, #tpu.memory_space<hbm>> -> memref<32x1024xf32, #tpu.memory_space<hbm>>
    %dma_wait3A_1084 = arith.constant 0 : i32
    %dma_wait3A_1085 = arith.constant 0 : i32
    %dma_wait3A_1086 = tpu.memref_slice %arg4[%dma_wait3A_1077, %dma_wait3A_1084, %dma_wait3A_1085] : memref<2x32x1024xf32, #tpu.memory_space<vmem>> -> memref<1x32x1024xf32, #tpu.memory_space<vmem>>
    %dma_wait3A_1087 = tpu.memref_squeeze %dma_wait3A_1086 : memref<1x32x1024xf32, #tpu.memory_space<vmem>> -> memref<32x1024xf32, #tpu.memory_space<vmem>>
    %dma_wait3A_1088 = arith.constant 0 : i32
    %dma_wait3A_1089 = tpu.memref_slice %arg2[%add3A_1076, %dma_wait3A_1088] : memref<8192x1024xf32, #tpu.memory_space<hbm>> -> memref<32x1024xf32, #tpu.memory_space<hbm>>
    tpu.wait_dma2 semaphore(%arg5 : memref<!tpu.dma_semaphore, #tpu.memory_space<semaphore_mem>>) src(%dma_wait3A_1089 : memref<32x1024xf32, #tpu.memory_space<hbm>>) dst(%dma_wait3A_1087 : memref<32x1024xf32, #tpu.memory_space<vmem>>)
    %add3A_1090 = arith.constant 192 : i32
    %add3A_1091 = arith.addi %mul3A_2, %add3A_1090 : i32
    %add3A_1092 = arith.constant 192 : i32
    %add3A_1093 = arith.addi %mul3A_2, %add3A_1092 : i32
    %add3A_1094 = arith.constant 192 : i32
    %add3A_1095 = arith.addi %mul3A_2, %add3A_1094 : i32
    %add3A_1096 = arith.constant 192 : i32
    %add3A_1097 = arith.addi %mul3A_2, %add3A_1096 : i32
    %dma_start3A_1098 = arith.constant 0 : i32
    %dma_start3A_1099 = arith.constant 0 : i32
    %dma_start3A_1100 = arith.constant 0 : i32
    %dma_start3A_1101 = arith.constant 0 : i32
    %dma_start3A_1102 = tpu.memref_slice %arg4[%dma_start3A_1098, %dma_start3A_1100, %dma_start3A_1101] : memref<2x32x1024xf32, #tpu.memory_space<vmem>> -> memref<1x32x1024xf32, #tpu.memory_space<vmem>>
    %dma_start3A_1103 = tpu.memref_squeeze %dma_start3A_1102 : memref<1x32x1024xf32, #tpu.memory_space<vmem>> -> memref<32x1024xf32, #tpu.memory_space<vmem>>
    %dma_start3A_1104 = arith.constant 0 : i32
    %dma_start3A_1105 = tpu.memref_slice %arg3[%dma_start3A_1099, %add3A_1091, %dma_start3A_1104] : memref<4x8192x1024xf32, #tpu.memory_space<hbm>> -> memref<1x32x1024xf32, #tpu.memory_space<hbm>>
    %dma_start3A_1106 = tpu.memref_squeeze %dma_start3A_1105 : memref<1x32x1024xf32, #tpu.memory_space<hbm>> -> memref<32x1024xf32, #tpu.memory_space<hbm>>
    %dma_start3A_1107 = arith.constant 0 : i32
    %dma_start3A_1108 = tpu.memref_slice %arg3[%dma_start3A_1099, %add3A_1091, %dma_start3A_1107] : memref<4x8192x1024xf32, #tpu.memory_space<hbm>> -> memref<1x32x1024xf32, #tpu.memory_space<hbm>>
    %dma_start3A_1109 = tpu.memref_squeeze %dma_start3A_1108 : memref<1x32x1024xf32, #tpu.memory_space<hbm>> -> memref<32x1024xf32, #tpu.memory_space<hbm>>
    %dma_start3A_1110 = arith.constant 0 : i32
    %dma_start3A_1111 = arith.constant 0 : i32
    %dma_start3A_1112 = tpu.memref_slice %arg4[%dma_start3A_1098, %dma_start3A_1110, %dma_start3A_1111] : memref<2x32x1024xf32, #tpu.memory_space<vmem>> -> memref<1x32x1024xf32, #tpu.memory_space<vmem>>
    %dma_start3A_1113 = tpu.memref_squeeze %dma_start3A_1112 : memref<1x32x1024xf32, #tpu.memory_space<vmem>> -> memref<32x1024xf32, #tpu.memory_space<vmem>>
    tpu.enqueue_dma source(%dma_start3A_1113 : memref<32x1024xf32, #tpu.memory_space<vmem>>) target(%dma_start3A_1109 : memref<32x1024xf32, #tpu.memory_space<hbm>>) target_semaphore(%arg6 : memref<!tpu.dma_semaphore, #tpu.memory_space<semaphore_mem>>)
    %dma_start3A_1114 = arith.constant 0 : i32
    %dma_start3A_1115 = arith.constant 1 : i32
    %dma_start3A_1116 = arith.constant 0 : i32
    %dma_start3A_1117 = arith.constant 0 : i32
    %dma_start3A_1118 = tpu.memref_slice %arg4[%dma_start3A_1114, %dma_start3A_1116, %dma_start3A_1117] : memref<2x32x1024xf32, #tpu.memory_space<vmem>> -> memref<1x32x1024xf32, #tpu.memory_space<vmem>>
    %dma_start3A_1119 = tpu.memref_squeeze %dma_start3A_1118 : memref<1x32x1024xf32, #tpu.memory_space<vmem>> -> memref<32x1024xf32, #tpu.memory_space<vmem>>
    %dma_start3A_1120 = arith.constant 0 : i32
    %dma_start3A_1121 = tpu.memref_slice %arg3[%dma_start3A_1115, %add3A_1093, %dma_start3A_1120] : memref<4x8192x1024xf32, #tpu.memory_space<hbm>> -> memref<1x32x1024xf32, #tpu.memory_space<hbm>>
    %dma_start3A_1122 = tpu.memref_squeeze %dma_start3A_1121 : memref<1x32x1024xf32, #tpu.memory_space<hbm>> -> memref<32x1024xf32, #tpu.memory_space<hbm>>
    %dma_start3A_1123 = arith.constant 0 : i32
    %dma_start3A_1124 = tpu.memref_slice %arg3[%dma_start3A_1115, %add3A_1093, %dma_start3A_1123] : memref<4x8192x1024xf32, #tpu.memory_space<hbm>> -> memref<1x32x1024xf32, #tpu.memory_space<hbm>>
    %dma_start3A_1125 = tpu.memref_squeeze %dma_start3A_1124 : memref<1x32x1024xf32, #tpu.memory_space<hbm>> -> memref<32x1024xf32, #tpu.memory_space<hbm>>
    %dma_start3A_1126 = arith.constant 0 : i32
    %dma_start3A_1127 = arith.constant 0 : i32
    %dma_start3A_1128 = tpu.memref_slice %arg4[%dma_start3A_1114, %dma_start3A_1126, %dma_start3A_1127] : memref<2x32x1024xf32, #tpu.memory_space<vmem>> -> memref<1x32x1024xf32, #tpu.memory_space<vmem>>
    %dma_start3A_1129 = tpu.memref_squeeze %dma_start3A_1128 : memref<1x32x1024xf32, #tpu.memory_space<vmem>> -> memref<32x1024xf32, #tpu.memory_space<vmem>>
    tpu.enqueue_dma source(%dma_start3A_1129 : memref<32x1024xf32, #tpu.memory_space<vmem>>) target(%dma_start3A_1125 : memref<32x1024xf32, #tpu.memory_space<hbm>>) target_semaphore(%arg6 : memref<!tpu.dma_semaphore, #tpu.memory_space<semaphore_mem>>)
    %dma_start3A_1130 = arith.constant 0 : i32
    %dma_start3A_1131 = arith.constant 2 : i32
    %dma_start3A_1132 = arith.constant 0 : i32
    %dma_start3A_1133 = arith.constant 0 : i32
    %dma_start3A_1134 = tpu.memref_slice %arg4[%dma_start3A_1130, %dma_start3A_1132, %dma_start3A_1133] : memref<2x32x1024xf32, #tpu.memory_space<vmem>> -> memref<1x32x1024xf32, #tpu.memory_space<vmem>>
    %dma_start3A_1135 = tpu.memref_squeeze %dma_start3A_1134 : memref<1x32x1024xf32, #tpu.memory_space<vmem>> -> memref<32x1024xf32, #tpu.memory_space<vmem>>
    %dma_start3A_1136 = arith.constant 0 : i32
    %dma_start3A_1137 = tpu.memref_slice %arg3[%dma_start3A_1131, %add3A_1095, %dma_start3A_1136] : memref<4x8192x1024xf32, #tpu.memory_space<hbm>> -> memref<1x32x1024xf32, #tpu.memory_space<hbm>>
    %dma_start3A_1138 = tpu.memref_squeeze %dma_start3A_1137 : memref<1x32x1024xf32, #tpu.memory_space<hbm>> -> memref<32x1024xf32, #tpu.memory_space<hbm>>
    %dma_start3A_1139 = arith.constant 0 : i32
    %dma_start3A_1140 = tpu.memref_slice %arg3[%dma_start3A_1131, %add3A_1095, %dma_start3A_1139] : memref<4x8192x1024xf32, #tpu.memory_space<hbm>> -> memref<1x32x1024xf32, #tpu.memory_space<hbm>>
    %dma_start3A_1141 = tpu.memref_squeeze %dma_start3A_1140 : memref<1x32x1024xf32, #tpu.memory_space<hbm>> -> memref<32x1024xf32, #tpu.memory_space<hbm>>
    %dma_start3A_1142 = arith.constant 0 : i32
    %dma_start3A_1143 = arith.constant 0 : i32
    %dma_start3A_1144 = tpu.memref_slice %arg4[%dma_start3A_1130, %dma_start3A_1142, %dma_start3A_1143] : memref<2x32x1024xf32, #tpu.memory_space<vmem>> -> memref<1x32x1024xf32, #tpu.memory_space<vmem>>
    %dma_start3A_1145 = tpu.memref_squeeze %dma_start3A_1144 : memref<1x32x1024xf32, #tpu.memory_space<vmem>> -> memref<32x1024xf32, #tpu.memory_space<vmem>>
    tpu.enqueue_dma source(%dma_start3A_1145 : memref<32x1024xf32, #tpu.memory_space<vmem>>) target(%dma_start3A_1141 : memref<32x1024xf32, #tpu.memory_space<hbm>>) target_semaphore(%arg6 : memref<!tpu.dma_semaphore, #tpu.memory_space<semaphore_mem>>)
    %dma_start3A_1146 = arith.constant 0 : i32
    %dma_start3A_1147 = arith.constant 3 : i32
    %dma_start3A_1148 = arith.constant 0 : i32
    %dma_start3A_1149 = arith.constant 0 : i32
    %dma_start3A_1150 = tpu.memref_slice %arg4[%dma_start3A_1146, %dma_start3A_1148, %dma_start3A_1149] : memref<2x32x1024xf32, #tpu.memory_space<vmem>> -> memref<1x32x1024xf32, #tpu.memory_space<vmem>>
    %dma_start3A_1151 = tpu.memref_squeeze %dma_start3A_1150 : memref<1x32x1024xf32, #tpu.memory_space<vmem>> -> memref<32x1024xf32, #tpu.memory_space<vmem>>
    %dma_start3A_1152 = arith.constant 0 : i32
    %dma_start3A_1153 = tpu.memref_slice %arg3[%dma_start3A_1147, %add3A_1097, %dma_start3A_1152] : memref<4x8192x1024xf32, #tpu.memory_space<hbm>> -> memref<1x32x1024xf32, #tpu.memory_space<hbm>>
    %dma_start3A_1154 = tpu.memref_squeeze %dma_start3A_1153 : memref<1x32x1024xf32, #tpu.memory_space<hbm>> -> memref<32x1024xf32, #tpu.memory_space<hbm>>
    %dma_start3A_1155 = arith.constant 0 : i32
    %dma_start3A_1156 = tpu.memref_slice %arg3[%dma_start3A_1147, %add3A_1097, %dma_start3A_1155] : memref<4x8192x1024xf32, #tpu.memory_space<hbm>> -> memref<1x32x1024xf32, #tpu.memory_space<hbm>>
    %dma_start3A_1157 = tpu.memref_squeeze %dma_start3A_1156 : memref<1x32x1024xf32, #tpu.memory_space<hbm>> -> memref<32x1024xf32, #tpu.memory_space<hbm>>
    %dma_start3A_1158 = arith.constant 0 : i32
    %dma_start3A_1159 = arith.constant 0 : i32
    %dma_start3A_1160 = tpu.memref_slice %arg4[%dma_start3A_1146, %dma_start3A_1158, %dma_start3A_1159] : memref<2x32x1024xf32, #tpu.memory_space<vmem>> -> memref<1x32x1024xf32, #tpu.memory_space<vmem>>
    %dma_start3A_1161 = tpu.memref_squeeze %dma_start3A_1160 : memref<1x32x1024xf32, #tpu.memory_space<vmem>> -> memref<32x1024xf32, #tpu.memory_space<vmem>>
    tpu.enqueue_dma source(%dma_start3A_1161 : memref<32x1024xf32, #tpu.memory_space<vmem>>) target(%dma_start3A_1157 : memref<32x1024xf32, #tpu.memory_space<hbm>>) target_semaphore(%arg6 : memref<!tpu.dma_semaphore, #tpu.memory_space<semaphore_mem>>)
    %add3A_1162 = arith.constant 224 : i32
    %add3A_1163 = arith.addi %mul3A_2, %add3A_1162 : i32
    %dma_wait3A_1164 = arith.constant 1 : i32
    %dma_wait3A_1165 = arith.constant 0 : i32
    %dma_wait3A_1166 = arith.constant 0 : i32
    %dma_wait3A_1167 = tpu.memref_slice %arg4[%dma_wait3A_1164, %dma_wait3A_1165, %dma_wait3A_1166] : memref<2x32x1024xf32, #tpu.memory_space<vmem>> -> memref<1x32x1024xf32, #tpu.memory_space<vmem>>
    %dma_wait3A_1168 = tpu.memref_squeeze %dma_wait3A_1167 : memref<1x32x1024xf32, #tpu.memory_space<vmem>> -> memref<32x1024xf32, #tpu.memory_space<vmem>>
    %dma_wait3A_1169 = arith.constant 0 : i32
    %dma_wait3A_1170 = tpu.memref_slice %arg2[%add3A_1163, %dma_wait3A_1169] : memref<8192x1024xf32, #tpu.memory_space<hbm>> -> memref<32x1024xf32, #tpu.memory_space<hbm>>
    %dma_wait3A_1171 = arith.constant 0 : i32
    %dma_wait3A_1172 = arith.constant 0 : i32
    %dma_wait3A_1173 = tpu.memref_slice %arg4[%dma_wait3A_1164, %dma_wait3A_1171, %dma_wait3A_1172] : memref<2x32x1024xf32, #tpu.memory_space<vmem>> -> memref<1x32x1024xf32, #tpu.memory_space<vmem>>
    %dma_wait3A_1174 = tpu.memref_squeeze %dma_wait3A_1173 : memref<1x32x1024xf32, #tpu.memory_space<vmem>> -> memref<32x1024xf32, #tpu.memory_space<vmem>>
    %dma_wait3A_1175 = arith.constant 0 : i32
    %dma_wait3A_1176 = tpu.memref_slice %arg2[%add3A_1163, %dma_wait3A_1175] : memref<8192x1024xf32, #tpu.memory_space<hbm>> -> memref<32x1024xf32, #tpu.memory_space<hbm>>
    tpu.wait_dma2 semaphore(%arg5 : memref<!tpu.dma_semaphore, #tpu.memory_space<semaphore_mem>>) src(%dma_wait3A_1176 : memref<32x1024xf32, #tpu.memory_space<hbm>>) dst(%dma_wait3A_1174 : memref<32x1024xf32, #tpu.memory_space<vmem>>)
    %add3A_1177 = arith.constant 224 : i32
    %add3A_1178 = arith.addi %mul3A_2, %add3A_1177 : i32
    %add3A_1179 = arith.constant 224 : i32
    %add3A_1180 = arith.addi %mul3A_2, %add3A_1179 : i32
    %add3A_1181 = arith.constant 224 : i32
    %add3A_1182 = arith.addi %mul3A_2, %add3A_1181 : i32
    %add3A_1183 = arith.constant 224 : i32
    %add3A_1184 = arith.addi %mul3A_2, %add3A_1183 : i32
    %dma_start3A_1185 = arith.constant 1 : i32
    %dma_start3A_1186 = arith.constant 0 : i32
    %dma_start3A_1187 = arith.constant 0 : i32
    %dma_start3A_1188 = arith.constant 0 : i32
    %dma_start3A_1189 = tpu.memref_slice %arg4[%dma_start3A_1185, %dma_start3A_1187, %dma_start3A_1188] : memref<2x32x1024xf32, #tpu.memory_space<vmem>> -> memref<1x32x1024xf32, #tpu.memory_space<vmem>>
    %dma_start3A_1190 = tpu.memref_squeeze %dma_start3A_1189 : memref<1x32x1024xf32, #tpu.memory_space<vmem>> -> memref<32x1024xf32, #tpu.memory_space<vmem>>
    %dma_start3A_1191 = arith.constant 0 : i32
    %dma_start3A_1192 = tpu.memref_slice %arg3[%dma_start3A_1186, %add3A_1178, %dma_start3A_1191] : memref<4x8192x1024xf32, #tpu.memory_space<hbm>> -> memref<1x32x1024xf32, #tpu.memory_space<hbm>>
    %dma_start3A_1193 = tpu.memref_squeeze %dma_start3A_1192 : memref<1x32x1024xf32, #tpu.memory_space<hbm>> -> memref<32x1024xf32, #tpu.memory_space<hbm>>
    %dma_start3A_1194 = arith.constant 0 : i32
    %dma_start3A_1195 = tpu.memref_slice %arg3[%dma_start3A_1186, %add3A_1178, %dma_start3A_1194] : memref<4x8192x1024xf32, #tpu.memory_space<hbm>> -> memref<1x32x1024xf32, #tpu.memory_space<hbm>>
    %dma_start3A_1196 = tpu.memref_squeeze %dma_start3A_1195 : memref<1x32x1024xf32, #tpu.memory_space<hbm>> -> memref<32x1024xf32, #tpu.memory_space<hbm>>
    %dma_start3A_1197 = arith.constant 0 : i32
    %dma_start3A_1198 = arith.constant 0 : i32
    %dma_start3A_1199 = tpu.memref_slice %arg4[%dma_start3A_1185, %dma_start3A_1197, %dma_start3A_1198] : memref<2x32x1024xf32, #tpu.memory_space<vmem>> -> memref<1x32x1024xf32, #tpu.memory_space<vmem>>
    %dma_start3A_1200 = tpu.memref_squeeze %dma_start3A_1199 : memref<1x32x1024xf32, #tpu.memory_space<vmem>> -> memref<32x1024xf32, #tpu.memory_space<vmem>>
    tpu.enqueue_dma source(%dma_start3A_1200 : memref<32x1024xf32, #tpu.memory_space<vmem>>) target(%dma_start3A_1196 : memref<32x1024xf32, #tpu.memory_space<hbm>>) target_semaphore(%arg6 : memref<!tpu.dma_semaphore, #tpu.memory_space<semaphore_mem>>)
    %dma_start3A_1201 = arith.constant 1 : i32
    %dma_start3A_1202 = arith.constant 1 : i32
    %dma_start3A_1203 = arith.constant 0 : i32
    %dma_start3A_1204 = arith.constant 0 : i32
    %dma_start3A_1205 = tpu.memref_slice %arg4[%dma_start3A_1201, %dma_start3A_1203, %dma_start3A_1204] : memref<2x32x1024xf32, #tpu.memory_space<vmem>> -> memref<1x32x1024xf32, #tpu.memory_space<vmem>>
    %dma_start3A_1206 = tpu.memref_squeeze %dma_start3A_1205 : memref<1x32x1024xf32, #tpu.memory_space<vmem>> -> memref<32x1024xf32, #tpu.memory_space<vmem>>
    %dma_start3A_1207 = arith.constant 0 : i32
    %dma_start3A_1208 = tpu.memref_slice %arg3[%dma_start3A_1202, %add3A_1180, %dma_start3A_1207] : memref<4x8192x1024xf32, #tpu.memory_space<hbm>> -> memref<1x32x1024xf32, #tpu.memory_space<hbm>>
    %dma_start3A_1209 = tpu.memref_squeeze %dma_start3A_1208 : memref<1x32x1024xf32, #tpu.memory_space<hbm>> -> memref<32x1024xf32, #tpu.memory_space<hbm>>
    %dma_start3A_1210 = arith.constant 0 : i32
    %dma_start3A_1211 = tpu.memref_slice %arg3[%dma_start3A_1202, %add3A_1180, %dma_start3A_1210] : memref<4x8192x1024xf32, #tpu.memory_space<hbm>> -> memref<1x32x1024xf32, #tpu.memory_space<hbm>>
    %dma_start3A_1212 = tpu.memref_squeeze %dma_start3A_1211 : memref<1x32x1024xf32, #tpu.memory_space<hbm>> -> memref<32x1024xf32, #tpu.memory_space<hbm>>
    %dma_start3A_1213 = arith.constant 0 : i32
    %dma_start3A_1214 = arith.constant 0 : i32
    %dma_start3A_1215 = tpu.memref_slice %arg4[%dma_start3A_1201, %dma_start3A_1213, %dma_start3A_1214] : memref<2x32x1024xf32, #tpu.memory_space<vmem>> -> memref<1x32x1024xf32, #tpu.memory_space<vmem>>
    %dma_start3A_1216 = tpu.memref_squeeze %dma_start3A_1215 : memref<1x32x1024xf32, #tpu.memory_space<vmem>> -> memref<32x1024xf32, #tpu.memory_space<vmem>>
    tpu.enqueue_dma source(%dma_start3A_1216 : memref<32x1024xf32, #tpu.memory_space<vmem>>) target(%dma_start3A_1212 : memref<32x1024xf32, #tpu.memory_space<hbm>>) target_semaphore(%arg6 : memref<!tpu.dma_semaphore, #tpu.memory_space<semaphore_mem>>)
    %dma_start3A_1217 = arith.constant 1 : i32
    %dma_start3A_1218 = arith.constant 2 : i32
    %dma_start3A_1219 = arith.constant 0 : i32
    %dma_start3A_1220 = arith.constant 0 : i32
    %dma_start3A_1221 = tpu.memref_slice %arg4[%dma_start3A_1217, %dma_start3A_1219, %dma_start3A_1220] : memref<2x32x1024xf32, #tpu.memory_space<vmem>> -> memref<1x32x1024xf32, #tpu.memory_space<vmem>>
    %dma_start3A_1222 = tpu.memref_squeeze %dma_start3A_1221 : memref<1x32x1024xf32, #tpu.memory_space<vmem>> -> memref<32x1024xf32, #tpu.memory_space<vmem>>
    %dma_start3A_1223 = arith.constant 0 : i32
    %dma_start3A_1224 = tpu.memref_slice %arg3[%dma_start3A_1218, %add3A_1182, %dma_start3A_1223] : memref<4x8192x1024xf32, #tpu.memory_space<hbm>> -> memref<1x32x1024xf32, #tpu.memory_space<hbm>>
    %dma_start3A_1225 = tpu.memref_squeeze %dma_start3A_1224 : memref<1x32x1024xf32, #tpu.memory_space<hbm>> -> memref<32x1024xf32, #tpu.memory_space<hbm>>
    %dma_start3A_1226 = arith.constant 0 : i32
    %dma_start3A_1227 = tpu.memref_slice %arg3[%dma_start3A_1218, %add3A_1182, %dma_start3A_1226] : memref<4x8192x1024xf32, #tpu.memory_space<hbm>> -> memref<1x32x1024xf32, #tpu.memory_space<hbm>>
    %dma_start3A_1228 = tpu.memref_squeeze %dma_start3A_1227 : memref<1x32x1024xf32, #tpu.memory_space<hbm>> -> memref<32x1024xf32, #tpu.memory_space<hbm>>
    %dma_start3A_1229 = arith.constant 0 : i32
    %dma_start3A_1230 = arith.constant 0 : i32
    %dma_start3A_1231 = tpu.memref_slice %arg4[%dma_start3A_1217, %dma_start3A_1229, %dma_start3A_1230] : memref<2x32x1024xf32, #tpu.memory_space<vmem>> -> memref<1x32x1024xf32, #tpu.memory_space<vmem>>
    %dma_start3A_1232 = tpu.memref_squeeze %dma_start3A_1231 : memref<1x32x1024xf32, #tpu.memory_space<vmem>> -> memref<32x1024xf32, #tpu.memory_space<vmem>>
    tpu.enqueue_dma source(%dma_start3A_1232 : memref<32x1024xf32, #tpu.memory_space<vmem>>) target(%dma_start3A_1228 : memref<32x1024xf32, #tpu.memory_space<hbm>>) target_semaphore(%arg6 : memref<!tpu.dma_semaphore, #tpu.memory_space<semaphore_mem>>)
    %dma_start3A_1233 = arith.constant 1 : i32
    %dma_start3A_1234 = arith.constant 3 : i32
    %dma_start3A_1235 = arith.constant 0 : i32
    %dma_start3A_1236 = arith.constant 0 : i32
    %dma_start3A_1237 = tpu.memref_slice %arg4[%dma_start3A_1233, %dma_start3A_1235, %dma_start3A_1236] : memref<2x32x1024xf32, #tpu.memory_space<vmem>> -> memref<1x32x1024xf32, #tpu.memory_space<vmem>>
    %dma_start3A_1238 = tpu.memref_squeeze %dma_start3A_1237 : memref<1x32x1024xf32, #tpu.memory_space<vmem>> -> memref<32x1024xf32, #tpu.memory_space<vmem>>
    %dma_start3A_1239 = arith.constant 0 : i32
    %dma_start3A_1240 = tpu.memref_slice %arg3[%dma_start3A_1234, %add3A_1184, %dma_start3A_1239] : memref<4x8192x1024xf32, #tpu.memory_space<hbm>> -> memref<1x32x1024xf32, #tpu.memory_space<hbm>>
    %dma_start3A_1241 = tpu.memref_squeeze %dma_start3A_1240 : memref<1x32x1024xf32, #tpu.memory_space<hbm>> -> memref<32x1024xf32, #tpu.memory_space<hbm>>
    %dma_start3A_1242 = arith.constant 0 : i32
    %dma_start3A_1243 = tpu.memref_slice %arg3[%dma_start3A_1234, %add3A_1184, %dma_start3A_1242] : memref<4x8192x1024xf32, #tpu.memory_space<hbm>> -> memref<1x32x1024xf32, #tpu.memory_space<hbm>>
    %dma_start3A_1244 = tpu.memref_squeeze %dma_start3A_1243 : memref<1x32x1024xf32, #tpu.memory_space<hbm>> -> memref<32x1024xf32, #tpu.memory_space<hbm>>
    %dma_start3A_1245 = arith.constant 0 : i32
    %dma_start3A_1246 = arith.constant 0 : i32
    %dma_start3A_1247 = tpu.memref_slice %arg4[%dma_start3A_1233, %dma_start3A_1245, %dma_start3A_1246] : memref<2x32x1024xf32, #tpu.memory_space<vmem>> -> memref<1x32x1024xf32, #tpu.memory_space<vmem>>
    %dma_start3A_1248 = tpu.memref_squeeze %dma_start3A_1247 : memref<1x32x1024xf32, #tpu.memory_space<vmem>> -> memref<32x1024xf32, #tpu.memory_space<vmem>>
    tpu.enqueue_dma source(%dma_start3A_1248 : memref<32x1024xf32, #tpu.memory_space<vmem>>) target(%dma_start3A_1244 : memref<32x1024xf32, #tpu.memory_space<hbm>>) target_semaphore(%arg6 : memref<!tpu.dma_semaphore, #tpu.memory_space<semaphore_mem>>)
    %add3A_1249 = arith.constant 192 : i32
    %add3A_1250 = arith.addi %mul3A_2, %add3A_1249 : i32
    %add3A_1251 = arith.constant 192 : i32
    %add3A_1252 = arith.addi %mul3A_2, %add3A_1251 : i32
    %add3A_1253 = arith.constant 192 : i32
    %add3A_1254 = arith.addi %mul3A_2, %add3A_1253 : i32
    %add3A_1255 = arith.constant 192 : i32
    %add3A_1256 = arith.addi %mul3A_2, %add3A_1255 : i32
    %dma_wait3A_1257 = arith.constant 0 : i32
    %dma_wait3A_1258 = arith.constant 0 : i32
    %dma_wait3A_1259 = arith.constant 0 : i32
    %dma_wait3A_1260 = arith.constant 0 : i32
    %dma_wait3A_1261 = tpu.memref_slice %arg4[%dma_wait3A_1257, %dma_wait3A_1259, %dma_wait3A_1260] : memref<2x32x1024xf32, #tpu.memory_space<vmem>> -> memref<1x32x1024xf32, #tpu.memory_space<vmem>>
    %dma_wait3A_1262 = tpu.memref_squeeze %dma_wait3A_1261 : memref<1x32x1024xf32, #tpu.memory_space<vmem>> -> memref<32x1024xf32, #tpu.memory_space<vmem>>
    %dma_wait3A_1263 = arith.constant 0 : i32
    %dma_wait3A_1264 = tpu.memref_slice %arg3[%dma_wait3A_1258, %add3A_1250, %dma_wait3A_1263] : memref<4x8192x1024xf32, #tpu.memory_space<hbm>> -> memref<1x32x1024xf32, #tpu.memory_space<hbm>>
    %dma_wait3A_1265 = tpu.memref_squeeze %dma_wait3A_1264 : memref<1x32x1024xf32, #tpu.memory_space<hbm>> -> memref<32x1024xf32, #tpu.memory_space<hbm>>
    %dma_wait3A_1266 = arith.constant 0 : i32
    %dma_wait3A_1267 = tpu.memref_slice %arg3[%dma_wait3A_1258, %add3A_1250, %dma_wait3A_1266] : memref<4x8192x1024xf32, #tpu.memory_space<hbm>> -> memref<1x32x1024xf32, #tpu.memory_space<hbm>>
    %dma_wait3A_1268 = tpu.memref_squeeze %dma_wait3A_1267 : memref<1x32x1024xf32, #tpu.memory_space<hbm>> -> memref<32x1024xf32, #tpu.memory_space<hbm>>
    %dma_wait3A_1269 = arith.constant 0 : i32
    %dma_wait3A_1270 = arith.constant 0 : i32
    %dma_wait3A_1271 = tpu.memref_slice %arg4[%dma_wait3A_1257, %dma_wait3A_1269, %dma_wait3A_1270] : memref<2x32x1024xf32, #tpu.memory_space<vmem>> -> memref<1x32x1024xf32, #tpu.memory_space<vmem>>
    %dma_wait3A_1272 = tpu.memref_squeeze %dma_wait3A_1271 : memref<1x32x1024xf32, #tpu.memory_space<vmem>> -> memref<32x1024xf32, #tpu.memory_space<vmem>>
    tpu.wait_dma2 semaphore(%arg6 : memref<!tpu.dma_semaphore, #tpu.memory_space<semaphore_mem>>) src(%dma_wait3A_1272 : memref<32x1024xf32, #tpu.memory_space<vmem>>) dst(%dma_wait3A_1268 : memref<32x1024xf32, #tpu.memory_space<hbm>>)
    %dma_wait3A_1273 = arith.constant 0 : i32
    %dma_wait3A_1274 = arith.constant 1 : i32
    %dma_wait3A_1275 = arith.constant 0 : i32
    %dma_wait3A_1276 = arith.constant 0 : i32
    %dma_wait3A_1277 = tpu.memref_slice %arg4[%dma_wait3A_1273, %dma_wait3A_1275, %dma_wait3A_1276] : memref<2x32x1024xf32, #tpu.memory_space<vmem>> -> memref<1x32x1024xf32, #tpu.memory_space<vmem>>
    %dma_wait3A_1278 = tpu.memref_squeeze %dma_wait3A_1277 : memref<1x32x1024xf32, #tpu.memory_space<vmem>> -> memref<32x1024xf32, #tpu.memory_space<vmem>>
    %dma_wait3A_1279 = arith.constant 0 : i32
    %dma_wait3A_1280 = tpu.memref_slice %arg3[%dma_wait3A_1274, %add3A_1252, %dma_wait3A_1279] : memref<4x8192x1024xf32, #tpu.memory_space<hbm>> -> memref<1x32x1024xf32, #tpu.memory_space<hbm>>
    %dma_wait3A_1281 = tpu.memref_squeeze %dma_wait3A_1280 : memref<1x32x1024xf32, #tpu.memory_space<hbm>> -> memref<32x1024xf32, #tpu.memory_space<hbm>>
    %dma_wait3A_1282 = arith.constant 0 : i32
    %dma_wait3A_1283 = tpu.memref_slice %arg3[%dma_wait3A_1274, %add3A_1252, %dma_wait3A_1282] : memref<4x8192x1024xf32, #tpu.memory_space<hbm>> -> memref<1x32x1024xf32, #tpu.memory_space<hbm>>
    %dma_wait3A_1284 = tpu.memref_squeeze %dma_wait3A_1283 : memref<1x32x1024xf32, #tpu.memory_space<hbm>> -> memref<32x1024xf32, #tpu.memory_space<hbm>>
    %dma_wait3A_1285 = arith.constant 0 : i32
    %dma_wait3A_1286 = arith.constant 0 : i32
    %dma_wait3A_1287 = tpu.memref_slice %arg4[%dma_wait3A_1273, %dma_wait3A_1285, %dma_wait3A_1286] : memref<2x32x1024xf32, #tpu.memory_space<vmem>> -> memref<1x32x1024xf32, #tpu.memory_space<vmem>>
    %dma_wait3A_1288 = tpu.memref_squeeze %dma_wait3A_1287 : memref<1x32x1024xf32, #tpu.memory_space<vmem>> -> memref<32x1024xf32, #tpu.memory_space<vmem>>
    tpu.wait_dma2 semaphore(%arg6 : memref<!tpu.dma_semaphore, #tpu.memory_space<semaphore_mem>>) src(%dma_wait3A_1288 : memref<32x1024xf32, #tpu.memory_space<vmem>>) dst(%dma_wait3A_1284 : memref<32x1024xf32, #tpu.memory_space<hbm>>)
    %dma_wait3A_1289 = arith.constant 0 : i32
    %dma_wait3A_1290 = arith.constant 2 : i32
    %dma_wait3A_1291 = arith.constant 0 : i32
    %dma_wait3A_1292 = arith.constant 0 : i32
    %dma_wait3A_1293 = tpu.memref_slice %arg4[%dma_wait3A_1289, %dma_wait3A_1291, %dma_wait3A_1292] : memref<2x32x1024xf32, #tpu.memory_space<vmem>> -> memref<1x32x1024xf32, #tpu.memory_space<vmem>>
    %dma_wait3A_1294 = tpu.memref_squeeze %dma_wait3A_1293 : memref<1x32x1024xf32, #tpu.memory_space<vmem>> -> memref<32x1024xf32, #tpu.memory_space<vmem>>
    %dma_wait3A_1295 = arith.constant 0 : i32
    %dma_wait3A_1296 = tpu.memref_slice %arg3[%dma_wait3A_1290, %add3A_1254, %dma_wait3A_1295] : memref<4x8192x1024xf32, #tpu.memory_space<hbm>> -> memref<1x32x1024xf32, #tpu.memory_space<hbm>>
    %dma_wait3A_1297 = tpu.memref_squeeze %dma_wait3A_1296 : memref<1x32x1024xf32, #tpu.memory_space<hbm>> -> memref<32x1024xf32, #tpu.memory_space<hbm>>
    %dma_wait3A_1298 = arith.constant 0 : i32
    %dma_wait3A_1299 = tpu.memref_slice %arg3[%dma_wait3A_1290, %add3A_1254, %dma_wait3A_1298] : memref<4x8192x1024xf32, #tpu.memory_space<hbm>> -> memref<1x32x1024xf32, #tpu.memory_space<hbm>>
    %dma_wait3A_1300 = tpu.memref_squeeze %dma_wait3A_1299 : memref<1x32x1024xf32, #tpu.memory_space<hbm>> -> memref<32x1024xf32, #tpu.memory_space<hbm>>
    %dma_wait3A_1301 = arith.constant 0 : i32
    %dma_wait3A_1302 = arith.constant 0 : i32
    %dma_wait3A_1303 = tpu.memref_slice %arg4[%dma_wait3A_1289, %dma_wait3A_1301, %dma_wait3A_1302] : memref<2x32x1024xf32, #tpu.memory_space<vmem>> -> memref<1x32x1024xf32, #tpu.memory_space<vmem>>
    %dma_wait3A_1304 = tpu.memref_squeeze %dma_wait3A_1303 : memref<1x32x1024xf32, #tpu.memory_space<vmem>> -> memref<32x1024xf32, #tpu.memory_space<vmem>>
    tpu.wait_dma2 semaphore(%arg6 : memref<!tpu.dma_semaphore, #tpu.memory_space<semaphore_mem>>) src(%dma_wait3A_1304 : memref<32x1024xf32, #tpu.memory_space<vmem>>) dst(%dma_wait3A_1300 : memref<32x1024xf32, #tpu.memory_space<hbm>>)
    %dma_wait3A_1305 = arith.constant 0 : i32
    %dma_wait3A_1306 = arith.constant 3 : i32
    %dma_wait3A_1307 = arith.constant 0 : i32
    %dma_wait3A_1308 = arith.constant 0 : i32
    %dma_wait3A_1309 = tpu.memref_slice %arg4[%dma_wait3A_1305, %dma_wait3A_1307, %dma_wait3A_1308] : memref<2x32x1024xf32, #tpu.memory_space<vmem>> -> memref<1x32x1024xf32, #tpu.memory_space<vmem>>
    %dma_wait3A_1310 = tpu.memref_squeeze %dma_wait3A_1309 : memref<1x32x1024xf32, #tpu.memory_space<vmem>> -> memref<32x1024xf32, #tpu.memory_space<vmem>>
    %dma_wait3A_1311 = arith.constant 0 : i32
    %dma_wait3A_1312 = tpu.memref_slice %arg3[%dma_wait3A_1306, %add3A_1256, %dma_wait3A_1311] : memref<4x8192x1024xf32, #tpu.memory_space<hbm>> -> memref<1x32x1024xf32, #tpu.memory_space<hbm>>
    %dma_wait3A_1313 = tpu.memref_squeeze %dma_wait3A_1312 : memref<1x32x1024xf32, #tpu.memory_space<hbm>> -> memref<32x1024xf32, #tpu.memory_space<hbm>>
    %dma_wait3A_1314 = arith.constant 0 : i32
    %dma_wait3A_1315 = tpu.memref_slice %arg3[%dma_wait3A_1306, %add3A_1256, %dma_wait3A_1314] : memref<4x8192x1024xf32, #tpu.memory_space<hbm>> -> memref<1x32x1024xf32, #tpu.memory_space<hbm>>
    %dma_wait3A_1316 = tpu.memref_squeeze %dma_wait3A_1315 : memref<1x32x1024xf32, #tpu.memory_space<hbm>> -> memref<32x1024xf32, #tpu.memory_space<hbm>>
    %dma_wait3A_1317 = arith.constant 0 : i32
    %dma_wait3A_1318 = arith.constant 0 : i32
    %dma_wait3A_1319 = tpu.memref_slice %arg4[%dma_wait3A_1305, %dma_wait3A_1317, %dma_wait3A_1318] : memref<2x32x1024xf32, #tpu.memory_space<vmem>> -> memref<1x32x1024xf32, #tpu.memory_space<vmem>>
    %dma_wait3A_1320 = tpu.memref_squeeze %dma_wait3A_1319 : memref<1x32x1024xf32, #tpu.memory_space<vmem>> -> memref<32x1024xf32, #tpu.memory_space<vmem>>
    tpu.wait_dma2 semaphore(%arg6 : memref<!tpu.dma_semaphore, #tpu.memory_space<semaphore_mem>>) src(%dma_wait3A_1320 : memref<32x1024xf32, #tpu.memory_space<vmem>>) dst(%dma_wait3A_1316 : memref<32x1024xf32, #tpu.memory_space<hbm>>)
    %add3A_1321 = arith.constant 224 : i32
    %add3A_1322 = arith.addi %mul3A_2, %add3A_1321 : i32
    %add3A_1323 = arith.constant 224 : i32
    %add3A_1324 = arith.addi %mul3A_2, %add3A_1323 : i32
    %add3A_1325 = arith.constant 224 : i32
    %add3A_1326 = arith.addi %mul3A_2, %add3A_1325 : i32
    %add3A_1327 = arith.constant 224 : i32
    %add3A_1328 = arith.addi %mul3A_2, %add3A_1327 : i32
    %dma_wait3A_1329 = arith.constant 1 : i32
    %dma_wait3A_1330 = arith.constant 0 : i32
    %dma_wait3A_1331 = arith.constant 0 : i32
    %dma_wait3A_1332 = arith.constant 0 : i32
    %dma_wait3A_1333 = tpu.memref_slice %arg4[%dma_wait3A_1329, %dma_wait3A_1331, %dma_wait3A_1332] : memref<2x32x1024xf32, #tpu.memory_space<vmem>> -> memref<1x32x1024xf32, #tpu.memory_space<vmem>>
    %dma_wait3A_1334 = tpu.memref_squeeze %dma_wait3A_1333 : memref<1x32x1024xf32, #tpu.memory_space<vmem>> -> memref<32x1024xf32, #tpu.memory_space<vmem>>
    %dma_wait3A_1335 = arith.constant 0 : i32
    %dma_wait3A_1336 = tpu.memref_slice %arg3[%dma_wait3A_1330, %add3A_1322, %dma_wait3A_1335] : memref<4x8192x1024xf32, #tpu.memory_space<hbm>> -> memref<1x32x1024xf32, #tpu.memory_space<hbm>>
    %dma_wait3A_1337 = tpu.memref_squeeze %dma_wait3A_1336 : memref<1x32x1024xf32, #tpu.memory_space<hbm>> -> memref<32x1024xf32, #tpu.memory_space<hbm>>
    %dma_wait3A_1338 = arith.constant 0 : i32
    %dma_wait3A_1339 = tpu.memref_slice %arg3[%dma_wait3A_1330, %add3A_1322, %dma_wait3A_1338] : memref<4x8192x1024xf32, #tpu.memory_space<hbm>> -> memref<1x32x1024xf32, #tpu.memory_space<hbm>>
    %dma_wait3A_1340 = tpu.memref_squeeze %dma_wait3A_1339 : memref<1x32x1024xf32, #tpu.memory_space<hbm>> -> memref<32x1024xf32, #tpu.memory_space<hbm>>
    %dma_wait3A_1341 = arith.constant 0 : i32
    %dma_wait3A_1342 = arith.constant 0 : i32
    %dma_wait3A_1343 = tpu.memref_slice %arg4[%dma_wait3A_1329, %dma_wait3A_1341, %dma_wait3A_1342] : memref<2x32x1024xf32, #tpu.memory_space<vmem>> -> memref<1x32x1024xf32, #tpu.memory_space<vmem>>
    %dma_wait3A_1344 = tpu.memref_squeeze %dma_wait3A_1343 : memref<1x32x1024xf32, #tpu.memory_space<vmem>> -> memref<32x1024xf32, #tpu.memory_space<vmem>>
    tpu.wait_dma2 semaphore(%arg6 : memref<!tpu.dma_semaphore, #tpu.memory_space<semaphore_mem>>) src(%dma_wait3A_1344 : memref<32x1024xf32, #tpu.memory_space<vmem>>) dst(%dma_wait3A_1340 : memref<32x1024xf32, #tpu.memory_space<hbm>>)
    %dma_wait3A_1345 = arith.constant 1 : i32
    %dma_wait3A_1346 = arith.constant 1 : i32
    %dma_wait3A_1347 = arith.constant 0 : i32
    %dma_wait3A_1348 = arith.constant 0 : i32
    %dma_wait3A_1349 = tpu.memref_slice %arg4[%dma_wait3A_1345, %dma_wait3A_1347, %dma_wait3A_1348] : memref<2x32x1024xf32, #tpu.memory_space<vmem>> -> memref<1x32x1024xf32, #tpu.memory_space<vmem>>
    %dma_wait3A_1350 = tpu.memref_squeeze %dma_wait3A_1349 : memref<1x32x1024xf32, #tpu.memory_space<vmem>> -> memref<32x1024xf32, #tpu.memory_space<vmem>>
    %dma_wait3A_1351 = arith.constant 0 : i32
    %dma_wait3A_1352 = tpu.memref_slice %arg3[%dma_wait3A_1346, %add3A_1324, %dma_wait3A_1351] : memref<4x8192x1024xf32, #tpu.memory_space<hbm>> -> memref<1x32x1024xf32, #tpu.memory_space<hbm>>
    %dma_wait3A_1353 = tpu.memref_squeeze %dma_wait3A_1352 : memref<1x32x1024xf32, #tpu.memory_space<hbm>> -> memref<32x1024xf32, #tpu.memory_space<hbm>>
    %dma_wait3A_1354 = arith.constant 0 : i32
    %dma_wait3A_1355 = tpu.memref_slice %arg3[%dma_wait3A_1346, %add3A_1324, %dma_wait3A_1354] : memref<4x8192x1024xf32, #tpu.memory_space<hbm>> -> memref<1x32x1024xf32, #tpu.memory_space<hbm>>
    %dma_wait3A_1356 = tpu.memref_squeeze %dma_wait3A_1355 : memref<1x32x1024xf32, #tpu.memory_space<hbm>> -> memref<32x1024xf32, #tpu.memory_space<hbm>>
    %dma_wait3A_1357 = arith.constant 0 : i32
    %dma_wait3A_1358 = arith.constant 0 : i32
    %dma_wait3A_1359 = tpu.memref_slice %arg4[%dma_wait3A_1345, %dma_wait3A_1357, %dma_wait3A_1358] : memref<2x32x1024xf32, #tpu.memory_space<vmem>> -> memref<1x32x1024xf32, #tpu.memory_space<vmem>>
    %dma_wait3A_1360 = tpu.memref_squeeze %dma_wait3A_1359 : memref<1x32x1024xf32, #tpu.memory_space<vmem>> -> memref<32x1024xf32, #tpu.memory_space<vmem>>
    tpu.wait_dma2 semaphore(%arg6 : memref<!tpu.dma_semaphore, #tpu.memory_space<semaphore_mem>>) src(%dma_wait3A_1360 : memref<32x1024xf32, #tpu.memory_space<vmem>>) dst(%dma_wait3A_1356 : memref<32x1024xf32, #tpu.memory_space<hbm>>)
    %dma_wait3A_1361 = arith.constant 1 : i32
    %dma_wait3A_1362 = arith.constant 2 : i32
    %dma_wait3A_1363 = arith.constant 0 : i32
    %dma_wait3A_1364 = arith.constant 0 : i32
    %dma_wait3A_1365 = tpu.memref_slice %arg4[%dma_wait3A_1361, %dma_wait3A_1363, %dma_wait3A_1364] : memref<2x32x1024xf32, #tpu.memory_space<vmem>> -> memref<1x32x1024xf32, #tpu.memory_space<vmem>>
    %dma_wait3A_1366 = tpu.memref_squeeze %dma_wait3A_1365 : memref<1x32x1024xf32, #tpu.memory_space<vmem>> -> memref<32x1024xf32, #tpu.memory_space<vmem>>
    %dma_wait3A_1367 = arith.constant 0 : i32
    %dma_wait3A_1368 = tpu.memref_slice %arg3[%dma_wait3A_1362, %add3A_1326, %dma_wait3A_1367] : memref<4x8192x1024xf32, #tpu.memory_space<hbm>> -> memref<1x32x1024xf32, #tpu.memory_space<hbm>>
    %dma_wait3A_1369 = tpu.memref_squeeze %dma_wait3A_1368 : memref<1x32x1024xf32, #tpu.memory_space<hbm>> -> memref<32x1024xf32, #tpu.memory_space<hbm>>
    %dma_wait3A_1370 = arith.constant 0 : i32
    %dma_wait3A_1371 = tpu.memref_slice %arg3[%dma_wait3A_1362, %add3A_1326, %dma_wait3A_1370] : memref<4x8192x1024xf32, #tpu.memory_space<hbm>> -> memref<1x32x1024xf32, #tpu.memory_space<hbm>>
    %dma_wait3A_1372 = tpu.memref_squeeze %dma_wait3A_1371 : memref<1x32x1024xf32, #tpu.memory_space<hbm>> -> memref<32x1024xf32, #tpu.memory_space<hbm>>
    %dma_wait3A_1373 = arith.constant 0 : i32
    %dma_wait3A_1374 = arith.constant 0 : i32
    %dma_wait3A_1375 = tpu.memref_slice %arg4[%dma_wait3A_1361, %dma_wait3A_1373, %dma_wait3A_1374] : memref<2x32x1024xf32, #tpu.memory_space<vmem>> -> memref<1x32x1024xf32, #tpu.memory_space<vmem>>
    %dma_wait3A_1376 = tpu.memref_squeeze %dma_wait3A_1375 : memref<1x32x1024xf32, #tpu.memory_space<vmem>> -> memref<32x1024xf32, #tpu.memory_space<vmem>>
    tpu.wait_dma2 semaphore(%arg6 : memref<!tpu.dma_semaphore, #tpu.memory_space<semaphore_mem>>) src(%dma_wait3A_1376 : memref<32x1024xf32, #tpu.memory_space<vmem>>) dst(%dma_wait3A_1372 : memref<32x1024xf32, #tpu.memory_space<hbm>>)
    %dma_wait3A_1377 = arith.constant 1 : i32
    %dma_wait3A_1378 = arith.constant 3 : i32
    %dma_wait3A_1379 = arith.constant 0 : i32
    %dma_wait3A_1380 = arith.constant 0 : i32
    %dma_wait3A_1381 = tpu.memref_slice %arg4[%dma_wait3A_1377, %dma_wait3A_1379, %dma_wait3A_1380] : memref<2x32x1024xf32, #tpu.memory_space<vmem>> -> memref<1x32x1024xf32, #tpu.memory_space<vmem>>
    %dma_wait3A_1382 = tpu.memref_squeeze %dma_wait3A_1381 : memref<1x32x1024xf32, #tpu.memory_space<vmem>> -> memref<32x1024xf32, #tpu.memory_space<vmem>>
    %dma_wait3A_1383 = arith.constant 0 : i32
    %dma_wait3A_1384 = tpu.memref_slice %arg3[%dma_wait3A_1378, %add3A_1328, %dma_wait3A_1383] : memref<4x8192x1024xf32, #tpu.memory_space<hbm>> -> memref<1x32x1024xf32, #tpu.memory_space<hbm>>
    %dma_wait3A_1385 = tpu.memref_squeeze %dma_wait3A_1384 : memref<1x32x1024xf32, #tpu.memory_space<hbm>> -> memref<32x1024xf32, #tpu.memory_space<hbm>>
    %dma_wait3A_1386 = arith.constant 0 : i32
    %dma_wait3A_1387 = tpu.memref_slice %arg3[%dma_wait3A_1378, %add3A_1328, %dma_wait3A_1386] : memref<4x8192x1024xf32, #tpu.memory_space<hbm>> -> memref<1x32x1024xf32, #tpu.memory_space<hbm>>
    %dma_wait3A_1388 = tpu.memref_squeeze %dma_wait3A_1387 : memref<1x32x1024xf32, #tpu.memory_space<hbm>> -> memref<32x1024xf32, #tpu.memory_space<hbm>>
    %dma_wait3A_1389 = arith.constant 0 : i32
    %dma_wait3A_1390 = arith.constant 0 : i32
    %dma_wait3A_1391 = tpu.memref_slice %arg4[%dma_wait3A_1377, %dma_wait3A_1389, %dma_wait3A_1390] : memref<2x32x1024xf32, #tpu.memory_space<vmem>> -> memref<1x32x1024xf32, #tpu.memory_space<vmem>>
    %dma_wait3A_1392 = tpu.memref_squeeze %dma_wait3A_1391 : memref<1x32x1024xf32, #tpu.memory_space<vmem>> -> memref<32x1024xf32, #tpu.memory_space<vmem>>
    tpu.wait_dma2 semaphore(%arg6 : memref<!tpu.dma_semaphore, #tpu.memory_space<semaphore_mem>>) src(%dma_wait3A_1392 : memref<32x1024xf32, #tpu.memory_space<vmem>>) dst(%dma_wait3A_1388 : memref<32x1024xf32, #tpu.memory_space<hbm>>)
    return
  }
}

</mosaic_0001>

<sc_bundles>
// kernel: kernel.3.cloned.1.call-start
scs
__scs_entry_jumppad:
0x0: {  	(pc) =	sbr.rel $0x88, $3  }
0x1: {  	(tag) =	ssettag $0x0;
	lr =	simm.s32 $0x1  }
0x2: {  	[smem:$0x3FA0] =	sst lr;
	_ =	strace $0xD0000000  }
0x3: {  	_ = 	snop  }
0x4: {  	_ = 	snop  }
0x5: {  	_ = 	snop  }
0x6: {  	_ = 	snop  }
0x7: {  	_ = 	snop  }
__scs_overlays_trampoline_lowered:
0x8: {  	[smem:$0x3FAF] =	sst s0  }
0x9: {  	[smem:$0x3FB0] =	sst s1  }
0xa: {  	[smem:$0x3FB1] =	sst s2  }
0xb: {  	[smem:$0x3FB2] =	sst s3  }
0xc: {  	[smem:$0x3FB3] =	sst s4  }
0xd: {  	[smem:$0x3FB4] =	sst s5  }
0xe: {  	[smem:$0x3FB5] =	sst s6  }
0xf: {  	[smem:$0x3FB6] =	sst s7  }
0x10: {  	[smem:$0x3FB7] =	sst s8  }
0x11: {  	[smem:$0x3FB8] =	sst s9;
	s0 =	simm.s32 @!p0 $0x0  }
0x12: {  	s1 =	sld [smem:$0x3F9E];
	s0 =	simm.s32 @p0 $0x1  }
0x13: {  	[smem:$0x3FB9] =	sst s0;
	s0 =	simm.s32 @!p1 $0x0  }
0x14: {  	s2 =	sld [smem:$0x3F9D];
	s0 =	simm.s32 @p1 $0x1  }
0x15: {  	[smem:$0x3FBA] =	sst s0;
	s0 =	simm.s32 @!p2 $0x0  }
0x16: {  	s3 =	sld [smem:$0x3FDB];
	s0 =	simm.s32 @p2 $0x1  }
0x17: {  	s4 =	simm.s32 $0x1BF5;
	[smem:$0x3FBC] =	sst s0  }
0x18: {  	s0 =	sld [smem:$0x3F9F];
	_ =	swait.ge [sflag:s4], $0x0  }
0x19: {  	s7 =	sld [smem:$0x3FA0]  }
0x1a: {  	s8 =	sadd.s32 $0xFFFFE003, lr  }
0x1b: {  	s9 =	sadd.s32 $0xFFFFFEF7, lr;
	s5 =	simm.s32 $0xFFFFFFFF;
	p2 =	slt.u32 s8, $0xFFFFF086  }
0x1c: {  	p1 =	slt.u32 s9, $0xF7A;
	s5 =	simm.s32 @!p2 $0x0  }
0x1d: {  	s5 =	simm.s32 @p1 $0x1;
	p0 =	seq.s32 s7, s2  }
0x1e: {  	s7 =	smul.u32 @!p0 $0xF7A, s2;
	p2 =	seq.s32 @!p0 s5, $0x0  }
0x1f: {  	s9 =	smul.u32 $0xF7A, s1;
	s8 =	simm.s32 @!p0 $0x1BF5;
	p2 =	por !p2, p0  }
0x20: {  	[sflag:s8] =	ssyncset.s32 @!p0 $0xFFFFF086;
	s6 =	sadd.s32 @!p0 s3, s7;
	s7 =	simm.s32 @!p0 $0x108  }
0x21: {  	s3 =	sadd.s32 s3, s9;
	s6 =	sadd.s32 @!p0 $0x88, s6;
	s7 =	simm.s32 @p2 $0x1082  }
0x22: {  	[simem:s7], [sflag:s8] =	dma.local @!p0 [hbm:s6], $0xF7A  }
0x23: {  	s9 =	sor.u32 $0xD0000000, s2;
	s6 =	simm.s32 $0x108;
	_ =	swait.ge @!p0 [sflag:s8], $0x0  }
0x24: {  	s3 =	sadd.s32 $0x88, s3;
	s6 =	simm.s32 @!p1 $0x1082;
	[sflag:s4] =	ssyncset.s32 $0xFFFFF086  }
0x25: {  	[simem:s6], [sflag:s4] =	dma.local [hbm:s3], $0xF7A  }
0x26: {  	[smem:$0x3FA0] =	sst s1;
	(tag) =	ssettag s2;
	_ =	strace s9  }
0x27: {  	s1 =	sld [smem:$0x3FB0]  }
0x28: {  	s2 =	sld [smem:$0x3FB1]  }
0x29: {  	s4 =	sld [smem:$0x3FB3]  }
0x2a: {  	p0 =	seq.s32 s5, $0x0;
	s5 =	sld [smem:$0x3FB4]  }
0x2b: {  	s6 =	sld [smem:$0x3FB5]  }
0x2c: {  	s7 =	sld [smem:$0x3FB6]  }
0x2d: {  	s3 =	simm.s32 $0x108;
	s8 =	sld [smem:$0x3FB7]  }
0x2e: {  	s3 =	simm.s32 @!p0 $0x1082;
	s9 =	sld [smem:$0x3FB8]  }
0x2f: {  	lr =	sadd.s32 s0, s3;
	s0 =	sld [smem:$0x3FAF]  }
0x30: {  	s3 =	sld [smem:$0x3FB2]  }
0x31: {  	[smem:$0x3FBB] =	sst s10  }
0x32: {  	s10 =	sld [smem:$0x3FB9];
	_ =	sdelay $0x3  }
0x33: {  	p0 =	seq.s32 s10, $0x1;
	s10 =	sld [smem:$0x3FBB];
	_ =	sdelay $0x3  }
0x34: {  	[smem:$0x3FBB] =	sst s10  }
0x35: {  	s10 =	sld [smem:$0x3FBA];
	_ =	sdelay $0x3  }
0x36: {  	p1 =	seq.s32 s10, $0x1;
	s10 =	sld [smem:$0x3FBB];
	_ =	sdelay $0x3  }
0x37: {  	[smem:$0x3FBB] =	sst s10  }
0x38: {  	s10 =	sld [smem:$0x3FBC]  }
0x39: {  	_ = 	snop;
	(pc) =	sbr.ind lr, $3  }
0x3a: {  	_ = 	snop  }
0x3b: {  	_ = 	snop  }
0x3c: {  	p2 =	seq.s32 s10, $0x1;
	s10 =	sld [smem:$0x3FBB]  }
0x3d: {  	_ =	shalt  }
0x3e: {  	_ =	shalt  }
0x3f: {  	_ =	shalt  }
0x40: {  	_ =	shalt  }
0x41: {  	_ =	shalt  }
0x42: {  	_ =	shalt  }
0x43: {  	_ =	shalt  }
0x44: {  	_ =	shalt  }
0x45: {  	_ =	shalt  }
0x46: {  	_ =	shalt  }
0x47: {  	_ =	shalt  }
0x48: {  	_ =	shalt  }
0x49: {  	_ =	shalt  }
0x4a: {  	_ =	shalt  }
0x4b: {  	_ =	shalt  }
0x4c: {  	_ =	shalt  }
0x4d: {  	_ =	shalt  }
0x4e: {  	_ =	shalt  }
0x4f: {  	_ =	shalt  }
0x50: {  	_ =	shalt  }
0x51: {  	_ =	shalt  }
0x52: {  	_ =	shalt  }
0x53: {  	_ =	shalt  }
0x54: {  	_ =	shalt  }
0x55: {  	_ =	shalt  }
0x56: {  	_ =	shalt  }
0x57: {  	_ =	shalt  }
0x58: {  	_ =	shalt  }
0x59: {  	_ =	shalt  }
0x5a: {  	_ =	shalt  }
0x5b: {  	_ =	shalt  }
0x5c: {  	_ =	shalt  }
0x5d: {  	_ =	shalt  }
0x5e: {  	_ =	shalt  }
0x5f: {  	_ =	shalt  }
0x60: {  	_ =	shalt  }
0x61: {  	_ =	shalt  }
0x62: {  	_ =	shalt  }
0x63: {  	_ =	shalt  }
0x64: {  	_ =	shalt  }
0x65: {  	_ =	shalt  }
0x66: {  	_ =	shalt  }
0x67: {  	_ =	shalt  }
0x68: {  	_ =	shalt  }
0x69: {  	_ =	shalt  }
0x6a: {  	_ =	shalt  }
0x6b: {  	_ =	shalt  }
0x6c: {  	_ =	shalt  }
0x6d: {  	_ =	shalt  }
0x6e: {  	_ =	shalt  }
0x6f: {  	_ =	shalt  }
0x70: {  	_ =	shalt  }
0x71: {  	_ =	shalt  }
0x72: {  	_ =	shalt  }
0x73: {  	_ =	shalt  }
0x74: {  	_ =	shalt  }
0x75: {  	_ =	shalt  }
0x76: {  	_ =	shalt  }
0x77: {  	_ =	shalt  }
0x78: {  	_ =	shalt  }
0x79: {  	_ =	shalt  }
0x7a: {  	_ =	shalt  }
0x7b: {  	_ =	shalt  }
0x7c: {  	_ =	shalt  }
0x7d: {  	_ =	shalt  }
0x7e: {  	_ =	shalt  }
0x7f: {  	_ =	shalt  }
0x80: {  	_ =	shalt  }
0x81: {  	_ =	shalt  }
0x82: {  	_ =	shalt  }
0x83: {  	_ =	shalt  }
0x84: {  	_ =	shalt  }
0x85: {  	_ =	shalt  }
0x86: {  	_ =	shalt  }
0x87: {  	_ =	shalt  }
.Lfunc_end0:
.L_simem_size_0:
called_computation_lowered:
.L_overlay_start_0:
0x88: {  	s2 =	sld [smem:$0x3FD9]  }
0x89: {  	s3 =	sld [smem:$0x3FFE];
	_ =	sdelay $0x1  }
0x8a: {  	s1 =	srdreg.scid  }
0x8b: {  	s0 =	sand.u32 $0x1, s1  }
0x8c: {  	s18 =	sshll.u32 s0, $0xA;
	s2 =	sadd.s32 s3, s2  }
0x8d: {  	s2 =	sadd.s32 s2, s18  }
0x8e: {  	[smem:$0x3FC7] =	sst s2  }
0x8f: {  	_ = 	snop  }
0x90: {  	s2 =	sld [smem:$0x3FC9]  }
0x91: {  	s19 =	sld [smem:$0x3FD0];
	(tm) =	ssettm $0x1  }
0x92: {  	s4 =	sld [smem:$0x3FFB];
	_ =	sdelay $0x3  }
0x93: {  	_ =	strace s4  }
0x94: {  	s4 =	sld [smem:$0x3FFC];
	_ =	sdelay $0x3  }
0x95: {  	_ =	strace s4  }
0x96: {  	s4 =	sld [smem:$0x3FFD];
	_ =	sdelay $0x3  }
0x97: {  	_ =	strace s4  }
0x98: {  	_ =	strace $0x8FFFFFFF  }
0x99: {  	s20 =	sld [smem:$0x3FDB];
	_ =	sdelay $0x1  }
0x9a: {  	s5 =	simm.s32 $_scs_section_size  }
0x9b: {  	s6 =	simm.s32 $_size__tile_overlayer_lowered;
	s7 =	simm.s32 $_tile_overlayer_lowered  }
0x9c: {  	s23 =	simm.s32 $0x1BFF;
	s22 =	sshll.u32 s7, $0x1;
	s4 =	sadd.s32 s5, s20  }
0x9d: {  	s8 =	simm.s32 $0x0;
	s21 =	sshll.u32 s6, $0x1;
	s6 =	sadd.s32 s22, s4  }
0x9e: {  	[timem:s8], [sflag:s23] =	dma.local [hbm:s6], s21  }
0x9f: {  	_ =	swait.ge [sflag:s23], s21  }
0xa0: {  	s5 =	ssub.s32 $0x0, s21;
	[sflag:s23] =	ssyncset.done $0x0  }
0xa1: {  	[sflag:s23] =	ssyncadd.s32 s5;
	_ =	sdelay $0x1  }
0xa2: {  	s24 =	simm.s32 $0x1B8B  }
0xa3: {  	_ =	swait.ge [sflag:s24], $0x1  }
0xa4: {  	[sflag:s24] =	ssyncset.done $0x0  }
0xa5: {  	s25 =	simm.s32 $0x1B8E;
	[sflag:s24] =	ssyncadd.s32 $0xFFFFFFFF  }
0xa6: {  	s26 =	simm.s32 $execute0_lowered;
	[smem:$0x3FD2] =	sst s25  }
0xa7: {  	s5 =	sshll.u32 s26, $0x1;
	_ =	strace $0x80000046;
	[dreg:$0x1] =	wrdreg $0xFFFFFFFF  }
0xa8: {  	s28 =	simm.s32 $_size_execute0_lowered;
	s4 =	sadd.s32 s4, s5;
	[dreg:$0x0] =	wrdreg $0x0  }
0xa9: {  	s5 =	sshll.u32 s28, $0x1;
	[dreg:$0x2] =	wrdreg s4  }
0xaa: {  	[dreg:$0x3] =	wrdreg s5  }
0xab: {  	[dreg:$0x4] =	wrdreg $0xC0  }
0xac: {  	_ =	task [dreg:s8], $0x5FFFF  }
0xad: {  	[dreg:$0x1] =	wrdreg $0xFFFFFFFF  }
0xae: {  	[dreg:$0x0] =	wrdreg $0x60  }
0xaf: {  	[dreg:$0x2] =	wrdreg s2  }
0xb0: {  	[dreg:$0x3] =	wrdreg s19  }
0xb1: {  	[dreg:$0x4] =	wrdreg $0x9  }
0xb2: {  	_ =	task.clear_ibuf [dreg:s8], $0x5FFFF;
	_ =	strace $0x90000046  }
0xb3: {  	s29 =	simm.s32 $0x9;
	_ =	strace $0x80000048  }
0xb4: {  	_ =	swait.ge [sflag:s29], $0x1  }
0xb5: {  	[sflag:s29] =	ssyncadd.s32 $0xFFFFFFFF  }
0xb6: {  	_ =	strace $0x90000048  }
0xb7: {  	_ =	sfence  }
0xb8: {  	s30 =	sld [smem:$0x0];
	_ =	sdelay $0x2  }
0xb9: {  	s31 =	sshll.u32 s1, $0xD;
	s1 =	sshrl.u32 s1, $0x2  }
0xba: {  	s3 =	sand.u32 $0x4000, s31;
	s1 =	sadd.s32 s1, s30  }
0xbb: {  	s0 =	sor.u32 s3, s0;
	s1 =	sshll.u32 s1, $0x11  }
0xbc: {  	s0 =	sor.u32 s1, s0  }
0xbd: {  	s0 =	sadd.s32 $0x8F2B, s0  }
0xbe: {  	[sflag:s0] =	ssyncadd.remote.s32 $0x1  }
0xbf: {  	_ =	sfence.sel $0xFFFF  }
0xc0: {  	[dreg:$0x0] =	wrdreg $0xFFFFFFFF;
	(pc) =	sbr.abs _section_cstart, $3  }
0xc1: {  	[dreg:$0x1] =	wrdreg $0xFFFFFFFF  }
0xc2: {  	_ =	task.clear_ibuf [dreg:s8], $0x2FFFF;
	_ =	strace $0x9FFFFFFF  }
0xc3: {  	(tm) =	ssettm $0x7FFFFFFF  }
tec
execute0_lowered:
.L_overlay_start_1:
0x0: {  	(tag) =	ssettag $0x1  }
0x1: {  	s3 =	rddreg [dreg:$0x0]  }
0x2: {  	s0 =	rddreg [dreg:$0x1]  }
0x3: {  	s1 =	srdreg.scid;
	s4 =	stileid.u32  }
0x4: {  	s2 =	simm.s32 $0x0;
	p0 =	por $0x0, $0x0;
	s1 =	sand.u32 $0x1, s1  }
0x5: {  	s4 =	sshll.u32 s4, $0x10;
	[smem:$0x7FF] =	sst s2;
	s5 =	sshll.u32 s1, $0xF  }
0x6: {  	_ =	strace $0x80000047;
	s1 =	ssub.s32 $0x2, s1;
	s4 =	sor.u32 s5, s4  }
0x7: {  	s8 =	sshrl.u32 s1, $0x1;
	s5 =	sadd.s32 s3, s4;
	s6 =	sor.u32 $0x1000, s4  }
0x8: {  	s31 =	sadd.s32 s0, s4;
	s7 =	sor.u32 $0x2000, s4;
	s25 =	sor.u32 $0x3000, s4  }
0x9: {  	s1 =	ssub.s32 s1, s8;
	[dreg:$0x3] =	wrdreg s5;
	s16 =	sadd.s32 s3, s6  }
0xa: {  	s12 =	sor.u32 $0x4000, s4;
	s17 =	sadd.s32 $0x100000, s31;
	[dreg:$0x4] =	wrdreg s16  }
0xb: {  	s13 =	sor.u32 $0x5000, s4;
	s18 =	sadd.s32 $0x200000, s31;
	[dreg:$0x5] =	wrdreg s17  }
0xc: {  	s14 =	sor.u32 $0x6000, s4;
	s19 =	sadd.s32 $0x300000, s31;
	[dreg:$0x6] =	wrdreg s18  }
0xd: {  	s4 =	sor.u32 $0x7000, s4;
	s20 =	sadd.s32 s3, s7;
	[dreg:$0x7] =	wrdreg s19  }
0xe: {  	s21 =	sadd.s32 s0, s6;
	s22 =	sadd.s32 $0x101000, s31;
	[dreg:$0x8] =	wrdreg s20  }
0xf: {  	s23 =	sadd.s32 $0x201000, s31;
	s24 =	sadd.s32 $0x301000, s31;
	[dreg:$0x9] =	wrdreg s21  }
0x10: {  	s26 =	sadd.s32 s3, s25;
	s7 =	sadd.s32 s0, s7;
	[dreg:$0xa] =	wrdreg s22  }
0x11: {  	s9 =	sadd.s32 $0x102000, s31;
	s10 =	sadd.s32 $0x202000, s31;
	[dreg:$0xb] =	wrdreg s23  }
0x12: {  	s11 =	sadd.s32 $0x302000, s31;
	s30 =	sadd.s32 s3, s12;
	[dreg:$0xc] =	wrdreg s24  }
0x13: {  	s25 =	sadd.s32 s0, s25;
	s28 =	sadd.s32 $0x203000, s31;
	[dreg:$0xd] =	wrdreg s26  }
0x14: {  	s29 =	sadd.s32 $0x303000, s31;
	s15 =	sadd.s32 s0, s13;
	[dreg:$0xe] =	wrdreg s7  }
0x15: {  	s5 =	sadd.s32 s0, s14;
	s6 =	sadd.s32 $0x106000, s31;
	[dreg:$0xf] =	wrdreg s9  }
0x16: {  	s1 =	smax.u32 s1, $0x1;
	s8 =	sadd.s32 $0x107000, s31;
	[dreg:$0x10] =	wrdreg s10  }
0x17: {  	[dreg:$0x11] =	wrdreg s11;
	s26 =	sadd.s32 $0x103000, s31;
	s24 =	sadd.s32 s3, s13  }
0x18: {  	s20 =	sadd.s32 s0, s12;
	s21 =	sadd.s32 $0x104000, s31;
	s22 =	sadd.s32 $0x204000, s31  }
0x19: {  	s23 =	sadd.s32 $0x304000, s31;
	s19 =	sadd.s32 s3, s14;
	p1 =	sne.s32 s1, $0x1  }
.Ltmp0:
0x1a: {  	s16 =	sadd.s32 $0x105000, s31;
	s17 =	sadd.s32 $0x205000, s31;
	(pc) =	sbr.rel @!p1 .LBB2_5-.Ltmp0, $4  }
0x1b: {  	s18 =	sadd.s32 $0x305000, s31;
	s13 =	sadd.s32 s3, s4;
	s7 =	sadd.s32 $0x206000, s31  }
0x1c: {  	s4 =	sadd.s32 s0, s4;
	s11 =	sadd.s32 $0x306000, s31;
	s0 =	sadd.s32 $0xFFFFFFFF, s1  }
0x1d: {  	s9 =	sadd.s32 $0x207000, s31;
	s10 =	sadd.s32 $0x307000, s31;
	s12 =	simm.s32 $0x8000  }
0x1e: {  	s14 =	simm.s32 $0x1;
	s3 =	simm.s32 $0x2;
	s1 =	rddreg [dreg:$0x3]  }
0x1f: {  	[dreg:$0x13] =	wrdreg s0  }
0x20: {  	[tilespmem:s2], [sflag:$0x1] =	stream.linear.gather [hbm4b:s1+s2], $0x8000, $0x38;
	[tilespmem:$0x10000] =	vst v63  }
0x21: {  	s0 =	rddreg [dreg:$0x4]  }
0x22: {  	[tilespmem:s12], [sflag:$0x1] =	stream.linear.gather [hbm4b:s0+s2], $0x8000, $0x38;
	[tilespmem:$0x10000] =	vst v63  }
0x23: {  	_ =	swait.ge [sflag:s14], $0x8000  }
0x24: {  	[sflag:s14] =	ssyncset.done $0x0  }
0x25: {  	[sflag:s14] =	ssyncadd.s32 $0xFFFF8000  }
0x26: {  	[hbm4b:s31+s2] =	stream.linear.scatter [tilespmem:s2], [sflag:$0x2], $0x8000, $0x38;
	[tilespmem:$0x10000] =	vst v63  }
0x27: {  	s0 =	rddreg [dreg:$0x5]  }
0x28: {  	[hbm4b:s0+s2] =	stream.linear.scatter [tilespmem:s2], [sflag:$0x2], $0x8000, $0x38;
	[tilespmem:$0x10000] =	vst v63  }
0x29: {  	s1 =	rddreg [dreg:$0x6]  }
0x2a: {  	[hbm4b:s1+s2] =	stream.linear.scatter [tilespmem:s2], [sflag:$0x2], $0x8000, $0x38;
	[tilespmem:$0x10000] =	vst v63  }
0x2b: {  	s0 =	rddreg [dreg:$0x7]  }
0x2c: {  	[hbm4b:s0+s2] =	stream.linear.scatter [tilespmem:s2], [sflag:$0x2], $0x8000, $0x38;
	[tilespmem:$0x10000] =	vst v63  }
0x2d: {  	_ =	swait.ge [sflag:s3], $0x8000  }
0x2e: {  	[sflag:s3] =	ssyncset.done $0x0  }
0x2f: {  	[sflag:s3] =	ssyncadd.s32 $0xFFFF8000  }
0x30: {  	_ =	swait.ge [sflag:s3], $0x8000  }
0x31: {  	[sflag:s3] =	ssyncset.done $0x0  }
0x32: {  	[sflag:s3] =	ssyncadd.s32 $0xFFFF8000  }
0x33: {  	_ =	swait.ge [sflag:s3], $0x8000  }
0x34: {  	[sflag:s3] =	ssyncset.done $0x0  }
0x35: {  	[sflag:s3] =	ssyncadd.s32 $0xFFFF8000  }
0x36: {  	_ =	swait.ge [sflag:s3], $0x8000  }
0x37: {  	[sflag:s3] =	ssyncset.done $0x0  }
0x38: {  	s1 =	rddreg [dreg:$0x8];
	[sflag:s3] =	ssyncadd.s32 $0xFFFF8000  }
0x39: {  	[tilespmem:s2], [sflag:$0x1] =	stream.linear.gather [hbm4b:s1+s2], $0x8000, $0x38;
	[tilespmem:$0x10000] =	vst v63  }
0x3a: {  	_ =	swait.ge [sflag:s14], $0x8000  }
0x3b: {  	[sflag:s14] =	ssyncset.done $0x0  }
0x3c: {  	s0 =	rddreg [dreg:$0x9];
	[sflag:s14] =	ssyncadd.s32 $0xFFFF8000  }
0x3d: {  	[hbm4b:s0+s2] =	stream.linear.scatter [tilespmem:s12], [sflag:$0x2], $0x8000, $0x38;
	[tilespmem:$0x10000] =	vst v63  }
0x3e: {  	s1 =	rddreg [dreg:$0xa]  }
0x3f: {  	[hbm4b:s1+s2] =	stream.linear.scatter [tilespmem:s12], [sflag:$0x2], $0x8000, $0x38;
	[tilespmem:$0x10000] =	vst v63  }
0x40: {  	s0 =	rddreg [dreg:$0xb]  }
0x41: {  	[hbm4b:s0+s2] =	stream.linear.scatter [tilespmem:s12], [sflag:$0x2], $0x8000, $0x38;
	[tilespmem:$0x10000] =	vst v63  }
0x42: {  	s1 =	rddreg [dreg:$0xc]  }
0x43: {  	[hbm4b:s1+s2] =	stream.linear.scatter [tilespmem:s12], [sflag:$0x2], $0x8000, $0x38;
	[tilespmem:$0x10000] =	vst v63  }
0x44: {  	_ =	swait.ge [sflag:s3], $0x8000  }
0x45: {  	[sflag:s3] =	ssyncset.done $0x0  }
0x46: {  	[sflag:s3] =	ssyncadd.s32 $0xFFFF8000  }
0x47: {  	_ =	swait.ge [sflag:s3], $0x8000  }
0x48: {  	[sflag:s3] =	ssyncset.done $0x0  }
0x49: {  	[sflag:s3] =	ssyncadd.s32 $0xFFFF8000  }
0x4a: {  	_ =	swait.ge [sflag:s3], $0x8000  }
0x4b: {  	[sflag:s3] =	ssyncset.done $0x0  }
0x4c: {  	[sflag:s3] =	ssyncadd.s32 $0xFFFF8000  }
0x4d: {  	_ =	swait.ge [sflag:s3], $0x8000  }
0x4e: {  	[sflag:s3] =	ssyncset.done $0x0  }
0x4f: {  	s1 =	rddreg [dreg:$0xd];
	[sflag:s3] =	ssyncadd.s32 $0xFFFF8000  }
0x50: {  	[tilespmem:s12], [sflag:$0x1] =	stream.linear.gather [hbm4b:s1+s2], $0x8000, $0x38;
	[tilespmem:$0x10000] =	vst v63  }
0x51: {  	_ =	swait.ge [sflag:s14], $0x8000  }
0x52: {  	[sflag:s14] =	ssyncset.done $0x0  }
0x53: {  	s0 =	rddreg [dreg:$0xe];
	[sflag:s14] =	ssyncadd.s32 $0xFFFF8000  }
0x54: {  	[hbm4b:s0+s2] =	stream.linear.scatter [tilespmem:s2], [sflag:$0x2], $0x8000, $0x38;
	[tilespmem:$0x10000] =	vst v63  }
0x55: {  	s1 =	rddreg [dreg:$0xf]  }
0x56: {  	[hbm4b:s1+s2] =	stream.linear.scatter [tilespmem:s2], [sflag:$0x2], $0x8000, $0x38;
	[tilespmem:$0x10000] =	vst v63  }
0x57: {  	s0 =	rddreg [dreg:$0x10]  }
0x58: {  	[hbm4b:s0+s2] =	stream.linear.scatter [tilespmem:s2], [sflag:$0x2], $0x8000, $0x38;
	[tilespmem:$0x10000] =	vst v63  }
0x59: {  	s1 =	rddreg [dreg:$0x11]  }
0x5a: {  	[hbm4b:s1+s2] =	stream.linear.scatter [tilespmem:s2], [sflag:$0x2], $0x8000, $0x38;
	[tilespmem:$0x10000] =	vst v63  }
0x5b: {  	_ =	swait.ge [sflag:s3], $0x8000  }
0x5c: {  	[sflag:s3] =	ssyncset.done $0x0  }
0x5d: {  	[sflag:s3] =	ssyncadd.s32 $0xFFFF8000  }
0x5e: {  	_ =	swait.ge [sflag:s3], $0x8000  }
0x5f: {  	[sflag:s3] =	ssyncset.done $0x0  }
0x60: {  	[sflag:s3] =	ssyncadd.s32 $0xFFFF8000  }
0x61: {  	_ =	swait.ge [sflag:s3], $0x8000  }
0x62: {  	[sflag:s3] =	ssyncset.done $0x0  }
0x63: {  	[sflag:s3] =	ssyncadd.s32 $0xFFFF8000  }
0x64: {  	_ =	swait.ge [sflag:s3], $0x8000  }
0x65: {  	[sflag:s3] =	ssyncset.done $0x0  }
0x66: {  	[sflag:s3] =	ssyncadd.s32 $0xFFFF8000  }
0x67: {  	[tilespmem:s2], [sflag:$0x1] =	stream.linear.gather [hbm4b:s30+s2], $0x8000, $0x38;
	[tilespmem:$0x10000] =	vst v63  }
0x68: {  	_ =	swait.ge [sflag:s14], $0x8000  }
0x69: {  	[sflag:s14] =	ssyncset.done $0x0  }
0x6a: {  	[sflag:s14] =	ssyncadd.s32 $0xFFFF8000  }
0x6b: {  	[hbm4b:s25+s2] =	stream.linear.scatter [tilespmem:s12], [sflag:$0x2], $0x8000, $0x38;
	[tilespmem:$0x10000] =	vst v63  }
0x6c: {  	_ = 	snop  }
0x6d: {  	[hbm4b:s26+s2] =	stream.linear.scatter [tilespmem:s12], [sflag:$0x2], $0x8000, $0x38;
	[tilespmem:$0x10000] =	vst v63  }
0x6e: {  	_ = 	snop  }
0x6f: {  	[hbm4b:s28+s2] =	stream.linear.scatter [tilespmem:s12], [sflag:$0x2], $0x8000, $0x38;
	[tilespmem:$0x10000] =	vst v63  }
0x70: {  	_ = 	snop  }
0x71: {  	[hbm4b:s29+s2] =	stream.linear.scatter [tilespmem:s12], [sflag:$0x2], $0x8000, $0x38;
	[tilespmem:$0x10000] =	vst v63  }
0x72: {  	_ =	swait.ge [sflag:s3], $0x8000  }
0x73: {  	[sflag:s3] =	ssyncset.done $0x0  }
0x74: {  	[sflag:s3] =	ssyncadd.s32 $0xFFFF8000  }
0x75: {  	_ =	swait.ge [sflag:s3], $0x8000  }
0x76: {  	[sflag:s3] =	ssyncset.done $0x0  }
0x77: {  	[sflag:s3] =	ssyncadd.s32 $0xFFFF8000  }
0x78: {  	_ =	swait.ge [sflag:s3], $0x8000  }
0x79: {  	[sflag:s3] =	ssyncset.done $0x0  }
0x7a: {  	[sflag:s3] =	ssyncadd.s32 $0xFFFF8000  }
0x7b: {  	_ =	swait.ge [sflag:s3], $0x8000  }
0x7c: {  	[sflag:s3] =	ssyncset.done $0x0  }
0x7d: {  	[sflag:s3] =	ssyncadd.s32 $0xFFFF8000  }
0x7e: {  	[tilespmem:s12], [sflag:$0x1] =	stream.linear.gather [hbm4b:s24+s2], $0x8000, $0x38;
	[tilespmem:$0x10000] =	vst v63  }
0x7f: {  	_ =	swait.ge [sflag:s14], $0x8000  }
0x80: {  	[sflag:s14] =	ssyncset.done $0x0  }
0x81: {  	[sflag:s14] =	ssyncadd.s32 $0xFFFF8000  }
0x82: {  	[hbm4b:s20+s2] =	stream.linear.scatter [tilespmem:s2], [sflag:$0x2], $0x8000, $0x38;
	[tilespmem:$0x10000] =	vst v63  }
0x83: {  	_ = 	snop  }
0x84: {  	[hbm4b:s21+s2] =	stream.linear.scatter [tilespmem:s2], [sflag:$0x2], $0x8000, $0x38;
	[tilespmem:$0x10000] =	vst v63  }
0x85: {  	_ = 	snop  }
0x86: {  	[hbm4b:s22+s2] =	stream.linear.scatter [tilespmem:s2], [sflag:$0x2], $0x8000, $0x38;
	[tilespmem:$0x10000] =	vst v63  }
0x87: {  	_ = 	snop  }
0x88: {  	[hbm4b:s23+s2] =	stream.linear.scatter [tilespmem:s2], [sflag:$0x2], $0x8000, $0x38;
	[tilespmem:$0x10000] =	vst v63  }
0x89: {  	_ =	swait.ge [sflag:s3], $0x8000  }
0x8a: {  	[sflag:s3] =	ssyncset.done $0x0  }
0x8b: {  	[sflag:s3] =	ssyncadd.s32 $0xFFFF8000  }
0x8c: {  	_ =	swait.ge [sflag:s3], $0x8000  }
0x8d: {  	[sflag:s3] =	ssyncset.done $0x0  }
0x8e: {  	[sflag:s3] =	ssyncadd.s32 $0xFFFF8000  }
0x8f: {  	_ =	swait.ge [sflag:s3], $0x8000  }
0x90: {  	[sflag:s3] =	ssyncset.done $0x0  }
0x91: {  	[sflag:s3] =	ssyncadd.s32 $0xFFFF8000  }
0x92: {  	_ =	swait.ge [sflag:s3], $0x8000  }
0x93: {  	[sflag:s3] =	ssyncset.done $0x0  }
0x94: {  	[sflag:s3] =	ssyncadd.s32 $0xFFFF8000  }
0x95: {  	[tilespmem:s2], [sflag:$0x1] =	stream.linear.gather [hbm4b:s19+s2], $0x8000, $0x38;
	[tilespmem:$0x10000] =	vst v63  }
0x96: {  	_ =	swait.ge [sflag:s14], $0x8000  }
0x97: {  	[sflag:s14] =	ssyncset.done $0x0  }
0x98: {  	[sflag:s14] =	ssyncadd.s32 $0xFFFF8000  }
0x99: {  	[hbm4b:s15+s2] =	stream.linear.scatter [tilespmem:s12], [sflag:$0x2], $0x8000, $0x38;
	[tilespmem:$0x10000] =	vst v63  }
0x9a: {  	_ = 	snop  }
0x9b: {  	[hbm4b:s16+s2] =	stream.linear.scatter [tilespmem:s12], [sflag:$0x2], $0x8000, $0x38;
	[tilespmem:$0x10000] =	vst v63  }
0x9c: {  	_ = 	snop  }
0x9d: {  	[hbm4b:s17+s2] =	stream.linear.scatter [tilespmem:s12], [sflag:$0x2], $0x8000, $0x38;
	[tilespmem:$0x10000] =	vst v63  }
0x9e: {  	_ = 	snop  }
0x9f: {  	[hbm4b:s18+s2] =	stream.linear.scatter [tilespmem:s12], [sflag:$0x2], $0x8000, $0x38;
	[tilespmem:$0x10000] =	vst v63  }
0xa0: {  	_ =	swait.ge [sflag:s3], $0x8000  }
0xa1: {  	[sflag:s3] =	ssyncset.done $0x0  }
0xa2: {  	[sflag:s3] =	ssyncadd.s32 $0xFFFF8000  }
0xa3: {  	_ =	swait.ge [sflag:s3], $0x8000  }
0xa4: {  	[sflag:s3] =	ssyncset.done $0x0  }
0xa5: {  	[sflag:s3] =	ssyncadd.s32 $0xFFFF8000  }
0xa6: {  	_ =	swait.ge [sflag:s3], $0x8000  }
0xa7: {  	[sflag:s3] =	ssyncset.done $0x0  }
0xa8: {  	[sflag:s3] =	ssyncadd.s32 $0xFFFF8000  }
0xa9: {  	_ =	swait.ge [sflag:s3], $0x8000  }
0xaa: {  	[sflag:s3] =	ssyncset.done $0x0  }
0xab: {  	[sflag:s3] =	ssyncadd.s32 $0xFFFF8000  }
0xac: {  	[tilespmem:s12], [sflag:$0x1] =	stream.linear.gather [hbm4b:s13+s2], $0x8000, $0x38;
	[tilespmem:$0x10000] =	vst v63  }
0xad: {  	_ =	swait.ge [sflag:s14], $0x8000  }
0xae: {  	[sflag:s14] =	ssyncset.done $0x0  }
0xaf: {  	[sflag:s14] =	ssyncadd.s32 $0xFFFF8000  }
0xb0: {  	[hbm4b:s5+s2] =	stream.linear.scatter [tilespmem:s2], [sflag:$0x2], $0x8000, $0x38;
	[tilespmem:$0x10000] =	vst v63  }
0xb1: {  	_ = 	snop  }
0xb2: {  	[hbm4b:s6+s2] =	stream.linear.scatter [tilespmem:s2], [sflag:$0x2], $0x8000, $0x38;
	[tilespmem:$0x10000] =	vst v63  }
0xb3: {  	_ = 	snop  }
0xb4: {  	[hbm4b:s7+s2] =	stream.linear.scatter [tilespmem:s2], [sflag:$0x2], $0x8000, $0x38;
	[tilespmem:$0x10000] =	vst v63  }
0xb5: {  	_ = 	snop  }
0xb6: {  	[hbm4b:s11+s2] =	stream.linear.scatter [tilespmem:s2], [sflag:$0x2], $0x8000, $0x38;
	[tilespmem:$0x10000] =	vst v63  }
0xb7: {  	_ =	swait.ge [sflag:s14], $0x8000  }
0xb8: {  	[sflag:s14] =	ssyncset.done $0x0  }
0xb9: {  	[sflag:s14] =	ssyncadd.s32 $0xFFFF8000  }
0xba: {  	[hbm4b:s4+s2] =	stream.linear.scatter [tilespmem:s12], [sflag:$0x2], $0x8000, $0x38;
	[tilespmem:$0x10000] =	vst v63  }
0xbb: {  	_ = 	snop  }
0xbc: {  	[hbm4b:s8+s2] =	stream.linear.scatter [tilespmem:s12], [sflag:$0x2], $0x8000, $0x38;
	[tilespmem:$0x10000] =	vst v63  }
0xbd: {  	_ = 	snop  }
0xbe: {  	[hbm4b:s9+s2] =	stream.linear.scatter [tilespmem:s12], [sflag:$0x2], $0x8000, $0x38;
	[tilespmem:$0x10000] =	vst v63  }
0xbf: {  	_ = 	snop  }
0xc0: {  	[hbm4b:s10+s2] =	stream.linear.scatter [tilespmem:s12], [sflag:$0x2], $0x8000, $0x38;
	[tilespmem:$0x10000] =	vst v63  }
0xc1: {  	_ =	swait.ge [sflag:s3], $0x8000  }
0xc2: {  	[sflag:s3] =	ssyncset.done $0x0  }
0xc3: {  	[sflag:s3] =	ssyncadd.s32 $0xFFFF8000  }
0xc4: {  	_ =	swait.ge [sflag:s3], $0x8000  }
0xc5: {  	[sflag:s3] =	ssyncset.done $0x0  }
0xc6: {  	[sflag:s3] =	ssyncadd.s32 $0xFFFF8000  }
0xc7: {  	_ =	swait.ge [sflag:s3], $0x8000  }
0xc8: {  	[sflag:s3] =	ssyncset.done $0x0  }
0xc9: {  	[sflag:s3] =	ssyncadd.s32 $0xFFFF8000  }
0xca: {  	_ =	swait.ge [sflag:s3], $0x8000  }
0xcb: {  	[sflag:s3] =	ssyncset.done $0x0  }
0xcc: {  	[sflag:s3] =	ssyncadd.s32 $0xFFFF8000  }
0xcd: {  	_ =	swait.ge [sflag:s3], $0x8000  }
0xce: {  	[sflag:s3] =	ssyncset.done $0x0  }
0xcf: {  	[sflag:s3] =	ssyncadd.s32 $0xFFFF8000  }
0xd0: {  	_ =	swait.ge [sflag:s3], $0x8000  }
0xd1: {  	[sflag:s3] =	ssyncset.done $0x0  }
0xd2: {  	[sflag:s3] =	ssyncadd.s32 $0xFFFF8000  }
0xd3: {  	_ =	swait.ge [sflag:s3], $0x8000  }
0xd4: {  	s1 =	rddreg [dreg:$0x13]  }
0xd5: {  	p1 =	sne.s32 s1, $0x1  }
.Ltmp1:
0xd6: {  	_ = 	snop;
	(pc) =	sbr.rel @!p1 .LBB2_2-.Ltmp1, $4  }
0xd7: {  	[sflag:s3] =	ssyncset.done $0x0  }
0xd8: {  	[sflag:s3] =	ssyncadd.s32 $0xFFFF8000  }
0xd9: {  	p0 =	por $0x1, $0x1;
	_ =	swait.ge [sflag:s3], $0x8000;
	[dreg:$0x12] =	wrdreg s31  }
0xda: {  	s0 =	sadd.s32 $0xFFFFFFFF, s1;
	s1 =	rddreg [dreg:$0x3];
	[sflag:s3] =	ssyncset.done $0x0  }
.LBB2_3:
0xdb: {  	[sflag:s3] =	ssyncadd.s32 $0xFFFF8000;
	s31 =	smov.u32 s30  }
0xdc: {  	s30 =	smov.u32 s29;
	s29 =	smov.u32 s28;
	s28 =	smov.u32 s26  }
0xdd: {  	s26 =	smov.u32 s25;
	s25 =	smov.u32 s24;
	s24 =	smov.u32 s23  }
0xde: {  	s23 =	smov.u32 s22;
	s22 =	smov.u32 s21;
	s21 =	smov.u32 s20  }
0xdf: {  	s20 =	smov.u32 s19;
	s19 =	smov.u32 s18;
	s18 =	smov.u32 s17  }
0xe0: {  	s17 =	smov.u32 s16;
	s16 =	smov.u32 s15;
	s15 =	smov.u32 s13  }
0xe1: {  	s13 =	smov.u32 s11;
	s11 =	smov.u32 s10;
	s10 =	smov.u32 s9  }
0xe2: {  	s9 =	smov.u32 s8;
	s8 =	smov.u32 s7;
	s7 =	smov.u32 s6  }
0xe3: {  	[tilespmem:s2], [sflag:$0x1] =	stream.linear.gather [hbm4b:s1+s2], $0x8000, $0x38;
	[tilespmem:$0x10000] =	vst v63  }
0xe4: {  	s6 =	smov.u32 s5;
	s5 =	smov.u32 s4;
	s4 =	rddreg [dreg:$0x4]  }
0xe5: {  	[tilespmem:s12], [sflag:$0x1] =	stream.linear.gather [hbm4b:s4+s2], $0x8000, $0x38;
	[tilespmem:$0x10000] =	vst v63  }
0xe6: {  	_ =	swait.ge [sflag:s14], $0x8000  }
0xe7: {  	[sflag:s14] =	ssyncset.done $0x0  }
0xe8: {  	s4 =	rddreg [dreg:$0x12];
	[sflag:s14] =	ssyncadd.s32 $0xFFFF8000  }
0xe9: {  	[hbm4b:s4+s2] =	stream.linear.scatter [tilespmem:s2], [sflag:$0x2], $0x8000, $0x38;
	[tilespmem:$0x10000] =	vst v63  }
0xea: {  	s1 =	rddreg [dreg:$0x5]  }
0xeb: {  	[hbm4b:s1+s2] =	stream.linear.scatter [tilespmem:s2], [sflag:$0x2], $0x8000, $0x38;
	[tilespmem:$0x10000] =	vst v63  }
0xec: {  	s4 =	rddreg [dreg:$0x6]  }
0xed: {  	[hbm4b:s4+s2] =	stream.linear.scatter [tilespmem:s2], [sflag:$0x2], $0x8000, $0x38;
	[tilespmem:$0x10000] =	vst v63  }
0xee: {  	s1 =	rddreg [dreg:$0x7]  }
0xef: {  	[hbm4b:s1+s2] =	stream.linear.scatter [tilespmem:s2], [sflag:$0x2], $0x8000, $0x38;
	[tilespmem:$0x10000] =	vst v63  }
0xf0: {  	_ =	swait.ge [sflag:s3], $0x8000  }
0xf1: {  	[sflag:s3] =	ssyncset.done $0x0  }
0xf2: {  	[sflag:s3] =	ssyncadd.s32 $0xFFFF8000  }
0xf3: {  	_ =	swait.ge [sflag:s3], $0x8000  }
0xf4: {  	[sflag:s3] =	ssyncset.done $0x0  }
0xf5: {  	[sflag:s3] =	ssyncadd.s32 $0xFFFF8000  }
0xf6: {  	_ =	swait.ge [sflag:s3], $0x8000  }
0xf7: {  	[sflag:s3] =	ssyncset.done $0x0  }
0xf8: {  	[sflag:s3] =	ssyncadd.s32 $0xFFFF8000  }
0xf9: {  	_ =	swait.ge [sflag:s3], $0x8000  }
0xfa: {  	[sflag:s3] =	ssyncset.done $0x0  }
0xfb: {  	s4 =	rddreg [dreg:$0x8];
	[sflag:s3] =	ssyncadd.s32 $0xFFFF8000  }
0xfc: {  	[tilespmem:s2], [sflag:$0x1] =	stream.linear.gather [hbm4b:s4+s2], $0x8000, $0x38;
	[tilespmem:$0x10000] =	vst v63  }
0xfd: {  	_ =	swait.ge [sflag:s14], $0x8000  }
0xfe: {  	[sflag:s14] =	ssyncset.done $0x0  }
0xff: {  	s1 =	rddreg [dreg:$0x9];
	[sflag:s14] =	ssyncadd.s32 $0xFFFF8000  }
0x100: {  	[hbm4b:s1+s2] =	stream.linear.scatter [tilespmem:s12], [sflag:$0x2], $0x8000, $0x38;
	[tilespmem:$0x10000] =	vst v63  }
0x101: {  	s4 =	rddreg [dreg:$0xa]  }
0x102: {  	[hbm4b:s4+s2] =	stream.linear.scatter [tilespmem:s12], [sflag:$0x2], $0x8000, $0x38;
	[tilespmem:$0x10000] =	vst v63  }
0x103: {  	s1 =	rddreg [dreg:$0xb]  }
0x104: {  	[hbm4b:s1+s2] =	stream.linear.scatter [tilespmem:s12], [sflag:$0x2], $0x8000, $0x38;
	[tilespmem:$0x10000] =	vst v63  }
0x105: {  	s4 =	rddreg [dreg:$0xc]  }
0x106: {  	[hbm4b:s4+s2] =	stream.linear.scatter [tilespmem:s12], [sflag:$0x2], $0x8000, $0x38;
	[tilespmem:$0x10000] =	vst v63  }
0x107: {  	_ =	swait.ge [sflag:s3], $0x8000  }
0x108: {  	[sflag:s3] =	ssyncset.done $0x0  }
0x109: {  	[sflag:s3] =	ssyncadd.s32 $0xFFFF8000  }
0x10a: {  	_ =	swait.ge [sflag:s3], $0x8000  }
0x10b: {  	[sflag:s3] =	ssyncset.done $0x0  }
0x10c: {  	[sflag:s3] =	ssyncadd.s32 $0xFFFF8000  }
0x10d: {  	_ =	swait.ge [sflag:s3], $0x8000  }
0x10e: {  	[sflag:s3] =	ssyncset.done $0x0  }
0x10f: {  	[sflag:s3] =	ssyncadd.s32 $0xFFFF8000  }
0x110: {  	_ =	swait.ge [sflag:s3], $0x8000  }
0x111: {  	[sflag:s3] =	ssyncset.done $0x0  }
0x112: {  	s4 =	rddreg [dreg:$0xd];
	[sflag:s3] =	ssyncadd.s32 $0xFFFF8000  }
0x113: {  	[tilespmem:s12], [sflag:$0x1] =	stream.linear.gather [hbm4b:s4+s2], $0x8000, $0x38;
	[tilespmem:$0x10000] =	vst v63  }
0x114: {  	_ =	swait.ge [sflag:s14], $0x8000  }
0x115: {  	[sflag:s14] =	ssyncset.done $0x0  }
0x116: {  	s1 =	rddreg [dreg:$0xe];
	[sflag:s14] =	ssyncadd.s32 $0xFFFF8000  }
0x117: {  	[hbm4b:s1+s2] =	stream.linear.scatter [tilespmem:s2], [sflag:$0x2], $0x8000, $0x38;
	[tilespmem:$0x10000] =	vst v63  }
0x118: {  	s4 =	rddreg [dreg:$0xf]  }
0x119: {  	[hbm4b:s4+s2] =	stream.linear.scatter [tilespmem:s2], [sflag:$0x2], $0x8000, $0x38;
	[tilespmem:$0x10000] =	vst v63  }
0x11a: {  	s1 =	rddreg [dreg:$0x10]  }
0x11b: {  	[hbm4b:s1+s2] =	stream.linear.scatter [tilespmem:s2], [sflag:$0x2], $0x8000, $0x38;
	[tilespmem:$0x10000] =	vst v63  }
0x11c: {  	s4 =	rddreg [dreg:$0x11]  }
0x11d: {  	[hbm4b:s4+s2] =	stream.linear.scatter [tilespmem:s2], [sflag:$0x2], $0x8000, $0x38;
	[tilespmem:$0x10000] =	vst v63  }
0x11e: {  	_ =	swait.ge [sflag:s3], $0x8000  }
0x11f: {  	[sflag:s3] =	ssyncset.done $0x0  }
0x120: {  	[sflag:s3] =	ssyncadd.s32 $0xFFFF8000  }
0x121: {  	_ =	swait.ge [sflag:s3], $0x8000  }
0x122: {  	[sflag:s3] =	ssyncset.done $0x0  }
0x123: {  	s4 =	smov.u32 s5;
	s5 =	smov.u32 s6;
	[sflag:s3] =	ssyncadd.s32 $0xFFFF8000  }
0x124: {  	s6 =	smov.u32 s7;
	s7 =	smov.u32 s8;
	_ =	swait.ge [sflag:s3], $0x8000  }
0x125: {  	s8 =	smov.u32 s9;
	s9 =	smov.u32 s10;
	[sflag:s3] =	ssyncset.done $0x0  }
0x126: {  	s10 =	smov.u32 s11;
	s11 =	smov.u32 s13;
	[sflag:s3] =	ssyncadd.s32 $0xFFFF8000  }
0x127: {  	s13 =	smov.u32 s15;
	s15 =	smov.u32 s16;
	_ =	swait.ge [sflag:s3], $0x8000  }
0x128: {  	s16 =	smov.u32 s17;
	s17 =	smov.u32 s18;
	[sflag:s3] =	ssyncset.done $0x0  }
0x129: {  	s18 =	smov.u32 s19;
	s19 =	smov.u32 s20;
	[sflag:s3] =	ssyncadd.s32 $0xFFFF8000  }
0x12a: {  	[tilespmem:s2], [sflag:$0x1] =	stream.linear.gather [hbm4b:s31+s2], $0x8000, $0x38;
	[tilespmem:$0x10000] =	vst v63  }
0x12b: {  	s20 =	smov.u32 s21;
	s21 =	smov.u32 s22;
	_ =	swait.ge [sflag:s14], $0x8000  }
0x12c: {  	s22 =	smov.u32 s23;
	s23 =	smov.u32 s24;
	[sflag:s14] =	ssyncset.done $0x0  }
0x12d: {  	s24 =	smov.u32 s25;
	s25 =	smov.u32 s26;
	[sflag:s14] =	ssyncadd.s32 $0xFFFF8000  }
0x12e: {  	[hbm4b:s25+s2] =	stream.linear.scatter [tilespmem:s12], [sflag:$0x2], $0x8000, $0x38;
	[tilespmem:$0x10000] =	vst v63  }
0x12f: {  	s26 =	smov.u32 s28  }
0x130: {  	[hbm4b:s26+s2] =	stream.linear.scatter [tilespmem:s12], [sflag:$0x2], $0x8000, $0x38;
	[tilespmem:$0x10000] =	vst v63  }
0x131: {  	s28 =	smov.u32 s29  }
0x132: {  	[hbm4b:s28+s2] =	stream.linear.scatter [tilespmem:s12], [sflag:$0x2], $0x8000, $0x38;
	[tilespmem:$0x10000] =	vst v63  }
0x133: {  	s29 =	smov.u32 s30  }
0x134: {  	[hbm4b:s29+s2] =	stream.linear.scatter [tilespmem:s12], [sflag:$0x2], $0x8000, $0x38;
	[tilespmem:$0x10000] =	vst v63  }
0x135: {  	_ =	swait.ge [sflag:s3], $0x8000  }
0x136: {  	[sflag:s3] =	ssyncset.done $0x0  }
0x137: {  	[sflag:s3] =	ssyncadd.s32 $0xFFFF8000  }
0x138: {  	_ =	swait.ge [sflag:s3], $0x8000  }
0x139: {  	[sflag:s3] =	ssyncset.done $0x0  }
0x13a: {  	[sflag:s3] =	ssyncadd.s32 $0xFFFF8000  }
0x13b: {  	_ =	swait.ge [sflag:s3], $0x8000  }
0x13c: {  	[sflag:s3] =	ssyncset.done $0x0  }
0x13d: {  	[sflag:s3] =	ssyncadd.s32 $0xFFFF8000  }
0x13e: {  	_ =	swait.ge [sflag:s3], $0x8000  }
0x13f: {  	[sflag:s3] =	ssyncset.done $0x0  }
0x140: {  	[sflag:s3] =	ssyncadd.s32 $0xFFFF8000  }
0x141: {  	[tilespmem:s12], [sflag:$0x1] =	stream.linear.gather [hbm4b:s24+s2], $0x8000, $0x38;
	[tilespmem:$0x10000] =	vst v63  }
0x142: {  	_ =	swait.ge [sflag:s14], $0x8000  }
0x143: {  	[sflag:s14] =	ssyncset.done $0x0  }
0x144: {  	[sflag:s14] =	ssyncadd.s32 $0xFFFF8000  }
0x145: {  	[hbm4b:s20+s2] =	stream.linear.scatter [tilespmem:s2], [sflag:$0x2], $0x8000, $0x38;
	[tilespmem:$0x10000] =	vst v63  }
0x146: {  	_ = 	snop  }
0x147: {  	[hbm4b:s21+s2] =	stream.linear.scatter [tilespmem:s2], [sflag:$0x2], $0x8000, $0x38;
	[tilespmem:$0x10000] =	vst v63  }
0x148: {  	_ = 	snop  }
0x149: {  	[hbm4b:s22+s2] =	stream.linear.scatter [tilespmem:s2], [sflag:$0x2], $0x8000, $0x38;
	[tilespmem:$0x10000] =	vst v63  }
0x14a: {  	_ = 	snop  }
0x14b: {  	[hbm4b:s23+s2] =	stream.linear.scatter [tilespmem:s2], [sflag:$0x2], $0x8000, $0x38;
	[tilespmem:$0x10000] =	vst v63  }
0x14c: {  	_ =	swait.ge [sflag:s3], $0x8000  }
0x14d: {  	[sflag:s3] =	ssyncset.done $0x0  }
0x14e: {  	[sflag:s3] =	ssyncadd.s32 $0xFFFF8000  }
0x14f: {  	_ =	swait.ge [sflag:s3], $0x8000  }
0x150: {  	[sflag:s3] =	ssyncset.done $0x0  }
0x151: {  	[sflag:s3] =	ssyncadd.s32 $0xFFFF8000  }
0x152: {  	_ =	swait.ge [sflag:s3], $0x8000  }
0x153: {  	[sflag:s3] =	ssyncset.done $0x0  }
0x154: {  	[sflag:s3] =	ssyncadd.s32 $0xFFFF8000  }
0x155: {  	_ =	swait.ge [sflag:s3], $0x8000  }
0x156: {  	[sflag:s3] =	ssyncset.done $0x0  }
0x157: {  	[sflag:s3] =	ssyncadd.s32 $0xFFFF8000  }
0x158: {  	[tilespmem:s2], [sflag:$0x1] =	stream.linear.gather [hbm4b:s19+s2], $0x8000, $0x38;
	[tilespmem:$0x10000] =	vst v63  }
0x159: {  	_ =	swait.ge [sflag:s14], $0x8000  }
0x15a: {  	[sflag:s14] =	ssyncset.done $0x0  }
0x15b: {  	[sflag:s14] =	ssyncadd.s32 $0xFFFF8000  }
0x15c: {  	[hbm4b:s15+s2] =	stream.linear.scatter [tilespmem:s12], [sflag:$0x2], $0x8000, $0x38;
	[tilespmem:$0x10000] =	vst v63  }
0x15d: {  	_ = 	snop  }
0x15e: {  	[hbm4b:s16+s2] =	stream.linear.scatter [tilespmem:s12], [sflag:$0x2], $0x8000, $0x38;
	[tilespmem:$0x10000] =	vst v63  }
0x15f: {  	_ = 	snop  }
0x160: {  	[hbm4b:s17+s2] =	stream.linear.scatter [tilespmem:s12], [sflag:$0x2], $0x8000, $0x38;
	[tilespmem:$0x10000] =	vst v63  }
0x161: {  	_ = 	snop  }
0x162: {  	[hbm4b:s18+s2] =	stream.linear.scatter [tilespmem:s12], [sflag:$0x2], $0x8000, $0x38;
	[tilespmem:$0x10000] =	vst v63  }
0x163: {  	_ =	swait.ge [sflag:s3], $0x8000  }
0x164: {  	[sflag:s3] =	ssyncset.done $0x0  }
0x165: {  	[sflag:s3] =	ssyncadd.s32 $0xFFFF8000  }
0x166: {  	_ =	swait.ge [sflag:s3], $0x8000  }
0x167: {  	[sflag:s3] =	ssyncset.done $0x0  }
0x168: {  	[sflag:s3] =	ssyncadd.s32 $0xFFFF8000  }
0x169: {  	_ =	swait.ge [sflag:s3], $0x8000  }
0x16a: {  	[sflag:s3] =	ssyncset.done $0x0  }
0x16b: {  	[sflag:s3] =	ssyncadd.s32 $0xFFFF8000  }
0x16c: {  	_ =	swait.ge [sflag:s3], $0x8000  }
0x16d: {  	[sflag:s3] =	ssyncset.done $0x0  }
0x16e: {  	[sflag:s3] =	ssyncadd.s32 $0xFFFF8000  }
0x16f: {  	[tilespmem:s12], [sflag:$0x1] =	stream.linear.gather [hbm4b:s13+s2], $0x8000, $0x38;
	[tilespmem:$0x10000] =	vst v63  }
0x170: {  	_ =	swait.ge [sflag:s14], $0x8000  }
0x171: {  	[sflag:s14] =	ssyncset.done $0x0  }
0x172: {  	[sflag:s14] =	ssyncadd.s32 $0xFFFF8000  }
0x173: {  	[hbm4b:s5+s2] =	stream.linear.scatter [tilespmem:s2], [sflag:$0x2], $0x8000, $0x38;
	[tilespmem:$0x10000] =	vst v63  }
0x174: {  	_ = 	snop  }
0x175: {  	[hbm4b:s6+s2] =	stream.linear.scatter [tilespmem:s2], [sflag:$0x2], $0x8000, $0x38;
	[tilespmem:$0x10000] =	vst v63  }
0x176: {  	_ = 	snop  }
0x177: {  	[hbm4b:s7+s2] =	stream.linear.scatter [tilespmem:s2], [sflag:$0x2], $0x8000, $0x38;
	[tilespmem:$0x10000] =	vst v63  }
0x178: {  	_ = 	snop  }
0x179: {  	[hbm4b:s11+s2] =	stream.linear.scatter [tilespmem:s2], [sflag:$0x2], $0x8000, $0x38;
	[tilespmem:$0x10000] =	vst v63  }
0x17a: {  	_ =	swait.ge [sflag:s14], $0x8000  }
0x17b: {  	[sflag:s14] =	ssyncset.done $0x0  }
0x17c: {  	[sflag:s14] =	ssyncadd.s32 $0xFFFF8000  }
0x17d: {  	[hbm4b:s4+s2] =	stream.linear.scatter [tilespmem:s12], [sflag:$0x2], $0x8000, $0x38;
	[tilespmem:$0x10000] =	vst v63  }
0x17e: {  	_ = 	snop  }
0x17f: {  	[hbm4b:s8+s2] =	stream.linear.scatter [tilespmem:s12], [sflag:$0x2], $0x8000, $0x38;
	[tilespmem:$0x10000] =	vst v63  }
0x180: {  	_ = 	snop  }
0x181: {  	[hbm4b:s9+s2] =	stream.linear.scatter [tilespmem:s12], [sflag:$0x2], $0x8000, $0x38;
	[tilespmem:$0x10000] =	vst v63  }
0x182: {  	_ = 	snop  }
0x183: {  	[hbm4b:s10+s2] =	stream.linear.scatter [tilespmem:s12], [sflag:$0x2], $0x8000, $0x38;
	[tilespmem:$0x10000] =	vst v63  }
0x184: {  	_ =	swait.ge [sflag:s3], $0x8000  }
0x185: {  	[sflag:s3] =	ssyncset.done $0x0  }
0x186: {  	[sflag:s3] =	ssyncadd.s32 $0xFFFF8000  }
0x187: {  	_ =	swait.ge [sflag:s3], $0x8000  }
0x188: {  	[sflag:s3] =	ssyncset.done $0x0  }
0x189: {  	[sflag:s3] =	ssyncadd.s32 $0xFFFF8000  }
0x18a: {  	_ =	swait.ge [sflag:s3], $0x8000  }
0x18b: {  	[sflag:s3] =	ssyncset.done $0x0  }
0x18c: {  	[sflag:s3] =	ssyncadd.s32 $0xFFFF8000  }
0x18d: {  	_ =	swait.ge [sflag:s3], $0x8000  }
0x18e: {  	[sflag:s3] =	ssyncset.done $0x0  }
0x18f: {  	[sflag:s3] =	ssyncadd.s32 $0xFFFF8000  }
0x190: {  	_ =	swait.ge [sflag:s3], $0x8000  }
0x191: {  	[sflag:s3] =	ssyncset.done $0x0  }
0x192: {  	[sflag:s3] =	ssyncadd.s32 $0xFFFF8000  }
0x193: {  	_ =	swait.ge [sflag:s3], $0x8000  }
0x194: {  	[sflag:s3] =	ssyncset.done $0x0  }
0x195: {  	p1 =	sne.s32 s0, $0x1;
	[sflag:s3] =	ssyncadd.s32 $0xFFFF8000  }
.Ltmp2:
0x196: {  	_ =	swait.ge [sflag:s3], $0x8000;
	(pc) =	sbr.rel @p1 .LBB2_3-.Ltmp2, $4  }
0x197: {  	[sflag:s3] =	ssyncset.done $0x0  }
0x198: {  	[sflag:s3] =	ssyncadd.s32 $0xFFFF8000  }
0x199: {  	s0 =	sadd.s32 $0xFFFFFFFF, s0;
	_ =	swait.ge [sflag:s3], $0x8000  }
0x19a: {  	s30 =	smov.u32 s31;
	s1 =	rddreg [dreg:$0x3];
	[sflag:s3] =	ssyncset.done $0x0  }
0x19b: {  	s31 =	rddreg [dreg:$0x12]  }
.LBB2_5:
0x19c: {  	[sflag:s3] =	ssyncadd.s32 @p0 $0xFFFF8000  }
0x19d: {  	[tilespmem:s2], [sflag:$0x1] =	stream.linear.gather [hbm4b:s1+s2], $0x8000, $0x38;
	[tilespmem:$0x10000] =	vst v63  }
0x19e: {  	s0 =	rddreg [dreg:$0x4]  }
0x19f: {  	[tilespmem:s12], [sflag:$0x1] =	stream.linear.gather [hbm4b:s0+s2], $0x8000, $0x38;
	[tilespmem:$0x10000] =	vst v63  }
0x1a0: {  	_ =	swait.ge [sflag:s14], $0x8000  }
0x1a1: {  	[sflag:s14] =	ssyncset.done $0x0  }
0x1a2: {  	[sflag:s14] =	ssyncadd.s32 $0xFFFF8000  }
0x1a3: {  	[hbm4b:s31+s2] =	stream.linear.scatter [tilespmem:s2], [sflag:$0x2], $0x8000, $0x38;
	[tilespmem:$0x10000] =	vst v63  }
0x1a4: {  	s0 =	rddreg [dreg:$0x5]  }
0x1a5: {  	[hbm4b:s0+s2] =	stream.linear.scatter [tilespmem:s2], [sflag:$0x2], $0x8000, $0x38;
	[tilespmem:$0x10000] =	vst v63  }
0x1a6: {  	s1 =	rddreg [dreg:$0x6]  }
0x1a7: {  	[hbm4b:s1+s2] =	stream.linear.scatter [tilespmem:s2], [sflag:$0x2], $0x8000, $0x38;
	[tilespmem:$0x10000] =	vst v63  }
0x1a8: {  	s31 =	rddreg [dreg:$0x7]  }
0x1a9: {  	[hbm4b:s31+s2] =	stream.linear.scatter [tilespmem:s2], [sflag:$0x2], $0x8000, $0x38;
	[tilespmem:$0x10000] =	vst v63  }
0x1aa: {  	_ =	swait.ge [sflag:s3], $0x8000  }
0x1ab: {  	[sflag:s3] =	ssyncset.done $0x0  }
0x1ac: {  	[sflag:s3] =	ssyncadd.s32 $0xFFFF8000  }
0x1ad: {  	_ =	swait.ge [sflag:s3], $0x8000  }
0x1ae: {  	[sflag:s3] =	ssyncset.done $0x0  }
0x1af: {  	[sflag:s3] =	ssyncadd.s32 $0xFFFF8000  }
0x1b0: {  	_ =	swait.ge [sflag:s3], $0x8000  }
0x1b1: {  	[sflag:s3] =	ssyncset.done $0x0  }
0x1b2: {  	[sflag:s3] =	ssyncadd.s32 $0xFFFF8000  }
0x1b3: {  	_ =	swait.ge [sflag:s3], $0x8000  }
0x1b4: {  	[sflag:s3] =	ssyncset.done $0x0  }
0x1b5: {  	s31 =	rddreg [dreg:$0x8];
	[sflag:s3] =	ssyncadd.s32 $0xFFFF8000  }
0x1b6: {  	[tilespmem:s2], [sflag:$0x1] =	stream.linear.gather [hbm4b:s31+s2], $0x8000, $0x38;
	[tilespmem:$0x10000] =	vst v63  }
0x1b7: {  	_ =	swait.ge [sflag:s14], $0x8000  }
0x1b8: {  	[sflag:s14] =	ssyncset.done $0x0  }
0x1b9: {  	s1 =	rddreg [dreg:$0x9];
	[sflag:s14] =	ssyncadd.s32 $0xFFFF8000  }
0x1ba: {  	[hbm4b:s1+s2] =	stream.linear.scatter [tilespmem:s12], [sflag:$0x2], $0x8000, $0x38;
	[tilespmem:$0x10000] =	vst v63  }
0x1bb: {  	s31 =	rddreg [dreg:$0xa]  }
0x1bc: {  	[hbm4b:s31+s2] =	stream.linear.scatter [tilespmem:s12], [sflag:$0x2], $0x8000, $0x38;
	[tilespmem:$0x10000] =	vst v63  }
0x1bd: {  	s0 =	rddreg [dreg:$0xb]  }
0x1be: {  	[hbm4b:s0+s2] =	stream.linear.scatter [tilespmem:s12], [sflag:$0x2], $0x8000, $0x38;
	[tilespmem:$0x10000] =	vst v63  }
0x1bf: {  	s31 =	rddreg [dreg:$0xc]  }
0x1c0: {  	[hbm4b:s31+s2] =	stream.linear.scatter [tilespmem:s12], [sflag:$0x2], $0x8000, $0x38;
	[tilespmem:$0x10000] =	vst v63  }
0x1c1: {  	_ =	swait.ge [sflag:s3], $0x8000  }
0x1c2: {  	[sflag:s3] =	ssyncset.done $0x0  }
0x1c3: {  	[sflag:s3] =	ssyncadd.s32 $0xFFFF8000  }
0x1c4: {  	_ =	swait.ge [sflag:s3], $0x8000  }
0x1c5: {  	[sflag:s3] =	ssyncset.done $0x0  }
0x1c6: {  	[sflag:s3] =	ssyncadd.s32 $0xFFFF8000  }
0x1c7: {  	_ =	swait.ge [sflag:s3], $0x8000  }
0x1c8: {  	[sflag:s3] =	ssyncset.done $0x0  }
0x1c9: {  	[sflag:s3] =	ssyncadd.s32 $0xFFFF8000  }
0x1ca: {  	_ =	swait.ge [sflag:s3], $0x8000  }
0x1cb: {  	[sflag:s3] =	ssyncset.done $0x0  }
0x1cc: {  	s31 =	rddreg [dreg:$0xd];
	[sflag:s3] =	ssyncadd.s32 $0xFFFF8000  }
0x1cd: {  	[tilespmem:s12], [sflag:$0x1] =	stream.linear.gather [hbm4b:s31+s2], $0x8000, $0x38;
	[tilespmem:$0x10000] =	vst v63  }
0x1ce: {  	_ =	swait.ge [sflag:s14], $0x8000  }
0x1cf: {  	[sflag:s14] =	ssyncset.done $0x0  }
0x1d0: {  	s1 =	rddreg [dreg:$0xe];
	[sflag:s14] =	ssyncadd.s32 $0xFFFF8000  }
0x1d1: {  	[hbm4b:s1+s2] =	stream.linear.scatter [tilespmem:s2], [sflag:$0x2], $0x8000, $0x38;
	[tilespmem:$0x10000] =	vst v63  }
0x1d2: {  	s31 =	rddreg [dreg:$0xf]  }
0x1d3: {  	[hbm4b:s31+s2] =	stream.linear.scatter [tilespmem:s2], [sflag:$0x2], $0x8000, $0x38;
	[tilespmem:$0x10000] =	vst v63  }
0x1d4: {  	s0 =	rddreg [dreg:$0x10]  }
0x1d5: {  	[hbm4b:s0+s2] =	stream.linear.scatter [tilespmem:s2], [sflag:$0x2], $0x8000, $0x38;
	[tilespmem:$0x10000] =	vst v63  }
0x1d6: {  	s31 =	rddreg [dreg:$0x11]  }
0x1d7: {  	[hbm4b:s31+s2] =	stream.linear.scatter [tilespmem:s2], [sflag:$0x2], $0x8000, $0x38;
	[tilespmem:$0x10000] =	vst v63  }
0x1d8: {  	_ =	swait.ge [sflag:s3], $0x8000  }
0x1d9: {  	[sflag:s3] =	ssyncset.done $0x0  }
0x1da: {  	[sflag:s3] =	ssyncadd.s32 $0xFFFF8000  }
0x1db: {  	_ =	swait.ge [sflag:s3], $0x8000  }
0x1dc: {  	[sflag:s3] =	ssyncset.done $0x0  }
0x1dd: {  	[sflag:s3] =	ssyncadd.s32 $0xFFFF8000  }
0x1de: {  	_ =	swait.ge [sflag:s3], $0x8000  }
0x1df: {  	[sflag:s3] =	ssyncset.done $0x0  }
0x1e0: {  	[sflag:s3] =	ssyncadd.s32 $0xFFFF8000  }
0x1e1: {  	_ =	swait.ge [sflag:s3], $0x8000  }
0x1e2: {  	[sflag:s3] =	ssyncset.done $0x0  }
0x1e3: {  	[sflag:s3] =	ssyncadd.s32 $0xFFFF8000  }
0x1e4: {  	[tilespmem:s2], [sflag:$0x1] =	stream.linear.gather [hbm4b:s30+s2], $0x8000, $0x38;
	[tilespmem:$0x10000] =	vst v63  }
0x1e5: {  	_ =	swait.ge [sflag:s14], $0x8000  }
0x1e6: {  	[sflag:s14] =	ssyncset.done $0x0  }
0x1e7: {  	[sflag:s14] =	ssyncadd.s32 $0xFFFF8000  }
0x1e8: {  	[hbm4b:s25+s2] =	stream.linear.scatter [tilespmem:s12], [sflag:$0x2], $0x8000, $0x38;
	[tilespmem:$0x10000] =	vst v63  }
0x1e9: {  	_ = 	snop  }
0x1ea: {  	[hbm4b:s26+s2] =	stream.linear.scatter [tilespmem:s12], [sflag:$0x2], $0x8000, $0x38;
	[tilespmem:$0x10000] =	vst v63  }
0x1eb: {  	_ = 	snop  }
0x1ec: {  	[hbm4b:s28+s2] =	stream.linear.scatter [tilespmem:s12], [sflag:$0x2], $0x8000, $0x38;
	[tilespmem:$0x10000] =	vst v63  }
0x1ed: {  	_ = 	snop  }
0x1ee: {  	[hbm4b:s29+s2] =	stream.linear.scatter [tilespmem:s12], [sflag:$0x2], $0x8000, $0x38;
	[tilespmem:$0x10000] =	vst v63  }
0x1ef: {  	_ =	swait.ge [sflag:s3], $0x8000  }
0x1f0: {  	[sflag:s3] =	ssyncset.done $0x0  }
0x1f1: {  	[sflag:s3] =	ssyncadd.s32 $0xFFFF8000  }
0x1f2: {  	_ =	swait.ge [sflag:s3], $0x8000  }
0x1f3: {  	[sflag:s3] =	ssyncset.done $0x0  }
0x1f4: {  	[sflag:s3] =	ssyncadd.s32 $0xFFFF8000  }
0x1f5: {  	_ =	swait.ge [sflag:s3], $0x8000  }
0x1f6: {  	[sflag:s3] =	ssyncset.done $0x0  }
0x1f7: {  	[sflag:s3] =	ssyncadd.s32 $0xFFFF8000  }
0x1f8: {  	_ =	swait.ge [sflag:s3], $0x8000  }
0x1f9: {  	[sflag:s3] =	ssyncset.done $0x0  }
0x1fa: {  	[sflag:s3] =	ssyncadd.s32 $0xFFFF8000  }
0x1fb: {  	[tilespmem:s12], [sflag:$0x1] =	stream.linear.gather [hbm4b:s24+s2], $0x8000, $0x38;
	[tilespmem:$0x10000] =	vst v63  }
0x1fc: {  	_ =	swait.ge [sflag:s14], $0x8000  }
0x1fd: {  	[sflag:s14] =	ssyncset.done $0x0  }
0x1fe: {  	[sflag:s14] =	ssyncadd.s32 $0xFFFF8000  }
0x1ff: {  	[hbm4b:s20+s2] =	stream.linear.scatter [tilespmem:s2], [sflag:$0x2], $0x8000, $0x38;
	[tilespmem:$0x10000] =	vst v63  }
0x200: {  	_ = 	snop  }
0x201: {  	[hbm4b:s21+s2] =	stream.linear.scatter [tilespmem:s2], [sflag:$0x2], $0x8000, $0x38;
	[tilespmem:$0x10000] =	vst v63  }
0x202: {  	_ = 	snop  }
0x203: {  	[hbm4b:s22+s2] =	stream.linear.scatter [tilespmem:s2], [sflag:$0x2], $0x8000, $0x38;
	[tilespmem:$0x10000] =	vst v63  }
0x204: {  	_ = 	snop  }
0x205: {  	[hbm4b:s23+s2] =	stream.linear.scatter [tilespmem:s2], [sflag:$0x2], $0x8000, $0x38;
	[tilespmem:$0x10000] =	vst v63  }
0x206: {  	_ =	swait.ge [sflag:s3], $0x8000  }
0x207: {  	[sflag:s3] =	ssyncset.done $0x0  }
0x208: {  	[sflag:s3] =	ssyncadd.s32 $0xFFFF8000  }
0x209: {  	_ =	swait.ge [sflag:s3], $0x8000  }
0x20a: {  	[sflag:s3] =	ssyncset.done $0x0  }
0x20b: {  	[sflag:s3] =	ssyncadd.s32 $0xFFFF8000  }
0x20c: {  	_ =	swait.ge [sflag:s3], $0x8000  }
0x20d: {  	[sflag:s3] =	ssyncset.done $0x0  }
0x20e: {  	[sflag:s3] =	ssyncadd.s32 $0xFFFF8000  }
0x20f: {  	_ =	swait.ge [sflag:s3], $0x8000  }
0x210: {  	[sflag:s3] =	ssyncset.done $0x0  }
0x211: {  	[sflag:s3] =	ssyncadd.s32 $0xFFFF8000  }
0x212: {  	[tilespmem:s2], [sflag:$0x1] =	stream.linear.gather [hbm4b:s19+s2], $0x8000, $0x38;
	[tilespmem:$0x10000] =	vst v63  }
0x213: {  	_ =	swait.ge [sflag:s14], $0x8000  }
0x214: {  	[sflag:s14] =	ssyncset.done $0x0  }
0x215: {  	[sflag:s14] =	ssyncadd.s32 $0xFFFF8000  }
0x216: {  	[hbm4b:s15+s2] =	stream.linear.scatter [tilespmem:s12], [sflag:$0x2], $0x8000, $0x38;
	[tilespmem:$0x10000] =	vst v63  }
0x217: {  	_ = 	snop  }
0x218: {  	[hbm4b:s16+s2] =	stream.linear.scatter [tilespmem:s12], [sflag:$0x2], $0x8000, $0x38;
	[tilespmem:$0x10000] =	vst v63  }
0x219: {  	_ = 	snop  }
0x21a: {  	[hbm4b:s17+s2] =	stream.linear.scatter [tilespmem:s12], [sflag:$0x2], $0x8000, $0x38;
	[tilespmem:$0x10000] =	vst v63  }
0x21b: {  	_ = 	snop  }
0x21c: {  	[hbm4b:s18+s2] =	stream.linear.scatter [tilespmem:s12], [sflag:$0x2], $0x8000, $0x38;
	[tilespmem:$0x10000] =	vst v63  }
0x21d: {  	_ =	swait.ge [sflag:s3], $0x8000  }
0x21e: {  	[sflag:s3] =	ssyncset.done $0x0  }
0x21f: {  	[sflag:s3] =	ssyncadd.s32 $0xFFFF8000  }
0x220: {  	_ =	swait.ge [sflag:s3], $0x8000  }
0x221: {  	[sflag:s3] =	ssyncset.done $0x0  }
0x222: {  	[sflag:s3] =	ssyncadd.s32 $0xFFFF8000  }
0x223: {  	_ =	swait.ge [sflag:s3], $0x8000  }
0x224: {  	[sflag:s3] =	ssyncset.done $0x0  }
0x225: {  	[sflag:s3] =	ssyncadd.s32 $0xFFFF8000  }
0x226: {  	_ =	swait.ge [sflag:s3], $0x8000  }
0x227: {  	[sflag:s3] =	ssyncset.done $0x0  }
0x228: {  	[sflag:s3] =	ssyncadd.s32 $0xFFFF8000  }
0x229: {  	[tilespmem:s12], [sflag:$0x1] =	stream.linear.gather [hbm4b:s13+s2], $0x8000, $0x38;
	[tilespmem:$0x10000] =	vst v63  }
0x22a: {  	_ =	swait.ge [sflag:s14], $0x8000  }
0x22b: {  	[sflag:s14] =	ssyncset.done $0x0  }
0x22c: {  	[sflag:s14] =	ssyncadd.s32 $0xFFFF8000  }
0x22d: {  	[hbm4b:s5+s2] =	stream.linear.scatter [tilespmem:s2], [sflag:$0x2], $0x8000, $0x38;
	[tilespmem:$0x10000] =	vst v63  }
0x22e: {  	_ = 	snop  }
0x22f: {  	[hbm4b:s6+s2] =	stream.linear.scatter [tilespmem:s2], [sflag:$0x2], $0x8000, $0x38;
	[tilespmem:$0x10000] =	vst v63  }
0x230: {  	_ = 	snop  }
0x231: {  	[hbm4b:s7+s2] =	stream.linear.scatter [tilespmem:s2], [sflag:$0x2], $0x8000, $0x38;
	[tilespmem:$0x10000] =	vst v63  }
0x232: {  	_ = 	snop  }
0x233: {  	[hbm4b:s11+s2] =	stream.linear.scatter [tilespmem:s2], [sflag:$0x2], $0x8000, $0x38;
	[tilespmem:$0x10000] =	vst v63  }
0x234: {  	_ =	swait.ge [sflag:s14], $0x8000  }
0x235: {  	[sflag:s14] =	ssyncset.done $0x0  }
0x236: {  	[sflag:s14] =	ssyncadd.s32 $0xFFFF8000  }
0x237: {  	[hbm4b:s4+s2] =	stream.linear.scatter [tilespmem:s12], [sflag:$0x2], $0x8000, $0x38;
	[tilespmem:$0x10000] =	vst v63  }
0x238: {  	_ = 	snop  }
0x239: {  	[hbm4b:s8+s2] =	stream.linear.scatter [tilespmem:s12], [sflag:$0x2], $0x8000, $0x38;
	[tilespmem:$0x10000] =	vst v63  }
0x23a: {  	_ = 	snop  }
0x23b: {  	[hbm4b:s9+s2] =	stream.linear.scatter [tilespmem:s12], [sflag:$0x2], $0x8000, $0x38;
	[tilespmem:$0x10000] =	vst v63  }
0x23c: {  	_ = 	snop  }
0x23d: {  	[hbm4b:s10+s2] =	stream.linear.scatter [tilespmem:s12], [sflag:$0x2], $0x8000, $0x38;
	[tilespmem:$0x10000] =	vst v63  }
0x23e: {  	_ =	swait.ge [sflag:s3], $0x8000  }
0x23f: {  	[sflag:s3] =	ssyncset.done $0x0  }
0x240: {  	[sflag:s3] =	ssyncadd.s32 $0xFFFF8000  }
0x241: {  	_ =	swait.ge [sflag:s3], $0x8000  }
0x242: {  	[sflag:s3] =	ssyncset.done $0x0  }
0x243: {  	[sflag:s3] =	ssyncadd.s32 $0xFFFF8000  }
0x244: {  	_ =	swait.ge [sflag:s3], $0x8000  }
0x245: {  	[sflag:s3] =	ssyncset.done $0x0  }
0x246: {  	[sflag:s3] =	ssyncadd.s32 $0xFFFF8000  }
0x247: {  	_ =	swait.ge [sflag:s3], $0x8000  }
0x248: {  	[sflag:s3] =	ssyncset.done $0x0  }
0x249: {  	[sflag:s3] =	ssyncadd.s32 $0xFFFF8000  }
0x24a: {  	_ =	swait.ge [sflag:s3], $0x8000  }
0x24b: {  	[sflag:s3] =	ssyncset.done $0x0  }
0x24c: {  	[sflag:s3] =	ssyncadd.s32 $0xFFFF8000  }
0x24d: {  	_ =	swait.ge [sflag:s3], $0x8000  }
0x24e: {  	[sflag:s3] =	ssyncset.done $0x0  }
0x24f: {  	[sflag:s3] =	ssyncadd.s32 $0xFFFF8000  }
0x250: {  	_ =	swait.ge [sflag:s3], $0x8000  }
0x251: {  	[sflag:s3] =	ssyncset.done $0x0  }
0x252: {  	[sflag:s3] =	ssyncadd.s32 $0xFFFF8000  }
0x253: {  	_ =	swait.ge [sflag:s3], $0x8000  }
0x254: {  	[sflag:s3] =	ssyncset.done $0x0  }
0x255: {  	[sflag:s3] =	ssyncadd.s32 $0xFFFF8000  }
0x256: {  	_ =	sfence.sel $0x180000  }
0x257: {  	[bflag:$0x0] =	sbarrier.arrive $0xFFFF  }
0x258: {  	_ =	strace $0x90000047  }
0x259: {  	s31 =	stileid.u32;
	[bflag:$0x2] =	sbarrier.arrive $0xFFFF  }
0x25a: {  	p0 =	sne.s32 s31, $0x0;
	s0 =	rddreg [dreg:$0x2]  }
0x25b: {  	s0 =	sadd.s32 @!p0 $0x100000, s0  }
0x25c: {  	[sflag:s0] =	ssyncadd.tile.s32 @!p0 $0x1;
	_ =	shalt  }
.LBB2_2:
.Ltmp3:
0x25d: {  	(pc) =	sbr.rel .LBB2_5-.Ltmp3, $2  }
0x25e: {  	_ =	sdelay $0x2  }
0x25f: {  	s31 =	rddreg [dreg:$0x12]  }
.Lfunc_end2:
_tile_overlayer_lowered:
.L_overlay_start_2:
0x260: {  	(tag) =	ssettag $0x2  }
0x261: {  	s0 =	rddreg [dreg:$0x0];
	s2 =	stileid.u32  }
0x262: {  	s1 =	rddreg [dreg:$0x1];
	p0 =	sne.s32 s2, $0x0  }
0x263: {  	s3 =	rddreg [dreg:$0x2];
	[bflag:$0x3] =	sbarrier.arrive $0xFFFF;
	s2 =	simm.s32 @!p0 $0x1C03  }
0x264: {  	[timem:s3], [sflag:s2] =	dma.local @!p0 [hbm:s0], s1  }
0x265: {  	s0 =	simm.s32 @!p0 $0x3  }
0x266: {  	_ =	swait.ge @!p0 [sflag:s0], s1  }
0x267: {  	s1 =	ssub.s32 @!p0 $0x0, s1;
	[sflag:s0] =	ssyncset.done @!p0 $0x0  }
0x268: {  	[sflag:s0] =	ssyncadd.s32 @!p0 s1  }
0x269: {  	[bflag:$0x3] =	sbarrier.arrive $0xFFFF  }
0x26a: {  	_ =	shalt  }

</sc_bundles>
